<compile_context>
chip_gen: v7x
topology: tpu7x:2x2x1
jax: 0.10.2.dev20260603
libtpu: 0.0.44.dev20260713+nightly
codegen_flags: <defaults>
</compile_context>

<pallas_src>
import functools

import jax
import jax.numpy as jnp
from jax import lax
from jax.experimental import pallas as pl
from jax.experimental.pallas import tpu as pltpu
from jax.experimental.pallas import tpu_sc as plsc

_ROWS = 16384
_D = 2048
_NC = 2
_NS = 16
_NW = _NC * _NS
_RPW = _ROWS // _NW
_CH = 16
_NBUF = 3
_NCH = _RPW // _CH


def _sc_copy(x_hbm, o_hbm, spmem, *sems):
    lsem = sems[:_NBUF]
    ssem = sems[_NBUF:]
    sid = lax.axis_index("s")
    wid = sid * _NC + lax.axis_index("c")
    base = wid * _RPW

    def start_load(i, slot):
        c = pltpu.make_async_copy(
            x_hbm.at[pl.ds(base + i * _CH, _CH)], spmem.at[sid, slot], lsem[slot]
        )
        c.start()
        return c

    def start_store(i, slot):
        c = pltpu.make_async_copy(
            spmem.at[sid, slot], o_hbm.at[pl.ds(base + i * _CH, _CH)], ssem[slot]
        )
        c.start()
        return c

    loads = [None] * _NBUF
    stores = [None] * _NBUF
    for j in range(_NBUF - 1):
        loads[j] = start_load(j, j)
    for i in range(_NCH):
        slot = i % _NBUF
        nxt = i + _NBUF - 1
        if nxt < _NCH:
            nslot = nxt % _NBUF
            if stores[nslot] is not None:
                stores[nslot].wait()
            loads[nslot] = start_load(nxt, nslot)
        loads[slot].wait()
        stores[slot] = start_store(i, slot)
    for j in range(_NBUF):
        stores[j].wait()


_sc_kernel = functools.partial(
    pl.kernel,
    mesh=plsc.VectorSubcoreMesh(core_axis_name="c", subcore_axis_name="s"),
    out_type=jax.ShapeDtypeStruct((_ROWS, _D), jnp.float32),
    scratch_types=(
        [pltpu.VMEM_SHARED((_NS, _NBUF, _CH, _D), jnp.float32)]
        + [pltpu.SemaphoreType.DMA] * (2 * _NBUF)
    ),
)(_sc_copy)


def kernel(x):
    b, s, d = x.shape
    x2 = x.reshape(b * s, d)
    out = _sc_kernel(x2)
    return out.reshape(b, s, d)

# --- scband reference (transcript-rebuilt; emitter-appended) ---
"""Pipeline reference for scband-chain-postprocess-layer-74466142978817 (READ-ONLY COPY).

The authoritative reference and input builder live on the scoring server;
editing this copy changes nothing except your own understanding.
"""

import jax, jax.numpy as jnp
import numpy as np


def setup_inputs(seed: int = 0) -> dict:
    key = jax.random.key(seed)
    x = jax.random.normal(key, (4, 4096, 2048), dtype=jnp.float32)
    return {"x": x}


def reference(x):
    # ChainPostprocessLayer with default ChainInitParams (pre_permute=None):
    # hidden_states_need_permute is False, so forward is the identity.
    # (If pre_permute were provided, it would be x.index_select(1, permute_ids),
    #  i.e. jnp.take(x, permute_ids, axis=1).)
    return x

if __name__ == "__main__":
    import jax
    _d = setup_inputs()
    print(jax.jit(kernel)(*tuple(_d.values())))

</pallas_src>

<mosaic_0001>
#map = affine_map<(d0, d1) -> (0, 0)>
module attributes {stable_mosaic.version = 14 : i64} {
  func.func @_sc_copy(%arg0: i32, %arg1: i32, %arg2: memref<16384x2048xf32, #tpu.memory_space<hbm>>, %arg3: memref<16384x2048xf32, #tpu.memory_space<hbm>>, %arg4: memref<16x3x16x2048xf32, #tpu.memory_space<vmem_shared>>, %arg5: memref<!tpu.dma_semaphore, #tpu.memory_space<semaphore_mem>>, %arg6: memref<!tpu.dma_semaphore, #tpu.memory_space<semaphore_mem>>, %arg7: memref<!tpu.dma_semaphore, #tpu.memory_space<semaphore_mem>>, %arg8: memref<!tpu.dma_semaphore, #tpu.memory_space<semaphore_mem>>, %arg9: memref<!tpu.dma_semaphore, #tpu.memory_space<semaphore_mem>>, %arg10: memref<!tpu.dma_semaphore, #tpu.memory_space<semaphore_mem>>) attributes {dimension_semantics = [#tpu.dimension_semantics<core_parallel>, #tpu.dimension_semantics<subcore_parallel>], iteration_bounds = array<i64: 2, 16>, scalar_prefetch = 0 : i64, scratch_operands = 7 : i64, tpu.core_type = #tpu.core_type<sc_vector_subcore>, window_params = [{transform_indices = #map}, {transform_indices = #map}]} {
    %mul3A = arith.constant 2 : i32
    %mul3A_0 = arith.muli %arg1, %mul3A : i32
    %add3A = arith.addi %mul3A_0, %arg0 : i32
    %mul3A_1 = arith.constant 512 : i32
    %mul3A_2 = arith.muli %add3A, %mul3A_1 : i32
    %add3A_3 = arith.constant 0 : i32
    %add3A_4 = arith.addi %mul3A_2, %add3A_3 : i32
    %dma_start3A = arith.constant 0 : i32
    %dma_start3A_5 = arith.constant 0 : i32
    %dma_start3A_6 = arith.constant 0 : i32
    %dma_start3A_7 = tpu.memref_slice %arg4[%arg1, %dma_start3A, %dma_start3A_5, %dma_start3A_6] : memref<16x3x16x2048xf32, #tpu.memory_space<vmem_shared>> -> memref<1x1x16x2048xf32, #tpu.memory_space<vmem_shared>>
    %dma_start3A_8 = tpu.memref_squeeze %dma_start3A_7 : memref<1x1x16x2048xf32, #tpu.memory_space<vmem_shared>> -> memref<16x2048xf32, #tpu.memory_space<vmem_shared>>
    %dma_start3A_9 = arith.constant 0 : i32
    %dma_start3A_10 = tpu.memref_slice %arg2[%add3A_4, %dma_start3A_9] : memref<16384x2048xf32, #tpu.memory_space<hbm>> -> memref<16x2048xf32, #tpu.memory_space<hbm>>
    tpu.enqueue_dma source(%dma_start3A_10 : memref<16x2048xf32, #tpu.memory_space<hbm>>) target(%dma_start3A_8 : memref<16x2048xf32, #tpu.memory_space<vmem_shared>>) target_semaphore(%arg5 : memref<!tpu.dma_semaphore, #tpu.memory_space<semaphore_mem>>)
    %add3A_11 = arith.constant 16 : i32
    %add3A_12 = arith.addi %mul3A_2, %add3A_11 : i32
    %dma_start3A_13 = arith.constant 1 : i32
    %dma_start3A_14 = arith.constant 0 : i32
    %dma_start3A_15 = arith.constant 0 : i32
    %dma_start3A_16 = tpu.memref_slice %arg4[%arg1, %dma_start3A_13, %dma_start3A_14, %dma_start3A_15] : memref<16x3x16x2048xf32, #tpu.memory_space<vmem_shared>> -> memref<1x1x16x2048xf32, #tpu.memory_space<vmem_shared>>
    %dma_start3A_17 = tpu.memref_squeeze %dma_start3A_16 : memref<1x1x16x2048xf32, #tpu.memory_space<vmem_shared>> -> memref<16x2048xf32, #tpu.memory_space<vmem_shared>>
    %dma_start3A_18 = arith.constant 0 : i32
    %dma_start3A_19 = tpu.memref_slice %arg2[%add3A_12, %dma_start3A_18] : memref<16384x2048xf32, #tpu.memory_space<hbm>> -> memref<16x2048xf32, #tpu.memory_space<hbm>>
    tpu.enqueue_dma source(%dma_start3A_19 : memref<16x2048xf32, #tpu.memory_space<hbm>>) target(%dma_start3A_17 : memref<16x2048xf32, #tpu.memory_space<vmem_shared>>) target_semaphore(%arg6 : memref<!tpu.dma_semaphore, #tpu.memory_space<semaphore_mem>>)
    %add3A_20 = arith.constant 32 : i32
    %add3A_21 = arith.addi %mul3A_2, %add3A_20 : i32
    %dma_start3A_22 = arith.constant 2 : i32
    %dma_start3A_23 = arith.constant 0 : i32
    %dma_start3A_24 = arith.constant 0 : i32
    %dma_start3A_25 = tpu.memref_slice %arg4[%arg1, %dma_start3A_22, %dma_start3A_23, %dma_start3A_24] : memref<16x3x16x2048xf32, #tpu.memory_space<vmem_shared>> -> memref<1x1x16x2048xf32, #tpu.memory_space<vmem_shared>>
    %dma_start3A_26 = tpu.memref_squeeze %dma_start3A_25 : memref<1x1x16x2048xf32, #tpu.memory_space<vmem_shared>> -> memref<16x2048xf32, #tpu.memory_space<vmem_shared>>
    %dma_start3A_27 = arith.constant 0 : i32
    %dma_start3A_28 = tpu.memref_slice %arg2[%add3A_21, %dma_start3A_27] : memref<16384x2048xf32, #tpu.memory_space<hbm>> -> memref<16x2048xf32, #tpu.memory_space<hbm>>
    tpu.enqueue_dma source(%dma_start3A_28 : memref<16x2048xf32, #tpu.memory_space<hbm>>) target(%dma_start3A_26 : memref<16x2048xf32, #tpu.memory_space<vmem_shared>>) target_semaphore(%arg7 : memref<!tpu.dma_semaphore, #tpu.memory_space<semaphore_mem>>)
    %dma_wait3A = arith.constant 0 : i32
    %dma_wait3A_29 = arith.constant 0 : i32
    %dma_wait3A_30 = arith.constant 0 : i32
    %dma_wait3A_31 = tpu.memref_slice %arg4[%arg1, %dma_wait3A, %dma_wait3A_29, %dma_wait3A_30] : memref<16x3x16x2048xf32, #tpu.memory_space<vmem_shared>> -> memref<1x1x16x2048xf32, #tpu.memory_space<vmem_shared>>
    %dma_wait3A_32 = tpu.memref_squeeze %dma_wait3A_31 : memref<1x1x16x2048xf32, #tpu.memory_space<vmem_shared>> -> memref<16x2048xf32, #tpu.memory_space<vmem_shared>>
    %dma_wait3A_33 = arith.constant 0 : i32
    %dma_wait3A_34 = tpu.memref_slice %arg2[%add3A_4, %dma_wait3A_33] : memref<16384x2048xf32, #tpu.memory_space<hbm>> -> memref<16x2048xf32, #tpu.memory_space<hbm>>
    tpu.wait_dma2 semaphore(%arg5 : memref<!tpu.dma_semaphore, #tpu.memory_space<semaphore_mem>>) src(%dma_wait3A_34 : memref<16x2048xf32, #tpu.memory_space<hbm>>) dst(%dma_wait3A_32 : memref<16x2048xf32, #tpu.memory_space<vmem_shared>>)
    %add3A_35 = arith.constant 0 : i32
    %add3A_36 = arith.addi %mul3A_2, %add3A_35 : i32
    %dma_start3A_37 = arith.constant 0 : i32
    %dma_start3A_38 = arith.constant 0 : i32
    %dma_start3A_39 = tpu.memref_slice %arg3[%add3A_36, %dma_start3A_38] : memref<16384x2048xf32, #tpu.memory_space<hbm>> -> memref<16x2048xf32, #tpu.memory_space<hbm>>
    %dma_start3A_40 = arith.constant 0 : i32
    %dma_start3A_41 = arith.constant 0 : i32
    %dma_start3A_42 = tpu.memref_slice %arg4[%arg1, %dma_start3A_37, %dma_start3A_40, %dma_start3A_41] : memref<16x3x16x2048xf32, #tpu.memory_space<vmem_shared>> -> memref<1x1x16x2048xf32, #tpu.memory_space<vmem_shared>>
    %dma_start3A_43 = tpu.memref_squeeze %dma_start3A_42 : memref<1x1x16x2048xf32, #tpu.memory_space<vmem_shared>> -> memref<16x2048xf32, #tpu.memory_space<vmem_shared>>
    tpu.enqueue_dma source(%dma_start3A_43 : memref<16x2048xf32, #tpu.memory_space<vmem_shared>>) target(%dma_start3A_39 : memref<16x2048xf32, #tpu.memory_space<hbm>>) target_semaphore(%arg8 : memref<!tpu.dma_semaphore, #tpu.memory_space<semaphore_mem>>)
    %dma_wait3A_44 = arith.constant 0 : i32
    %dma_wait3A_45 = arith.constant 0 : i32
    %dma_wait3A_46 = tpu.memref_slice %arg3[%add3A_36, %dma_wait3A_45] : memref<16384x2048xf32, #tpu.memory_space<hbm>> -> memref<16x2048xf32, #tpu.memory_space<hbm>>
    %dma_wait3A_47 = arith.constant 0 : i32
    %dma_wait3A_48 = arith.constant 0 : i32
    %dma_wait3A_49 = tpu.memref_slice %arg4[%arg1, %dma_wait3A_44, %dma_wait3A_47, %dma_wait3A_48] : memref<16x3x16x2048xf32, #tpu.memory_space<vmem_shared>> -> memref<1x1x16x2048xf32, #tpu.memory_space<vmem_shared>>
    %dma_wait3A_50 = tpu.memref_squeeze %dma_wait3A_49 : memref<1x1x16x2048xf32, #tpu.memory_space<vmem_shared>> -> memref<16x2048xf32, #tpu.memory_space<vmem_shared>>
    tpu.wait_dma2 semaphore(%arg8 : memref<!tpu.dma_semaphore, #tpu.memory_space<semaphore_mem>>) src(%dma_wait3A_50 : memref<16x2048xf32, #tpu.memory_space<vmem_shared>>) dst(%dma_wait3A_46 : memref<16x2048xf32, #tpu.memory_space<hbm>>)
    %add3A_51 = arith.constant 48 : i32
    %add3A_52 = arith.addi %mul3A_2, %add3A_51 : i32
    %dma_start3A_53 = arith.constant 0 : i32
    %dma_start3A_54 = arith.constant 0 : i32
    %dma_start3A_55 = arith.constant 0 : i32
    %dma_start3A_56 = tpu.memref_slice %arg4[%arg1, %dma_start3A_53, %dma_start3A_54, %dma_start3A_55] : memref<16x3x16x2048xf32, #tpu.memory_space<vmem_shared>> -> memref<1x1x16x2048xf32, #tpu.memory_space<vmem_shared>>
    %dma_start3A_57 = tpu.memref_squeeze %dma_start3A_56 : memref<1x1x16x2048xf32, #tpu.memory_space<vmem_shared>> -> memref<16x2048xf32, #tpu.memory_space<vmem_shared>>
    %dma_start3A_58 = arith.constant 0 : i32
    %dma_start3A_59 = tpu.memref_slice %arg2[%add3A_52, %dma_start3A_58] : memref<16384x2048xf32, #tpu.memory_space<hbm>> -> memref<16x2048xf32, #tpu.memory_space<hbm>>
    tpu.enqueue_dma source(%dma_start3A_59 : memref<16x2048xf32, #tpu.memory_space<hbm>>) target(%dma_start3A_57 : memref<16x2048xf32, #tpu.memory_space<vmem_shared>>) target_semaphore(%arg5 : memref<!tpu.dma_semaphore, #tpu.memory_space<semaphore_mem>>)
    %dma_wait3A_60 = arith.constant 1 : i32
    %dma_wait3A_61 = arith.constant 0 : i32
    %dma_wait3A_62 = arith.constant 0 : i32
    %dma_wait3A_63 = tpu.memref_slice %arg4[%arg1, %dma_wait3A_60, %dma_wait3A_61, %dma_wait3A_62] : memref<16x3x16x2048xf32, #tpu.memory_space<vmem_shared>> -> memref<1x1x16x2048xf32, #tpu.memory_space<vmem_shared>>
    %dma_wait3A_64 = tpu.memref_squeeze %dma_wait3A_63 : memref<1x1x16x2048xf32, #tpu.memory_space<vmem_shared>> -> memref<16x2048xf32, #tpu.memory_space<vmem_shared>>
    %dma_wait3A_65 = arith.constant 0 : i32
    %dma_wait3A_66 = tpu.memref_slice %arg2[%add3A_12, %dma_wait3A_65] : memref<16384x2048xf32, #tpu.memory_space<hbm>> -> memref<16x2048xf32, #tpu.memory_space<hbm>>
    tpu.wait_dma2 semaphore(%arg6 : memref<!tpu.dma_semaphore, #tpu.memory_space<semaphore_mem>>) src(%dma_wait3A_66 : memref<16x2048xf32, #tpu.memory_space<hbm>>) dst(%dma_wait3A_64 : memref<16x2048xf32, #tpu.memory_space<vmem_shared>>)
    %add3A_67 = arith.constant 16 : i32
    %add3A_68 = arith.addi %mul3A_2, %add3A_67 : i32
    %dma_start3A_69 = arith.constant 1 : i32
    %dma_start3A_70 = arith.constant 0 : i32
    %dma_start3A_71 = tpu.memref_slice %arg3[%add3A_68, %dma_start3A_70] : memref<16384x2048xf32, #tpu.memory_space<hbm>> -> memref<16x2048xf32, #tpu.memory_space<hbm>>
    %dma_start3A_72 = arith.constant 0 : i32
    %dma_start3A_73 = arith.constant 0 : i32
    %dma_start3A_74 = tpu.memref_slice %arg4[%arg1, %dma_start3A_69, %dma_start3A_72, %dma_start3A_73] : memref<16x3x16x2048xf32, #tpu.memory_space<vmem_shared>> -> memref<1x1x16x2048xf32, #tpu.memory_space<vmem_shared>>
    %dma_start3A_75 = tpu.memref_squeeze %dma_start3A_74 : memref<1x1x16x2048xf32, #tpu.memory_space<vmem_shared>> -> memref<16x2048xf32, #tpu.memory_space<vmem_shared>>
    tpu.enqueue_dma source(%dma_start3A_75 : memref<16x2048xf32, #tpu.memory_space<vmem_shared>>) target(%dma_start3A_71 : memref<16x2048xf32, #tpu.memory_space<hbm>>) target_semaphore(%arg9 : memref<!tpu.dma_semaphore, #tpu.memory_space<semaphore_mem>>)
    %dma_wait3A_76 = arith.constant 1 : i32
    %dma_wait3A_77 = arith.constant 0 : i32
    %dma_wait3A_78 = tpu.memref_slice %arg3[%add3A_68, %dma_wait3A_77] : memref<16384x2048xf32, #tpu.memory_space<hbm>> -> memref<16x2048xf32, #tpu.memory_space<hbm>>
    %dma_wait3A_79 = arith.constant 0 : i32
    %dma_wait3A_80 = arith.constant 0 : i32
    %dma_wait3A_81 = tpu.memref_slice %arg4[%arg1, %dma_wait3A_76, %dma_wait3A_79, %dma_wait3A_80] : memref<16x3x16x2048xf32, #tpu.memory_space<vmem_shared>> -> memref<1x1x16x2048xf32, #tpu.memory_space<vmem_shared>>
    %dma_wait3A_82 = tpu.memref_squeeze %dma_wait3A_81 : memref<1x1x16x2048xf32, #tpu.memory_space<vmem_shared>> -> memref<16x2048xf32, #tpu.memory_space<vmem_shared>>
    tpu.wait_dma2 semaphore(%arg9 : memref<!tpu.dma_semaphore, #tpu.memory_space<semaphore_mem>>) src(%dma_wait3A_82 : memref<16x2048xf32, #tpu.memory_space<vmem_shared>>) dst(%dma_wait3A_78 : memref<16x2048xf32, #tpu.memory_space<hbm>>)
    %add3A_83 = arith.constant 64 : i32
    %add3A_84 = arith.addi %mul3A_2, %add3A_83 : i32
    %dma_start3A_85 = arith.constant 1 : i32
    %dma_start3A_86 = arith.constant 0 : i32
    %dma_start3A_87 = arith.constant 0 : i32
    %dma_start3A_88 = tpu.memref_slice %arg4[%arg1, %dma_start3A_85, %dma_start3A_86, %dma_start3A_87] : memref<16x3x16x2048xf32, #tpu.memory_space<vmem_shared>> -> memref<1x1x16x2048xf32, #tpu.memory_space<vmem_shared>>
    %dma_start3A_89 = tpu.memref_squeeze %dma_start3A_88 : memref<1x1x16x2048xf32, #tpu.memory_space<vmem_shared>> -> memref<16x2048xf32, #tpu.memory_space<vmem_shared>>
    %dma_start3A_90 = arith.constant 0 : i32
    %dma_start3A_91 = tpu.memref_slice %arg2[%add3A_84, %dma_start3A_90] : memref<16384x2048xf32, #tpu.memory_space<hbm>> -> memref<16x2048xf32, #tpu.memory_space<hbm>>
    tpu.enqueue_dma source(%dma_start3A_91 : memref<16x2048xf32, #tpu.memory_space<hbm>>) target(%dma_start3A_89 : memref<16x2048xf32, #tpu.memory_space<vmem_shared>>) target_semaphore(%arg6 : memref<!tpu.dma_semaphore, #tpu.memory_space<semaphore_mem>>)
    %dma_wait3A_92 = arith.constant 2 : i32
    %dma_wait3A_93 = arith.constant 0 : i32
    %dma_wait3A_94 = arith.constant 0 : i32
    %dma_wait3A_95 = tpu.memref_slice %arg4[%arg1, %dma_wait3A_92, %dma_wait3A_93, %dma_wait3A_94] : memref<16x3x16x2048xf32, #tpu.memory_space<vmem_shared>> -> memref<1x1x16x2048xf32, #tpu.memory_space<vmem_shared>>
    %dma_wait3A_96 = tpu.memref_squeeze %dma_wait3A_95 : memref<1x1x16x2048xf32, #tpu.memory_space<vmem_shared>> -> memref<16x2048xf32, #tpu.memory_space<vmem_shared>>
    %dma_wait3A_97 = arith.constant 0 : i32
    %dma_wait3A_98 = tpu.memref_slice %arg2[%add3A_21, %dma_wait3A_97] : memref<16384x2048xf32, #tpu.memory_space<hbm>> -> memref<16x2048xf32, #tpu.memory_space<hbm>>
    tpu.wait_dma2 semaphore(%arg7 : memref<!tpu.dma_semaphore, #tpu.memory_space<semaphore_mem>>) src(%dma_wait3A_98 : memref<16x2048xf32, #tpu.memory_space<hbm>>) dst(%dma_wait3A_96 : memref<16x2048xf32, #tpu.memory_space<vmem_shared>>)
    %add3A_99 = arith.constant 32 : i32
    %add3A_100 = arith.addi %mul3A_2, %add3A_99 : i32
    %dma_start3A_101 = arith.constant 2 : i32
    %dma_start3A_102 = arith.constant 0 : i32
    %dma_start3A_103 = tpu.memref_slice %arg3[%add3A_100, %dma_start3A_102] : memref<16384x2048xf32, #tpu.memory_space<hbm>> -> memref<16x2048xf32, #tpu.memory_space<hbm>>
    %dma_start3A_104 = arith.constant 0 : i32
    %dma_start3A_105 = arith.constant 0 : i32
    %dma_start3A_106 = tpu.memref_slice %arg4[%arg1, %dma_start3A_101, %dma_start3A_104, %dma_start3A_105] : memref<16x3x16x2048xf32, #tpu.memory_space<vmem_shared>> -> memref<1x1x16x2048xf32, #tpu.memory_space<vmem_shared>>
    %dma_start3A_107 = tpu.memref_squeeze %dma_start3A_106 : memref<1x1x16x2048xf32, #tpu.memory_space<vmem_shared>> -> memref<16x2048xf32, #tpu.memory_space<vmem_shared>>
    tpu.enqueue_dma source(%dma_start3A_107 : memref<16x2048xf32, #tpu.memory_space<vmem_shared>>) target(%dma_start3A_103 : memref<16x2048xf32, #tpu.memory_space<hbm>>) target_semaphore(%arg10 : memref<!tpu.dma_semaphore, #tpu.memory_space<semaphore_mem>>)
    %dma_wait3A_108 = arith.constant 2 : i32
    %dma_wait3A_109 = arith.constant 0 : i32
    %dma_wait3A_110 = tpu.memref_slice %arg3[%add3A_100, %dma_wait3A_109] : memref<16384x2048xf32, #tpu.memory_space<hbm>> -> memref<16x2048xf32, #tpu.memory_space<hbm>>
    %dma_wait3A_111 = arith.constant 0 : i32
    %dma_wait3A_112 = arith.constant 0 : i32
    %dma_wait3A_113 = tpu.memref_slice %arg4[%arg1, %dma_wait3A_108, %dma_wait3A_111, %dma_wait3A_112] : memref<16x3x16x2048xf32, #tpu.memory_space<vmem_shared>> -> memref<1x1x16x2048xf32, #tpu.memory_space<vmem_shared>>
    %dma_wait3A_114 = tpu.memref_squeeze %dma_wait3A_113 : memref<1x1x16x2048xf32, #tpu.memory_space<vmem_shared>> -> memref<16x2048xf32, #tpu.memory_space<vmem_shared>>
    tpu.wait_dma2 semaphore(%arg10 : memref<!tpu.dma_semaphore, #tpu.memory_space<semaphore_mem>>) src(%dma_wait3A_114 : memref<16x2048xf32, #tpu.memory_space<vmem_shared>>) dst(%dma_wait3A_110 : memref<16x2048xf32, #tpu.memory_space<hbm>>)
    %add3A_115 = arith.constant 80 : i32
    %add3A_116 = arith.addi %mul3A_2, %add3A_115 : i32
    %dma_start3A_117 = arith.constant 2 : i32
    %dma_start3A_118 = arith.constant 0 : i32
    %dma_start3A_119 = arith.constant 0 : i32
    %dma_start3A_120 = tpu.memref_slice %arg4[%arg1, %dma_start3A_117, %dma_start3A_118, %dma_start3A_119] : memref<16x3x16x2048xf32, #tpu.memory_space<vmem_shared>> -> memref<1x1x16x2048xf32, #tpu.memory_space<vmem_shared>>
    %dma_start3A_121 = tpu.memref_squeeze %dma_start3A_120 : memref<1x1x16x2048xf32, #tpu.memory_space<vmem_shared>> -> memref<16x2048xf32, #tpu.memory_space<vmem_shared>>
    %dma_start3A_122 = arith.constant 0 : i32
    %dma_start3A_123 = tpu.memref_slice %arg2[%add3A_116, %dma_start3A_122] : memref<16384x2048xf32, #tpu.memory_space<hbm>> -> memref<16x2048xf32, #tpu.memory_space<hbm>>
    tpu.enqueue_dma source(%dma_start3A_123 : memref<16x2048xf32, #tpu.memory_space<hbm>>) target(%dma_start3A_121 : memref<16x2048xf32, #tpu.memory_space<vmem_shared>>) target_semaphore(%arg7 : memref<!tpu.dma_semaphore, #tpu.memory_space<semaphore_mem>>)
    %dma_wait3A_124 = arith.constant 0 : i32
    %dma_wait3A_125 = arith.constant 0 : i32
    %dma_wait3A_126 = arith.constant 0 : i32
    %dma_wait3A_127 = tpu.memref_slice %arg4[%arg1, %dma_wait3A_124, %dma_wait3A_125, %dma_wait3A_126] : memref<16x3x16x2048xf32, #tpu.memory_space<vmem_shared>> -> memref<1x1x16x2048xf32, #tpu.memory_space<vmem_shared>>
    %dma_wait3A_128 = tpu.memref_squeeze %dma_wait3A_127 : memref<1x1x16x2048xf32, #tpu.memory_space<vmem_shared>> -> memref<16x2048xf32, #tpu.memory_space<vmem_shared>>
    %dma_wait3A_129 = arith.constant 0 : i32
    %dma_wait3A_130 = tpu.memref_slice %arg2[%add3A_52, %dma_wait3A_129] : memref<16384x2048xf32, #tpu.memory_space<hbm>> -> memref<16x2048xf32, #tpu.memory_space<hbm>>
    tpu.wait_dma2 semaphore(%arg5 : memref<!tpu.dma_semaphore, #tpu.memory_space<semaphore_mem>>) src(%dma_wait3A_130 : memref<16x2048xf32, #tpu.memory_space<hbm>>) dst(%dma_wait3A_128 : memref<16x2048xf32, #tpu.memory_space<vmem_shared>>)
    %add3A_131 = arith.constant 48 : i32
    %add3A_132 = arith.addi %mul3A_2, %add3A_131 : i32
    %dma_start3A_133 = arith.constant 0 : i32
    %dma_start3A_134 = arith.constant 0 : i32
    %dma_start3A_135 = tpu.memref_slice %arg3[%add3A_132, %dma_start3A_134] : memref<16384x2048xf32, #tpu.memory_space<hbm>> -> memref<16x2048xf32, #tpu.memory_space<hbm>>
    %dma_start3A_136 = arith.constant 0 : i32
    %dma_start3A_137 = arith.constant 0 : i32
    %dma_start3A_138 = tpu.memref_slice %arg4[%arg1, %dma_start3A_133, %dma_start3A_136, %dma_start3A_137] : memref<16x3x16x2048xf32, #tpu.memory_space<vmem_shared>> -> memref<1x1x16x2048xf32, #tpu.memory_space<vmem_shared>>
    %dma_start3A_139 = tpu.memref_squeeze %dma_start3A_138 : memref<1x1x16x2048xf32, #tpu.memory_space<vmem_shared>> -> memref<16x2048xf32, #tpu.memory_space<vmem_shared>>
    tpu.enqueue_dma source(%dma_start3A_139 : memref<16x2048xf32, #tpu.memory_space<vmem_shared>>) target(%dma_start3A_135 : memref<16x2048xf32, #tpu.memory_space<hbm>>) target_semaphore(%arg8 : memref<!tpu.dma_semaphore, #tpu.memory_space<semaphore_mem>>)
    %dma_wait3A_140 = arith.constant 0 : i32
    %dma_wait3A_141 = arith.constant 0 : i32
    %dma_wait3A_142 = tpu.memref_slice %arg3[%add3A_132, %dma_wait3A_141] : memref<16384x2048xf32, #tpu.memory_space<hbm>> -> memref<16x2048xf32, #tpu.memory_space<hbm>>
    %dma_wait3A_143 = arith.constant 0 : i32
    %dma_wait3A_144 = arith.constant 0 : i32
    %dma_wait3A_145 = tpu.memref_slice %arg4[%arg1, %dma_wait3A_140, %dma_wait3A_143, %dma_wait3A_144] : memref<16x3x16x2048xf32, #tpu.memory_space<vmem_shared>> -> memref<1x1x16x2048xf32, #tpu.memory_space<vmem_shared>>
    %dma_wait3A_146 = tpu.memref_squeeze %dma_wait3A_145 : memref<1x1x16x2048xf32, #tpu.memory_space<vmem_shared>> -> memref<16x2048xf32, #tpu.memory_space<vmem_shared>>
    tpu.wait_dma2 semaphore(%arg8 : memref<!tpu.dma_semaphore, #tpu.memory_space<semaphore_mem>>) src(%dma_wait3A_146 : memref<16x2048xf32, #tpu.memory_space<vmem_shared>>) dst(%dma_wait3A_142 : memref<16x2048xf32, #tpu.memory_space<hbm>>)
    %add3A_147 = arith.constant 96 : i32
    %add3A_148 = arith.addi %mul3A_2, %add3A_147 : i32
    %dma_start3A_149 = arith.constant 0 : i32
    %dma_start3A_150 = arith.constant 0 : i32
    %dma_start3A_151 = arith.constant 0 : i32
    %dma_start3A_152 = tpu.memref_slice %arg4[%arg1, %dma_start3A_149, %dma_start3A_150, %dma_start3A_151] : memref<16x3x16x2048xf32, #tpu.memory_space<vmem_shared>> -> memref<1x1x16x2048xf32, #tpu.memory_space<vmem_shared>>
    %dma_start3A_153 = tpu.memref_squeeze %dma_start3A_152 : memref<1x1x16x2048xf32, #tpu.memory_space<vmem_shared>> -> memref<16x2048xf32, #tpu.memory_space<vmem_shared>>
    %dma_start3A_154 = arith.constant 0 : i32
    %dma_start3A_155 = tpu.memref_slice %arg2[%add3A_148, %dma_start3A_154] : memref<16384x2048xf32, #tpu.memory_space<hbm>> -> memref<16x2048xf32, #tpu.memory_space<hbm>>
    tpu.enqueue_dma source(%dma_start3A_155 : memref<16x2048xf32, #tpu.memory_space<hbm>>) target(%dma_start3A_153 : memref<16x2048xf32, #tpu.memory_space<vmem_shared>>) target_semaphore(%arg5 : memref<!tpu.dma_semaphore, #tpu.memory_space<semaphore_mem>>)
    %dma_wait3A_156 = arith.constant 1 : i32
    %dma_wait3A_157 = arith.constant 0 : i32
    %dma_wait3A_158 = arith.constant 0 : i32
    %dma_wait3A_159 = tpu.memref_slice %arg4[%arg1, %dma_wait3A_156, %dma_wait3A_157, %dma_wait3A_158] : memref<16x3x16x2048xf32, #tpu.memory_space<vmem_shared>> -> memref<1x1x16x2048xf32, #tpu.memory_space<vmem_shared>>
    %dma_wait3A_160 = tpu.memref_squeeze %dma_wait3A_159 : memref<1x1x16x2048xf32, #tpu.memory_space<vmem_shared>> -> memref<16x2048xf32, #tpu.memory_space<vmem_shared>>
    %dma_wait3A_161 = arith.constant 0 : i32
    %dma_wait3A_162 = tpu.memref_slice %arg2[%add3A_84, %dma_wait3A_161] : memref<16384x2048xf32, #tpu.memory_space<hbm>> -> memref<16x2048xf32, #tpu.memory_space<hbm>>
    tpu.wait_dma2 semaphore(%arg6 : memref<!tpu.dma_semaphore, #tpu.memory_space<semaphore_mem>>) src(%dma_wait3A_162 : memref<16x2048xf32, #tpu.memory_space<hbm>>) dst(%dma_wait3A_160 : memref<16x2048xf32, #tpu.memory_space<vmem_shared>>)
    %add3A_163 = arith.constant 64 : i32
    %add3A_164 = arith.addi %mul3A_2, %add3A_163 : i32
    %dma_start3A_165 = arith.constant 1 : i32
    %dma_start3A_166 = arith.constant 0 : i32
    %dma_start3A_167 = tpu.memref_slice %arg3[%add3A_164, %dma_start3A_166] : memref<16384x2048xf32, #tpu.memory_space<hbm>> -> memref<16x2048xf32, #tpu.memory_space<hbm>>
    %dma_start3A_168 = arith.constant 0 : i32
    %dma_start3A_169 = arith.constant 0 : i32
    %dma_start3A_170 = tpu.memref_slice %arg4[%arg1, %dma_start3A_165, %dma_start3A_168, %dma_start3A_169] : memref<16x3x16x2048xf32, #tpu.memory_space<vmem_shared>> -> memref<1x1x16x2048xf32, #tpu.memory_space<vmem_shared>>
    %dma_start3A_171 = tpu.memref_squeeze %dma_start3A_170 : memref<1x1x16x2048xf32, #tpu.memory_space<vmem_shared>> -> memref<16x2048xf32, #tpu.memory_space<vmem_shared>>
    tpu.enqueue_dma source(%dma_start3A_171 : memref<16x2048xf32, #tpu.memory_space<vmem_shared>>) target(%dma_start3A_167 : memref<16x2048xf32, #tpu.memory_space<hbm>>) target_semaphore(%arg9 : memref<!tpu.dma_semaphore, #tpu.memory_space<semaphore_mem>>)
    %dma_wait3A_172 = arith.constant 1 : i32
    %dma_wait3A_173 = arith.constant 0 : i32
    %dma_wait3A_174 = tpu.memref_slice %arg3[%add3A_164, %dma_wait3A_173] : memref<16384x2048xf32, #tpu.memory_space<hbm>> -> memref<16x2048xf32, #tpu.memory_space<hbm>>
    %dma_wait3A_175 = arith.constant 0 : i32
    %dma_wait3A_176 = arith.constant 0 : i32
    %dma_wait3A_177 = tpu.memref_slice %arg4[%arg1, %dma_wait3A_172, %dma_wait3A_175, %dma_wait3A_176] : memref<16x3x16x2048xf32, #tpu.memory_space<vmem_shared>> -> memref<1x1x16x2048xf32, #tpu.memory_space<vmem_shared>>
    %dma_wait3A_178 = tpu.memref_squeeze %dma_wait3A_177 : memref<1x1x16x2048xf32, #tpu.memory_space<vmem_shared>> -> memref<16x2048xf32, #tpu.memory_space<vmem_shared>>
    tpu.wait_dma2 semaphore(%arg9 : memref<!tpu.dma_semaphore, #tpu.memory_space<semaphore_mem>>) src(%dma_wait3A_178 : memref<16x2048xf32, #tpu.memory_space<vmem_shared>>) dst(%dma_wait3A_174 : memref<16x2048xf32, #tpu.memory_space<hbm>>)
    %add3A_179 = arith.constant 112 : i32
    %add3A_180 = arith.addi %mul3A_2, %add3A_179 : i32
    %dma_start3A_181 = arith.constant 1 : i32
    %dma_start3A_182 = arith.constant 0 : i32
    %dma_start3A_183 = arith.constant 0 : i32
    %dma_start3A_184 = tpu.memref_slice %arg4[%arg1, %dma_start3A_181, %dma_start3A_182, %dma_start3A_183] : memref<16x3x16x2048xf32, #tpu.memory_space<vmem_shared>> -> memref<1x1x16x2048xf32, #tpu.memory_space<vmem_shared>>
    %dma_start3A_185 = tpu.memref_squeeze %dma_start3A_184 : memref<1x1x16x2048xf32, #tpu.memory_space<vmem_shared>> -> memref<16x2048xf32, #tpu.memory_space<vmem_shared>>
    %dma_start3A_186 = arith.constant 0 : i32
    %dma_start3A_187 = tpu.memref_slice %arg2[%add3A_180, %dma_start3A_186] : memref<16384x2048xf32, #tpu.memory_space<hbm>> -> memref<16x2048xf32, #tpu.memory_space<hbm>>
    tpu.enqueue_dma source(%dma_start3A_187 : memref<16x2048xf32, #tpu.memory_space<hbm>>) target(%dma_start3A_185 : memref<16x2048xf32, #tpu.memory_space<vmem_shared>>) target_semaphore(%arg6 : memref<!tpu.dma_semaphore, #tpu.memory_space<semaphore_mem>>)
    %dma_wait3A_188 = arith.constant 2 : i32
    %dma_wait3A_189 = arith.constant 0 : i32
    %dma_wait3A_190 = arith.constant 0 : i32
    %dma_wait3A_191 = tpu.memref_slice %arg4[%arg1, %dma_wait3A_188, %dma_wait3A_189, %dma_wait3A_190] : memref<16x3x16x2048xf32, #tpu.memory_space<vmem_shared>> -> memref<1x1x16x2048xf32, #tpu.memory_space<vmem_shared>>
    %dma_wait3A_192 = tpu.memref_squeeze %dma_wait3A_191 : memref<1x1x16x2048xf32, #tpu.memory_space<vmem_shared>> -> memref<16x2048xf32, #tpu.memory_space<vmem_shared>>
    %dma_wait3A_193 = arith.constant 0 : i32
    %dma_wait3A_194 = tpu.memref_slice %arg2[%add3A_116, %dma_wait3A_193] : memref<16384x2048xf32, #tpu.memory_space<hbm>> -> memref<16x2048xf32, #tpu.memory_space<hbm>>
    tpu.wait_dma2 semaphore(%arg7 : memref<!tpu.dma_semaphore, #tpu.memory_space<semaphore_mem>>) src(%dma_wait3A_194 : memref<16x2048xf32, #tpu.memory_space<hbm>>) dst(%dma_wait3A_192 : memref<16x2048xf32, #tpu.memory_space<vmem_shared>>)
    %add3A_195 = arith.constant 80 : i32
    %add3A_196 = arith.addi %mul3A_2, %add3A_195 : i32
    %dma_start3A_197 = arith.constant 2 : i32
    %dma_start3A_198 = arith.constant 0 : i32
    %dma_start3A_199 = tpu.memref_slice %arg3[%add3A_196, %dma_start3A_198] : memref<16384x2048xf32, #tpu.memory_space<hbm>> -> memref<16x2048xf32, #tpu.memory_space<hbm>>
    %dma_start3A_200 = arith.constant 0 : i32
    %dma_start3A_201 = arith.constant 0 : i32
    %dma_start3A_202 = tpu.memref_slice %arg4[%arg1, %dma_start3A_197, %dma_start3A_200, %dma_start3A_201] : memref<16x3x16x2048xf32, #tpu.memory_space<vmem_shared>> -> memref<1x1x16x2048xf32, #tpu.memory_space<vmem_shared>>
    %dma_start3A_203 = tpu.memref_squeeze %dma_start3A_202 : memref<1x1x16x2048xf32, #tpu.memory_space<vmem_shared>> -> memref<16x2048xf32, #tpu.memory_space<vmem_shared>>
    tpu.enqueue_dma source(%dma_start3A_203 : memref<16x2048xf32, #tpu.memory_space<vmem_shared>>) target(%dma_start3A_199 : memref<16x2048xf32, #tpu.memory_space<hbm>>) target_semaphore(%arg10 : memref<!tpu.dma_semaphore, #tpu.memory_space<semaphore_mem>>)
    %dma_wait3A_204 = arith.constant 2 : i32
    %dma_wait3A_205 = arith.constant 0 : i32
    %dma_wait3A_206 = tpu.memref_slice %arg3[%add3A_196, %dma_wait3A_205] : memref<16384x2048xf32, #tpu.memory_space<hbm>> -> memref<16x2048xf32, #tpu.memory_space<hbm>>
    %dma_wait3A_207 = arith.constant 0 : i32
    %dma_wait3A_208 = arith.constant 0 : i32
    %dma_wait3A_209 = tpu.memref_slice %arg4[%arg1, %dma_wait3A_204, %dma_wait3A_207, %dma_wait3A_208] : memref<16x3x16x2048xf32, #tpu.memory_space<vmem_shared>> -> memref<1x1x16x2048xf32, #tpu.memory_space<vmem_shared>>
    %dma_wait3A_210 = tpu.memref_squeeze %dma_wait3A_209 : memref<1x1x16x2048xf32, #tpu.memory_space<vmem_shared>> -> memref<16x2048xf32, #tpu.memory_space<vmem_shared>>
    tpu.wait_dma2 semaphore(%arg10 : memref<!tpu.dma_semaphore, #tpu.memory_space<semaphore_mem>>) src(%dma_wait3A_210 : memref<16x2048xf32, #tpu.memory_space<vmem_shared>>) dst(%dma_wait3A_206 : memref<16x2048xf32, #tpu.memory_space<hbm>>)
    %add3A_211 = arith.constant 128 : i32
    %add3A_212 = arith.addi %mul3A_2, %add3A_211 : i32
    %dma_start3A_213 = arith.constant 2 : i32
    %dma_start3A_214 = arith.constant 0 : i32
    %dma_start3A_215 = arith.constant 0 : i32
    %dma_start3A_216 = tpu.memref_slice %arg4[%arg1, %dma_start3A_213, %dma_start3A_214, %dma_start3A_215] : memref<16x3x16x2048xf32, #tpu.memory_space<vmem_shared>> -> memref<1x1x16x2048xf32, #tpu.memory_space<vmem_shared>>
    %dma_start3A_217 = tpu.memref_squeeze %dma_start3A_216 : memref<1x1x16x2048xf32, #tpu.memory_space<vmem_shared>> -> memref<16x2048xf32, #tpu.memory_space<vmem_shared>>
    %dma_start3A_218 = arith.constant 0 : i32
    %dma_start3A_219 = tpu.memref_slice %arg2[%add3A_212, %dma_start3A_218] : memref<16384x2048xf32, #tpu.memory_space<hbm>> -> memref<16x2048xf32, #tpu.memory_space<hbm>>
    tpu.enqueue_dma source(%dma_start3A_219 : memref<16x2048xf32, #tpu.memory_space<hbm>>) target(%dma_start3A_217 : memref<16x2048xf32, #tpu.memory_space<vmem_shared>>) target_semaphore(%arg7 : memref<!tpu.dma_semaphore, #tpu.memory_space<semaphore_mem>>)
    %dma_wait3A_220 = arith.constant 0 : i32
    %dma_wait3A_221 = arith.constant 0 : i32
    %dma_wait3A_222 = arith.constant 0 : i32
    %dma_wait3A_223 = tpu.memref_slice %arg4[%arg1, %dma_wait3A_220, %dma_wait3A_221, %dma_wait3A_222] : memref<16x3x16x2048xf32, #tpu.memory_space<vmem_shared>> -> memref<1x1x16x2048xf32, #tpu.memory_space<vmem_shared>>
    %dma_wait3A_224 = tpu.memref_squeeze %dma_wait3A_223 : memref<1x1x16x2048xf32, #tpu.memory_space<vmem_shared>> -> memref<16x2048xf32, #tpu.memory_space<vmem_shared>>
    %dma_wait3A_225 = arith.constant 0 : i32
    %dma_wait3A_226 = tpu.memref_slice %arg2[%add3A_148, %dma_wait3A_225] : memref<16384x2048xf32, #tpu.memory_space<hbm>> -> memref<16x2048xf32, #tpu.memory_space<hbm>>
    tpu.wait_dma2 semaphore(%arg5 : memref<!tpu.dma_semaphore, #tpu.memory_space<semaphore_mem>>) src(%dma_wait3A_226 : memref<16x2048xf32, #tpu.memory_space<hbm>>) dst(%dma_wait3A_224 : memref<16x2048xf32, #tpu.memory_space<vmem_shared>>)
    %add3A_227 = arith.constant 96 : i32
    %add3A_228 = arith.addi %mul3A_2, %add3A_227 : i32
    %dma_start3A_229 = arith.constant 0 : i32
    %dma_start3A_230 = arith.constant 0 : i32
    %dma_start3A_231 = tpu.memref_slice %arg3[%add3A_228, %dma_start3A_230] : memref<16384x2048xf32, #tpu.memory_space<hbm>> -> memref<16x2048xf32, #tpu.memory_space<hbm>>
    %dma_start3A_232 = arith.constant 0 : i32
    %dma_start3A_233 = arith.constant 0 : i32
    %dma_start3A_234 = tpu.memref_slice %arg4[%arg1, %dma_start3A_229, %dma_start3A_232, %dma_start3A_233] : memref<16x3x16x2048xf32, #tpu.memory_space<vmem_shared>> -> memref<1x1x16x2048xf32, #tpu.memory_space<vmem_shared>>
    %dma_start3A_235 = tpu.memref_squeeze %dma_start3A_234 : memref<1x1x16x2048xf32, #tpu.memory_space<vmem_shared>> -> memref<16x2048xf32, #tpu.memory_space<vmem_shared>>
    tpu.enqueue_dma source(%dma_start3A_235 : memref<16x2048xf32, #tpu.memory_space<vmem_shared>>) target(%dma_start3A_231 : memref<16x2048xf32, #tpu.memory_space<hbm>>) target_semaphore(%arg8 : memref<!tpu.dma_semaphore, #tpu.memory_space<semaphore_mem>>)
    %dma_wait3A_236 = arith.constant 0 : i32
    %dma_wait3A_237 = arith.constant 0 : i32
    %dma_wait3A_238 = tpu.memref_slice %arg3[%add3A_228, %dma_wait3A_237] : memref<16384x2048xf32, #tpu.memory_space<hbm>> -> memref<16x2048xf32, #tpu.memory_space<hbm>>
    %dma_wait3A_239 = arith.constant 0 : i32
    %dma_wait3A_240 = arith.constant 0 : i32
    %dma_wait3A_241 = tpu.memref_slice %arg4[%arg1, %dma_wait3A_236, %dma_wait3A_239, %dma_wait3A_240] : memref<16x3x16x2048xf32, #tpu.memory_space<vmem_shared>> -> memref<1x1x16x2048xf32, #tpu.memory_space<vmem_shared>>
    %dma_wait3A_242 = tpu.memref_squeeze %dma_wait3A_241 : memref<1x1x16x2048xf32, #tpu.memory_space<vmem_shared>> -> memref<16x2048xf32, #tpu.memory_space<vmem_shared>>
    tpu.wait_dma2 semaphore(%arg8 : memref<!tpu.dma_semaphore, #tpu.memory_space<semaphore_mem>>) src(%dma_wait3A_242 : memref<16x2048xf32, #tpu.memory_space<vmem_shared>>) dst(%dma_wait3A_238 : memref<16x2048xf32, #tpu.memory_space<hbm>>)
    %add3A_243 = arith.constant 144 : i32
    %add3A_244 = arith.addi %mul3A_2, %add3A_243 : i32
    %dma_start3A_245 = arith.constant 0 : i32
    %dma_start3A_246 = arith.constant 0 : i32
    %dma_start3A_247 = arith.constant 0 : i32
    %dma_start3A_248 = tpu.memref_slice %arg4[%arg1, %dma_start3A_245, %dma_start3A_246, %dma_start3A_247] : memref<16x3x16x2048xf32, #tpu.memory_space<vmem_shared>> -> memref<1x1x16x2048xf32, #tpu.memory_space<vmem_shared>>
    %dma_start3A_249 = tpu.memref_squeeze %dma_start3A_248 : memref<1x1x16x2048xf32, #tpu.memory_space<vmem_shared>> -> memref<16x2048xf32, #tpu.memory_space<vmem_shared>>
    %dma_start3A_250 = arith.constant 0 : i32
    %dma_start3A_251 = tpu.memref_slice %arg2[%add3A_244, %dma_start3A_250] : memref<16384x2048xf32, #tpu.memory_space<hbm>> -> memref<16x2048xf32, #tpu.memory_space<hbm>>
    tpu.enqueue_dma source(%dma_start3A_251 : memref<16x2048xf32, #tpu.memory_space<hbm>>) target(%dma_start3A_249 : memref<16x2048xf32, #tpu.memory_space<vmem_shared>>) target_semaphore(%arg5 : memref<!tpu.dma_semaphore, #tpu.memory_space<semaphore_mem>>)
    %dma_wait3A_252 = arith.constant 1 : i32
    %dma_wait3A_253 = arith.constant 0 : i32
    %dma_wait3A_254 = arith.constant 0 : i32
    %dma_wait3A_255 = tpu.memref_slice %arg4[%arg1, %dma_wait3A_252, %dma_wait3A_253, %dma_wait3A_254] : memref<16x3x16x2048xf32, #tpu.memory_space<vmem_shared>> -> memref<1x1x16x2048xf32, #tpu.memory_space<vmem_shared>>
    %dma_wait3A_256 = tpu.memref_squeeze %dma_wait3A_255 : memref<1x1x16x2048xf32, #tpu.memory_space<vmem_shared>> -> memref<16x2048xf32, #tpu.memory_space<vmem_shared>>
    %dma_wait3A_257 = arith.constant 0 : i32
    %dma_wait3A_258 = tpu.memref_slice %arg2[%add3A_180, %dma_wait3A_257] : memref<16384x2048xf32, #tpu.memory_space<hbm>> -> memref<16x2048xf32, #tpu.memory_space<hbm>>
    tpu.wait_dma2 semaphore(%arg6 : memref<!tpu.dma_semaphore, #tpu.memory_space<semaphore_mem>>) src(%dma_wait3A_258 : memref<16x2048xf32, #tpu.memory_space<hbm>>) dst(%dma_wait3A_256 : memref<16x2048xf32, #tpu.memory_space<vmem_shared>>)
    %add3A_259 = arith.constant 112 : i32
    %add3A_260 = arith.addi %mul3A_2, %add3A_259 : i32
    %dma_start3A_261 = arith.constant 1 : i32
    %dma_start3A_262 = arith.constant 0 : i32
    %dma_start3A_263 = tpu.memref_slice %arg3[%add3A_260, %dma_start3A_262] : memref<16384x2048xf32, #tpu.memory_space<hbm>> -> memref<16x2048xf32, #tpu.memory_space<hbm>>
    %dma_start3A_264 = arith.constant 0 : i32
    %dma_start3A_265 = arith.constant 0 : i32
    %dma_start3A_266 = tpu.memref_slice %arg4[%arg1, %dma_start3A_261, %dma_start3A_264, %dma_start3A_265] : memref<16x3x16x2048xf32, #tpu.memory_space<vmem_shared>> -> memref<1x1x16x2048xf32, #tpu.memory_space<vmem_shared>>
    %dma_start3A_267 = tpu.memref_squeeze %dma_start3A_266 : memref<1x1x16x2048xf32, #tpu.memory_space<vmem_shared>> -> memref<16x2048xf32, #tpu.memory_space<vmem_shared>>
    tpu.enqueue_dma source(%dma_start3A_267 : memref<16x2048xf32, #tpu.memory_space<vmem_shared>>) target(%dma_start3A_263 : memref<16x2048xf32, #tpu.memory_space<hbm>>) target_semaphore(%arg9 : memref<!tpu.dma_semaphore, #tpu.memory_space<semaphore_mem>>)
    %dma_wait3A_268 = arith.constant 1 : i32
    %dma_wait3A_269 = arith.constant 0 : i32
    %dma_wait3A_270 = tpu.memref_slice %arg3[%add3A_260, %dma_wait3A_269] : memref<16384x2048xf32, #tpu.memory_space<hbm>> -> memref<16x2048xf32, #tpu.memory_space<hbm>>
    %dma_wait3A_271 = arith.constant 0 : i32
    %dma_wait3A_272 = arith.constant 0 : i32
    %dma_wait3A_273 = tpu.memref_slice %arg4[%arg1, %dma_wait3A_268, %dma_wait3A_271, %dma_wait3A_272] : memref<16x3x16x2048xf32, #tpu.memory_space<vmem_shared>> -> memref<1x1x16x2048xf32, #tpu.memory_space<vmem_shared>>
    %dma_wait3A_274 = tpu.memref_squeeze %dma_wait3A_273 : memref<1x1x16x2048xf32, #tpu.memory_space<vmem_shared>> -> memref<16x2048xf32, #tpu.memory_space<vmem_shared>>
    tpu.wait_dma2 semaphore(%arg9 : memref<!tpu.dma_semaphore, #tpu.memory_space<semaphore_mem>>) src(%dma_wait3A_274 : memref<16x2048xf32, #tpu.memory_space<vmem_shared>>) dst(%dma_wait3A_270 : memref<16x2048xf32, #tpu.memory_space<hbm>>)
    %add3A_275 = arith.constant 160 : i32
    %add3A_276 = arith.addi %mul3A_2, %add3A_275 : i32
    %dma_start3A_277 = arith.constant 1 : i32
    %dma_start3A_278 = arith.constant 0 : i32
    %dma_start3A_279 = arith.constant 0 : i32
    %dma_start3A_280 = tpu.memref_slice %arg4[%arg1, %dma_start3A_277, %dma_start3A_278, %dma_start3A_279] : memref<16x3x16x2048xf32, #tpu.memory_space<vmem_shared>> -> memref<1x1x16x2048xf32, #tpu.memory_space<vmem_shared>>
    %dma_start3A_281 = tpu.memref_squeeze %dma_start3A_280 : memref<1x1x16x2048xf32, #tpu.memory_space<vmem_shared>> -> memref<16x2048xf32, #tpu.memory_space<vmem_shared>>
    %dma_start3A_282 = arith.constant 0 : i32
    %dma_start3A_283 = tpu.memref_slice %arg2[%add3A_276, %dma_start3A_282] : memref<16384x2048xf32, #tpu.memory_space<hbm>> -> memref<16x2048xf32, #tpu.memory_space<hbm>>
    tpu.enqueue_dma source(%dma_start3A_283 : memref<16x2048xf32, #tpu.memory_space<hbm>>) target(%dma_start3A_281 : memref<16x2048xf32, #tpu.memory_space<vmem_shared>>) target_semaphore(%arg6 : memref<!tpu.dma_semaphore, #tpu.memory_space<semaphore_mem>>)
    %dma_wait3A_284 = arith.constant 2 : i32
    %dma_wait3A_285 = arith.constant 0 : i32
    %dma_wait3A_286 = arith.constant 0 : i32
    %dma_wait3A_287 = tpu.memref_slice %arg4[%arg1, %dma_wait3A_284, %dma_wait3A_285, %dma_wait3A_286] : memref<16x3x16x2048xf32, #tpu.memory_space<vmem_shared>> -> memref<1x1x16x2048xf32, #tpu.memory_space<vmem_shared>>
    %dma_wait3A_288 = tpu.memref_squeeze %dma_wait3A_287 : memref<1x1x16x2048xf32, #tpu.memory_space<vmem_shared>> -> memref<16x2048xf32, #tpu.memory_space<vmem_shared>>
    %dma_wait3A_289 = arith.constant 0 : i32
    %dma_wait3A_290 = tpu.memref_slice %arg2[%add3A_212, %dma_wait3A_289] : memref<16384x2048xf32, #tpu.memory_space<hbm>> -> memref<16x2048xf32, #tpu.memory_space<hbm>>
    tpu.wait_dma2 semaphore(%arg7 : memref<!tpu.dma_semaphore, #tpu.memory_space<semaphore_mem>>) src(%dma_wait3A_290 : memref<16x2048xf32, #tpu.memory_space<hbm>>) dst(%dma_wait3A_288 : memref<16x2048xf32, #tpu.memory_space<vmem_shared>>)
    %add3A_291 = arith.constant 128 : i32
    %add3A_292 = arith.addi %mul3A_2, %add3A_291 : i32
    %dma_start3A_293 = arith.constant 2 : i32
    %dma_start3A_294 = arith.constant 0 : i32
    %dma_start3A_295 = tpu.memref_slice %arg3[%add3A_292, %dma_start3A_294] : memref<16384x2048xf32, #tpu.memory_space<hbm>> -> memref<16x2048xf32, #tpu.memory_space<hbm>>
    %dma_start3A_296 = arith.constant 0 : i32
    %dma_start3A_297 = arith.constant 0 : i32
    %dma_start3A_298 = tpu.memref_slice %arg4[%arg1, %dma_start3A_293, %dma_start3A_296, %dma_start3A_297] : memref<16x3x16x2048xf32, #tpu.memory_space<vmem_shared>> -> memref<1x1x16x2048xf32, #tpu.memory_space<vmem_shared>>
    %dma_start3A_299 = tpu.memref_squeeze %dma_start3A_298 : memref<1x1x16x2048xf32, #tpu.memory_space<vmem_shared>> -> memref<16x2048xf32, #tpu.memory_space<vmem_shared>>
    tpu.enqueue_dma source(%dma_start3A_299 : memref<16x2048xf32, #tpu.memory_space<vmem_shared>>) target(%dma_start3A_295 : memref<16x2048xf32, #tpu.memory_space<hbm>>) target_semaphore(%arg10 : memref<!tpu.dma_semaphore, #tpu.memory_space<semaphore_mem>>)
    %dma_wait3A_300 = arith.constant 2 : i32
    %dma_wait3A_301 = arith.constant 0 : i32
    %dma_wait3A_302 = tpu.memref_slice %arg3[%add3A_292, %dma_wait3A_301] : memref<16384x2048xf32, #tpu.memory_space<hbm>> -> memref<16x2048xf32, #tpu.memory_space<hbm>>
    %dma_wait3A_303 = arith.constant 0 : i32
    %dma_wait3A_304 = arith.constant 0 : i32
    %dma_wait3A_305 = tpu.memref_slice %arg4[%arg1, %dma_wait3A_300, %dma_wait3A_303, %dma_wait3A_304] : memref<16x3x16x2048xf32, #tpu.memory_space<vmem_shared>> -> memref<1x1x16x2048xf32, #tpu.memory_space<vmem_shared>>
    %dma_wait3A_306 = tpu.memref_squeeze %dma_wait3A_305 : memref<1x1x16x2048xf32, #tpu.memory_space<vmem_shared>> -> memref<16x2048xf32, #tpu.memory_space<vmem_shared>>
    tpu.wait_dma2 semaphore(%arg10 : memref<!tpu.dma_semaphore, #tpu.memory_space<semaphore_mem>>) src(%dma_wait3A_306 : memref<16x2048xf32, #tpu.memory_space<vmem_shared>>) dst(%dma_wait3A_302 : memref<16x2048xf32, #tpu.memory_space<hbm>>)
    %add3A_307 = arith.constant 176 : i32
    %add3A_308 = arith.addi %mul3A_2, %add3A_307 : i32
    %dma_start3A_309 = arith.constant 2 : i32
    %dma_start3A_310 = arith.constant 0 : i32
    %dma_start3A_311 = arith.constant 0 : i32
    %dma_start3A_312 = tpu.memref_slice %arg4[%arg1, %dma_start3A_309, %dma_start3A_310, %dma_start3A_311] : memref<16x3x16x2048xf32, #tpu.memory_space<vmem_shared>> -> memref<1x1x16x2048xf32, #tpu.memory_space<vmem_shared>>
    %dma_start3A_313 = tpu.memref_squeeze %dma_start3A_312 : memref<1x1x16x2048xf32, #tpu.memory_space<vmem_shared>> -> memref<16x2048xf32, #tpu.memory_space<vmem_shared>>
    %dma_start3A_314 = arith.constant 0 : i32
    %dma_start3A_315 = tpu.memref_slice %arg2[%add3A_308, %dma_start3A_314] : memref<16384x2048xf32, #tpu.memory_space<hbm>> -> memref<16x2048xf32, #tpu.memory_space<hbm>>
    tpu.enqueue_dma source(%dma_start3A_315 : memref<16x2048xf32, #tpu.memory_space<hbm>>) target(%dma_start3A_313 : memref<16x2048xf32, #tpu.memory_space<vmem_shared>>) target_semaphore(%arg7 : memref<!tpu.dma_semaphore, #tpu.memory_space<semaphore_mem>>)
    %dma_wait3A_316 = arith.constant 0 : i32
    %dma_wait3A_317 = arith.constant 0 : i32
    %dma_wait3A_318 = arith.constant 0 : i32
    %dma_wait3A_319 = tpu.memref_slice %arg4[%arg1, %dma_wait3A_316, %dma_wait3A_317, %dma_wait3A_318] : memref<16x3x16x2048xf32, #tpu.memory_space<vmem_shared>> -> memref<1x1x16x2048xf32, #tpu.memory_space<vmem_shared>>
    %dma_wait3A_320 = tpu.memref_squeeze %dma_wait3A_319 : memref<1x1x16x2048xf32, #tpu.memory_space<vmem_shared>> -> memref<16x2048xf32, #tpu.memory_space<vmem_shared>>
    %dma_wait3A_321 = arith.constant 0 : i32
    %dma_wait3A_322 = tpu.memref_slice %arg2[%add3A_244, %dma_wait3A_321] : memref<16384x2048xf32, #tpu.memory_space<hbm>> -> memref<16x2048xf32, #tpu.memory_space<hbm>>
    tpu.wait_dma2 semaphore(%arg5 : memref<!tpu.dma_semaphore, #tpu.memory_space<semaphore_mem>>) src(%dma_wait3A_322 : memref<16x2048xf32, #tpu.memory_space<hbm>>) dst(%dma_wait3A_320 : memref<16x2048xf32, #tpu.memory_space<vmem_shared>>)
    %add3A_323 = arith.constant 144 : i32
    %add3A_324 = arith.addi %mul3A_2, %add3A_323 : i32
    %dma_start3A_325 = arith.constant 0 : i32
    %dma_start3A_326 = arith.constant 0 : i32
    %dma_start3A_327 = tpu.memref_slice %arg3[%add3A_324, %dma_start3A_326] : memref<16384x2048xf32, #tpu.memory_space<hbm>> -> memref<16x2048xf32, #tpu.memory_space<hbm>>
    %dma_start3A_328 = arith.constant 0 : i32
    %dma_start3A_329 = arith.constant 0 : i32
    %dma_start3A_330 = tpu.memref_slice %arg4[%arg1, %dma_start3A_325, %dma_start3A_328, %dma_start3A_329] : memref<16x3x16x2048xf32, #tpu.memory_space<vmem_shared>> -> memref<1x1x16x2048xf32, #tpu.memory_space<vmem_shared>>
    %dma_start3A_331 = tpu.memref_squeeze %dma_start3A_330 : memref<1x1x16x2048xf32, #tpu.memory_space<vmem_shared>> -> memref<16x2048xf32, #tpu.memory_space<vmem_shared>>
    tpu.enqueue_dma source(%dma_start3A_331 : memref<16x2048xf32, #tpu.memory_space<vmem_shared>>) target(%dma_start3A_327 : memref<16x2048xf32, #tpu.memory_space<hbm>>) target_semaphore(%arg8 : memref<!tpu.dma_semaphore, #tpu.memory_space<semaphore_mem>>)
    %dma_wait3A_332 = arith.constant 0 : i32
    %dma_wait3A_333 = arith.constant 0 : i32
    %dma_wait3A_334 = tpu.memref_slice %arg3[%add3A_324, %dma_wait3A_333] : memref<16384x2048xf32, #tpu.memory_space<hbm>> -> memref<16x2048xf32, #tpu.memory_space<hbm>>
    %dma_wait3A_335 = arith.constant 0 : i32
    %dma_wait3A_336 = arith.constant 0 : i32
    %dma_wait3A_337 = tpu.memref_slice %arg4[%arg1, %dma_wait3A_332, %dma_wait3A_335, %dma_wait3A_336] : memref<16x3x16x2048xf32, #tpu.memory_space<vmem_shared>> -> memref<1x1x16x2048xf32, #tpu.memory_space<vmem_shared>>
    %dma_wait3A_338 = tpu.memref_squeeze %dma_wait3A_337 : memref<1x1x16x2048xf32, #tpu.memory_space<vmem_shared>> -> memref<16x2048xf32, #tpu.memory_space<vmem_shared>>
    tpu.wait_dma2 semaphore(%arg8 : memref<!tpu.dma_semaphore, #tpu.memory_space<semaphore_mem>>) src(%dma_wait3A_338 : memref<16x2048xf32, #tpu.memory_space<vmem_shared>>) dst(%dma_wait3A_334 : memref<16x2048xf32, #tpu.memory_space<hbm>>)
    %add3A_339 = arith.constant 192 : i32
    %add3A_340 = arith.addi %mul3A_2, %add3A_339 : i32
    %dma_start3A_341 = arith.constant 0 : i32
    %dma_start3A_342 = arith.constant 0 : i32
    %dma_start3A_343 = arith.constant 0 : i32
    %dma_start3A_344 = tpu.memref_slice %arg4[%arg1, %dma_start3A_341, %dma_start3A_342, %dma_start3A_343] : memref<16x3x16x2048xf32, #tpu.memory_space<vmem_shared>> -> memref<1x1x16x2048xf32, #tpu.memory_space<vmem_shared>>
    %dma_start3A_345 = tpu.memref_squeeze %dma_start3A_344 : memref<1x1x16x2048xf32, #tpu.memory_space<vmem_shared>> -> memref<16x2048xf32, #tpu.memory_space<vmem_shared>>
    %dma_start3A_346 = arith.constant 0 : i32
    %dma_start3A_347 = tpu.memref_slice %arg2[%add3A_340, %dma_start3A_346] : memref<16384x2048xf32, #tpu.memory_space<hbm>> -> memref<16x2048xf32, #tpu.memory_space<hbm>>
    tpu.enqueue_dma source(%dma_start3A_347 : memref<16x2048xf32, #tpu.memory_space<hbm>>) target(%dma_start3A_345 : memref<16x2048xf32, #tpu.memory_space<vmem_shared>>) target_semaphore(%arg5 : memref<!tpu.dma_semaphore, #tpu.memory_space<semaphore_mem>>)
    %dma_wait3A_348 = arith.constant 1 : i32
    %dma_wait3A_349 = arith.constant 0 : i32
    %dma_wait3A_350 = arith.constant 0 : i32
    %dma_wait3A_351 = tpu.memref_slice %arg4[%arg1, %dma_wait3A_348, %dma_wait3A_349, %dma_wait3A_350] : memref<16x3x16x2048xf32, #tpu.memory_space<vmem_shared>> -> memref<1x1x16x2048xf32, #tpu.memory_space<vmem_shared>>
    %dma_wait3A_352 = tpu.memref_squeeze %dma_wait3A_351 : memref<1x1x16x2048xf32, #tpu.memory_space<vmem_shared>> -> memref<16x2048xf32, #tpu.memory_space<vmem_shared>>
    %dma_wait3A_353 = arith.constant 0 : i32
    %dma_wait3A_354 = tpu.memref_slice %arg2[%add3A_276, %dma_wait3A_353] : memref<16384x2048xf32, #tpu.memory_space<hbm>> -> memref<16x2048xf32, #tpu.memory_space<hbm>>
    tpu.wait_dma2 semaphore(%arg6 : memref<!tpu.dma_semaphore, #tpu.memory_space<semaphore_mem>>) src(%dma_wait3A_354 : memref<16x2048xf32, #tpu.memory_space<hbm>>) dst(%dma_wait3A_352 : memref<16x2048xf32, #tpu.memory_space<vmem_shared>>)
    %add3A_355 = arith.constant 160 : i32
    %add3A_356 = arith.addi %mul3A_2, %add3A_355 : i32
    %dma_start3A_357 = arith.constant 1 : i32
    %dma_start3A_358 = arith.constant 0 : i32
    %dma_start3A_359 = tpu.memref_slice %arg3[%add3A_356, %dma_start3A_358] : memref<16384x2048xf32, #tpu.memory_space<hbm>> -> memref<16x2048xf32, #tpu.memory_space<hbm>>
    %dma_start3A_360 = arith.constant 0 : i32
    %dma_start3A_361 = arith.constant 0 : i32
    %dma_start3A_362 = tpu.memref_slice %arg4[%arg1, %dma_start3A_357, %dma_start3A_360, %dma_start3A_361] : memref<16x3x16x2048xf32, #tpu.memory_space<vmem_shared>> -> memref<1x1x16x2048xf32, #tpu.memory_space<vmem_shared>>
    %dma_start3A_363 = tpu.memref_squeeze %dma_start3A_362 : memref<1x1x16x2048xf32, #tpu.memory_space<vmem_shared>> -> memref<16x2048xf32, #tpu.memory_space<vmem_shared>>
    tpu.enqueue_dma source(%dma_start3A_363 : memref<16x2048xf32, #tpu.memory_space<vmem_shared>>) target(%dma_start3A_359 : memref<16x2048xf32, #tpu.memory_space<hbm>>) target_semaphore(%arg9 : memref<!tpu.dma_semaphore, #tpu.memory_space<semaphore_mem>>)
    %dma_wait3A_364 = arith.constant 1 : i32
    %dma_wait3A_365 = arith.constant 0 : i32
    %dma_wait3A_366 = tpu.memref_slice %arg3[%add3A_356, %dma_wait3A_365] : memref<16384x2048xf32, #tpu.memory_space<hbm>> -> memref<16x2048xf32, #tpu.memory_space<hbm>>
    %dma_wait3A_367 = arith.constant 0 : i32
    %dma_wait3A_368 = arith.constant 0 : i32
    %dma_wait3A_369 = tpu.memref_slice %arg4[%arg1, %dma_wait3A_364, %dma_wait3A_367, %dma_wait3A_368] : memref<16x3x16x2048xf32, #tpu.memory_space<vmem_shared>> -> memref<1x1x16x2048xf32, #tpu.memory_space<vmem_shared>>
    %dma_wait3A_370 = tpu.memref_squeeze %dma_wait3A_369 : memref<1x1x16x2048xf32, #tpu.memory_space<vmem_shared>> -> memref<16x2048xf32, #tpu.memory_space<vmem_shared>>
    tpu.wait_dma2 semaphore(%arg9 : memref<!tpu.dma_semaphore, #tpu.memory_space<semaphore_mem>>) src(%dma_wait3A_370 : memref<16x2048xf32, #tpu.memory_space<vmem_shared>>) dst(%dma_wait3A_366 : memref<16x2048xf32, #tpu.memory_space<hbm>>)
    %add3A_371 = arith.constant 208 : i32
    %add3A_372 = arith.addi %mul3A_2, %add3A_371 : i32
    %dma_start3A_373 = arith.constant 1 : i32
    %dma_start3A_374 = arith.constant 0 : i32
    %dma_start3A_375 = arith.constant 0 : i32
    %dma_start3A_376 = tpu.memref_slice %arg4[%arg1, %dma_start3A_373, %dma_start3A_374, %dma_start3A_375] : memref<16x3x16x2048xf32, #tpu.memory_space<vmem_shared>> -> memref<1x1x16x2048xf32, #tpu.memory_space<vmem_shared>>
    %dma_start3A_377 = tpu.memref_squeeze %dma_start3A_376 : memref<1x1x16x2048xf32, #tpu.memory_space<vmem_shared>> -> memref<16x2048xf32, #tpu.memory_space<vmem_shared>>
    %dma_start3A_378 = arith.constant 0 : i32
    %dma_start3A_379 = tpu.memref_slice %arg2[%add3A_372, %dma_start3A_378] : memref<16384x2048xf32, #tpu.memory_space<hbm>> -> memref<16x2048xf32, #tpu.memory_space<hbm>>
    tpu.enqueue_dma source(%dma_start3A_379 : memref<16x2048xf32, #tpu.memory_space<hbm>>) target(%dma_start3A_377 : memref<16x2048xf32, #tpu.memory_space<vmem_shared>>) target_semaphore(%arg6 : memref<!tpu.dma_semaphore, #tpu.memory_space<semaphore_mem>>)
    %dma_wait3A_380 = arith.constant 2 : i32
    %dma_wait3A_381 = arith.constant 0 : i32
    %dma_wait3A_382 = arith.constant 0 : i32
    %dma_wait3A_383 = tpu.memref_slice %arg4[%arg1, %dma_wait3A_380, %dma_wait3A_381, %dma_wait3A_382] : memref<16x3x16x2048xf32, #tpu.memory_space<vmem_shared>> -> memref<1x1x16x2048xf32, #tpu.memory_space<vmem_shared>>
    %dma_wait3A_384 = tpu.memref_squeeze %dma_wait3A_383 : memref<1x1x16x2048xf32, #tpu.memory_space<vmem_shared>> -> memref<16x2048xf32, #tpu.memory_space<vmem_shared>>
    %dma_wait3A_385 = arith.constant 0 : i32
    %dma_wait3A_386 = tpu.memref_slice %arg2[%add3A_308, %dma_wait3A_385] : memref<16384x2048xf32, #tpu.memory_space<hbm>> -> memref<16x2048xf32, #tpu.memory_space<hbm>>
    tpu.wait_dma2 semaphore(%arg7 : memref<!tpu.dma_semaphore, #tpu.memory_space<semaphore_mem>>) src(%dma_wait3A_386 : memref<16x2048xf32, #tpu.memory_space<hbm>>) dst(%dma_wait3A_384 : memref<16x2048xf32, #tpu.memory_space<vmem_shared>>)
    %add3A_387 = arith.constant 176 : i32
    %add3A_388 = arith.addi %mul3A_2, %add3A_387 : i32
    %dma_start3A_389 = arith.constant 2 : i32
    %dma_start3A_390 = arith.constant 0 : i32
    %dma_start3A_391 = tpu.memref_slice %arg3[%add3A_388, %dma_start3A_390] : memref<16384x2048xf32, #tpu.memory_space<hbm>> -> memref<16x2048xf32, #tpu.memory_space<hbm>>
    %dma_start3A_392 = arith.constant 0 : i32
    %dma_start3A_393 = arith.constant 0 : i32
    %dma_start3A_394 = tpu.memref_slice %arg4[%arg1, %dma_start3A_389, %dma_start3A_392, %dma_start3A_393] : memref<16x3x16x2048xf32, #tpu.memory_space<vmem_shared>> -> memref<1x1x16x2048xf32, #tpu.memory_space<vmem_shared>>
    %dma_start3A_395 = tpu.memref_squeeze %dma_start3A_394 : memref<1x1x16x2048xf32, #tpu.memory_space<vmem_shared>> -> memref<16x2048xf32, #tpu.memory_space<vmem_shared>>
    tpu.enqueue_dma source(%dma_start3A_395 : memref<16x2048xf32, #tpu.memory_space<vmem_shared>>) target(%dma_start3A_391 : memref<16x2048xf32, #tpu.memory_space<hbm>>) target_semaphore(%arg10 : memref<!tpu.dma_semaphore, #tpu.memory_space<semaphore_mem>>)
    %dma_wait3A_396 = arith.constant 2 : i32
    %dma_wait3A_397 = arith.constant 0 : i32
    %dma_wait3A_398 = tpu.memref_slice %arg3[%add3A_388, %dma_wait3A_397] : memref<16384x2048xf32, #tpu.memory_space<hbm>> -> memref<16x2048xf32, #tpu.memory_space<hbm>>
    %dma_wait3A_399 = arith.constant 0 : i32
    %dma_wait3A_400 = arith.constant 0 : i32
    %dma_wait3A_401 = tpu.memref_slice %arg4[%arg1, %dma_wait3A_396, %dma_wait3A_399, %dma_wait3A_400] : memref<16x3x16x2048xf32, #tpu.memory_space<vmem_shared>> -> memref<1x1x16x2048xf32, #tpu.memory_space<vmem_shared>>
    %dma_wait3A_402 = tpu.memref_squeeze %dma_wait3A_401 : memref<1x1x16x2048xf32, #tpu.memory_space<vmem_shared>> -> memref<16x2048xf32, #tpu.memory_space<vmem_shared>>
    tpu.wait_dma2 semaphore(%arg10 : memref<!tpu.dma_semaphore, #tpu.memory_space<semaphore_mem>>) src(%dma_wait3A_402 : memref<16x2048xf32, #tpu.memory_space<vmem_shared>>) dst(%dma_wait3A_398 : memref<16x2048xf32, #tpu.memory_space<hbm>>)
    %add3A_403 = arith.constant 224 : i32
    %add3A_404 = arith.addi %mul3A_2, %add3A_403 : i32
    %dma_start3A_405 = arith.constant 2 : i32
    %dma_start3A_406 = arith.constant 0 : i32
    %dma_start3A_407 = arith.constant 0 : i32
    %dma_start3A_408 = tpu.memref_slice %arg4[%arg1, %dma_start3A_405, %dma_start3A_406, %dma_start3A_407] : memref<16x3x16x2048xf32, #tpu.memory_space<vmem_shared>> -> memref<1x1x16x2048xf32, #tpu.memory_space<vmem_shared>>
    %dma_start3A_409 = tpu.memref_squeeze %dma_start3A_408 : memref<1x1x16x2048xf32, #tpu.memory_space<vmem_shared>> -> memref<16x2048xf32, #tpu.memory_space<vmem_shared>>
    %dma_start3A_410 = arith.constant 0 : i32
    %dma_start3A_411 = tpu.memref_slice %arg2[%add3A_404, %dma_start3A_410] : memref<16384x2048xf32, #tpu.memory_space<hbm>> -> memref<16x2048xf32, #tpu.memory_space<hbm>>
    tpu.enqueue_dma source(%dma_start3A_411 : memref<16x2048xf32, #tpu.memory_space<hbm>>) target(%dma_start3A_409 : memref<16x2048xf32, #tpu.memory_space<vmem_shared>>) target_semaphore(%arg7 : memref<!tpu.dma_semaphore, #tpu.memory_space<semaphore_mem>>)
    %dma_wait3A_412 = arith.constant 0 : i32
    %dma_wait3A_413 = arith.constant 0 : i32
    %dma_wait3A_414 = arith.constant 0 : i32
    %dma_wait3A_415 = tpu.memref_slice %arg4[%arg1, %dma_wait3A_412, %dma_wait3A_413, %dma_wait3A_414] : memref<16x3x16x2048xf32, #tpu.memory_space<vmem_shared>> -> memref<1x1x16x2048xf32, #tpu.memory_space<vmem_shared>>
    %dma_wait3A_416 = tpu.memref_squeeze %dma_wait3A_415 : memref<1x1x16x2048xf32, #tpu.memory_space<vmem_shared>> -> memref<16x2048xf32, #tpu.memory_space<vmem_shared>>
    %dma_wait3A_417 = arith.constant 0 : i32
    %dma_wait3A_418 = tpu.memref_slice %arg2[%add3A_340, %dma_wait3A_417] : memref<16384x2048xf32, #tpu.memory_space<hbm>> -> memref<16x2048xf32, #tpu.memory_space<hbm>>
    tpu.wait_dma2 semaphore(%arg5 : memref<!tpu.dma_semaphore, #tpu.memory_space<semaphore_mem>>) src(%dma_wait3A_418 : memref<16x2048xf32, #tpu.memory_space<hbm>>) dst(%dma_wait3A_416 : memref<16x2048xf32, #tpu.memory_space<vmem_shared>>)
    %add3A_419 = arith.constant 192 : i32
    %add3A_420 = arith.addi %mul3A_2, %add3A_419 : i32
    %dma_start3A_421 = arith.constant 0 : i32
    %dma_start3A_422 = arith.constant 0 : i32
    %dma_start3A_423 = tpu.memref_slice %arg3[%add3A_420, %dma_start3A_422] : memref<16384x2048xf32, #tpu.memory_space<hbm>> -> memref<16x2048xf32, #tpu.memory_space<hbm>>
    %dma_start3A_424 = arith.constant 0 : i32
    %dma_start3A_425 = arith.constant 0 : i32
    %dma_start3A_426 = tpu.memref_slice %arg4[%arg1, %dma_start3A_421, %dma_start3A_424, %dma_start3A_425] : memref<16x3x16x2048xf32, #tpu.memory_space<vmem_shared>> -> memref<1x1x16x2048xf32, #tpu.memory_space<vmem_shared>>
    %dma_start3A_427 = tpu.memref_squeeze %dma_start3A_426 : memref<1x1x16x2048xf32, #tpu.memory_space<vmem_shared>> -> memref<16x2048xf32, #tpu.memory_space<vmem_shared>>
    tpu.enqueue_dma source(%dma_start3A_427 : memref<16x2048xf32, #tpu.memory_space<vmem_shared>>) target(%dma_start3A_423 : memref<16x2048xf32, #tpu.memory_space<hbm>>) target_semaphore(%arg8 : memref<!tpu.dma_semaphore, #tpu.memory_space<semaphore_mem>>)
    %dma_wait3A_428 = arith.constant 0 : i32
    %dma_wait3A_429 = arith.constant 0 : i32
    %dma_wait3A_430 = tpu.memref_slice %arg3[%add3A_420, %dma_wait3A_429] : memref<16384x2048xf32, #tpu.memory_space<hbm>> -> memref<16x2048xf32, #tpu.memory_space<hbm>>
    %dma_wait3A_431 = arith.constant 0 : i32
    %dma_wait3A_432 = arith.constant 0 : i32
    %dma_wait3A_433 = tpu.memref_slice %arg4[%arg1, %dma_wait3A_428, %dma_wait3A_431, %dma_wait3A_432] : memref<16x3x16x2048xf32, #tpu.memory_space<vmem_shared>> -> memref<1x1x16x2048xf32, #tpu.memory_space<vmem_shared>>
    %dma_wait3A_434 = tpu.memref_squeeze %dma_wait3A_433 : memref<1x1x16x2048xf32, #tpu.memory_space<vmem_shared>> -> memref<16x2048xf32, #tpu.memory_space<vmem_shared>>
    tpu.wait_dma2 semaphore(%arg8 : memref<!tpu.dma_semaphore, #tpu.memory_space<semaphore_mem>>) src(%dma_wait3A_434 : memref<16x2048xf32, #tpu.memory_space<vmem_shared>>) dst(%dma_wait3A_430 : memref<16x2048xf32, #tpu.memory_space<hbm>>)
    %add3A_435 = arith.constant 240 : i32
    %add3A_436 = arith.addi %mul3A_2, %add3A_435 : i32
    %dma_start3A_437 = arith.constant 0 : i32
    %dma_start3A_438 = arith.constant 0 : i32
    %dma_start3A_439 = arith.constant 0 : i32
    %dma_start3A_440 = tpu.memref_slice %arg4[%arg1, %dma_start3A_437, %dma_start3A_438, %dma_start3A_439] : memref<16x3x16x2048xf32, #tpu.memory_space<vmem_shared>> -> memref<1x1x16x2048xf32, #tpu.memory_space<vmem_shared>>
    %dma_start3A_441 = tpu.memref_squeeze %dma_start3A_440 : memref<1x1x16x2048xf32, #tpu.memory_space<vmem_shared>> -> memref<16x2048xf32, #tpu.memory_space<vmem_shared>>
    %dma_start3A_442 = arith.constant 0 : i32
    %dma_start3A_443 = tpu.memref_slice %arg2[%add3A_436, %dma_start3A_442] : memref<16384x2048xf32, #tpu.memory_space<hbm>> -> memref<16x2048xf32, #tpu.memory_space<hbm>>
    tpu.enqueue_dma source(%dma_start3A_443 : memref<16x2048xf32, #tpu.memory_space<hbm>>) target(%dma_start3A_441 : memref<16x2048xf32, #tpu.memory_space<vmem_shared>>) target_semaphore(%arg5 : memref<!tpu.dma_semaphore, #tpu.memory_space<semaphore_mem>>)
    %dma_wait3A_444 = arith.constant 1 : i32
    %dma_wait3A_445 = arith.constant 0 : i32
    %dma_wait3A_446 = arith.constant 0 : i32
    %dma_wait3A_447 = tpu.memref_slice %arg4[%arg1, %dma_wait3A_444, %dma_wait3A_445, %dma_wait3A_446] : memref<16x3x16x2048xf32, #tpu.memory_space<vmem_shared>> -> memref<1x1x16x2048xf32, #tpu.memory_space<vmem_shared>>
    %dma_wait3A_448 = tpu.memref_squeeze %dma_wait3A_447 : memref<1x1x16x2048xf32, #tpu.memory_space<vmem_shared>> -> memref<16x2048xf32, #tpu.memory_space<vmem_shared>>
    %dma_wait3A_449 = arith.constant 0 : i32
    %dma_wait3A_450 = tpu.memref_slice %arg2[%add3A_372, %dma_wait3A_449] : memref<16384x2048xf32, #tpu.memory_space<hbm>> -> memref<16x2048xf32, #tpu.memory_space<hbm>>
    tpu.wait_dma2 semaphore(%arg6 : memref<!tpu.dma_semaphore, #tpu.memory_space<semaphore_mem>>) src(%dma_wait3A_450 : memref<16x2048xf32, #tpu.memory_space<hbm>>) dst(%dma_wait3A_448 : memref<16x2048xf32, #tpu.memory_space<vmem_shared>>)
    %add3A_451 = arith.constant 208 : i32
    %add3A_452 = arith.addi %mul3A_2, %add3A_451 : i32
    %dma_start3A_453 = arith.constant 1 : i32
    %dma_start3A_454 = arith.constant 0 : i32
    %dma_start3A_455 = tpu.memref_slice %arg3[%add3A_452, %dma_start3A_454] : memref<16384x2048xf32, #tpu.memory_space<hbm>> -> memref<16x2048xf32, #tpu.memory_space<hbm>>
    %dma_start3A_456 = arith.constant 0 : i32
    %dma_start3A_457 = arith.constant 0 : i32
    %dma_start3A_458 = tpu.memref_slice %arg4[%arg1, %dma_start3A_453, %dma_start3A_456, %dma_start3A_457] : memref<16x3x16x2048xf32, #tpu.memory_space<vmem_shared>> -> memref<1x1x16x2048xf32, #tpu.memory_space<vmem_shared>>
    %dma_start3A_459 = tpu.memref_squeeze %dma_start3A_458 : memref<1x1x16x2048xf32, #tpu.memory_space<vmem_shared>> -> memref<16x2048xf32, #tpu.memory_space<vmem_shared>>
    tpu.enqueue_dma source(%dma_start3A_459 : memref<16x2048xf32, #tpu.memory_space<vmem_shared>>) target(%dma_start3A_455 : memref<16x2048xf32, #tpu.memory_space<hbm>>) target_semaphore(%arg9 : memref<!tpu.dma_semaphore, #tpu.memory_space<semaphore_mem>>)
    %dma_wait3A_460 = arith.constant 1 : i32
    %dma_wait3A_461 = arith.constant 0 : i32
    %dma_wait3A_462 = tpu.memref_slice %arg3[%add3A_452, %dma_wait3A_461] : memref<16384x2048xf32, #tpu.memory_space<hbm>> -> memref<16x2048xf32, #tpu.memory_space<hbm>>
    %dma_wait3A_463 = arith.constant 0 : i32
    %dma_wait3A_464 = arith.constant 0 : i32
    %dma_wait3A_465 = tpu.memref_slice %arg4[%arg1, %dma_wait3A_460, %dma_wait3A_463, %dma_wait3A_464] : memref<16x3x16x2048xf32, #tpu.memory_space<vmem_shared>> -> memref<1x1x16x2048xf32, #tpu.memory_space<vmem_shared>>
    %dma_wait3A_466 = tpu.memref_squeeze %dma_wait3A_465 : memref<1x1x16x2048xf32, #tpu.memory_space<vmem_shared>> -> memref<16x2048xf32, #tpu.memory_space<vmem_shared>>
    tpu.wait_dma2 semaphore(%arg9 : memref<!tpu.dma_semaphore, #tpu.memory_space<semaphore_mem>>) src(%dma_wait3A_466 : memref<16x2048xf32, #tpu.memory_space<vmem_shared>>) dst(%dma_wait3A_462 : memref<16x2048xf32, #tpu.memory_space<hbm>>)
    %add3A_467 = arith.constant 256 : i32
    %add3A_468 = arith.addi %mul3A_2, %add3A_467 : i32
    %dma_start3A_469 = arith.constant 1 : i32
    %dma_start3A_470 = arith.constant 0 : i32
    %dma_start3A_471 = arith.constant 0 : i32
    %dma_start3A_472 = tpu.memref_slice %arg4[%arg1, %dma_start3A_469, %dma_start3A_470, %dma_start3A_471] : memref<16x3x16x2048xf32, #tpu.memory_space<vmem_shared>> -> memref<1x1x16x2048xf32, #tpu.memory_space<vmem_shared>>
    %dma_start3A_473 = tpu.memref_squeeze %dma_start3A_472 : memref<1x1x16x2048xf32, #tpu.memory_space<vmem_shared>> -> memref<16x2048xf32, #tpu.memory_space<vmem_shared>>
    %dma_start3A_474 = arith.constant 0 : i32
    %dma_start3A_475 = tpu.memref_slice %arg2[%add3A_468, %dma_start3A_474] : memref<16384x2048xf32, #tpu.memory_space<hbm>> -> memref<16x2048xf32, #tpu.memory_space<hbm>>
    tpu.enqueue_dma source(%dma_start3A_475 : memref<16x2048xf32, #tpu.memory_space<hbm>>) target(%dma_start3A_473 : memref<16x2048xf32, #tpu.memory_space<vmem_shared>>) target_semaphore(%arg6 : memref<!tpu.dma_semaphore, #tpu.memory_space<semaphore_mem>>)
    %dma_wait3A_476 = arith.constant 2 : i32
    %dma_wait3A_477 = arith.constant 0 : i32
    %dma_wait3A_478 = arith.constant 0 : i32
    %dma_wait3A_479 = tpu.memref_slice %arg4[%arg1, %dma_wait3A_476, %dma_wait3A_477, %dma_wait3A_478] : memref<16x3x16x2048xf32, #tpu.memory_space<vmem_shared>> -> memref<1x1x16x2048xf32, #tpu.memory_space<vmem_shared>>
    %dma_wait3A_480 = tpu.memref_squeeze %dma_wait3A_479 : memref<1x1x16x2048xf32, #tpu.memory_space<vmem_shared>> -> memref<16x2048xf32, #tpu.memory_space<vmem_shared>>
    %dma_wait3A_481 = arith.constant 0 : i32
    %dma_wait3A_482 = tpu.memref_slice %arg2[%add3A_404, %dma_wait3A_481] : memref<16384x2048xf32, #tpu.memory_space<hbm>> -> memref<16x2048xf32, #tpu.memory_space<hbm>>
    tpu.wait_dma2 semaphore(%arg7 : memref<!tpu.dma_semaphore, #tpu.memory_space<semaphore_mem>>) src(%dma_wait3A_482 : memref<16x2048xf32, #tpu.memory_space<hbm>>) dst(%dma_wait3A_480 : memref<16x2048xf32, #tpu.memory_space<vmem_shared>>)
    %add3A_483 = arith.constant 224 : i32
    %add3A_484 = arith.addi %mul3A_2, %add3A_483 : i32
    %dma_start3A_485 = arith.constant 2 : i32
    %dma_start3A_486 = arith.constant 0 : i32
    %dma_start3A_487 = tpu.memref_slice %arg3[%add3A_484, %dma_start3A_486] : memref<16384x2048xf32, #tpu.memory_space<hbm>> -> memref<16x2048xf32, #tpu.memory_space<hbm>>
    %dma_start3A_488 = arith.constant 0 : i32
    %dma_start3A_489 = arith.constant 0 : i32
    %dma_start3A_490 = tpu.memref_slice %arg4[%arg1, %dma_start3A_485, %dma_start3A_488, %dma_start3A_489] : memref<16x3x16x2048xf32, #tpu.memory_space<vmem_shared>> -> memref<1x1x16x2048xf32, #tpu.memory_space<vmem_shared>>
    %dma_start3A_491 = tpu.memref_squeeze %dma_start3A_490 : memref<1x1x16x2048xf32, #tpu.memory_space<vmem_shared>> -> memref<16x2048xf32, #tpu.memory_space<vmem_shared>>
    tpu.enqueue_dma source(%dma_start3A_491 : memref<16x2048xf32, #tpu.memory_space<vmem_shared>>) target(%dma_start3A_487 : memref<16x2048xf32, #tpu.memory_space<hbm>>) target_semaphore(%arg10 : memref<!tpu.dma_semaphore, #tpu.memory_space<semaphore_mem>>)
    %dma_wait3A_492 = arith.constant 2 : i32
    %dma_wait3A_493 = arith.constant 0 : i32
    %dma_wait3A_494 = tpu.memref_slice %arg3[%add3A_484, %dma_wait3A_493] : memref<16384x2048xf32, #tpu.memory_space<hbm>> -> memref<16x2048xf32, #tpu.memory_space<hbm>>
    %dma_wait3A_495 = arith.constant 0 : i32
    %dma_wait3A_496 = arith.constant 0 : i32
    %dma_wait3A_497 = tpu.memref_slice %arg4[%arg1, %dma_wait3A_492, %dma_wait3A_495, %dma_wait3A_496] : memref<16x3x16x2048xf32, #tpu.memory_space<vmem_shared>> -> memref<1x1x16x2048xf32, #tpu.memory_space<vmem_shared>>
    %dma_wait3A_498 = tpu.memref_squeeze %dma_wait3A_497 : memref<1x1x16x2048xf32, #tpu.memory_space<vmem_shared>> -> memref<16x2048xf32, #tpu.memory_space<vmem_shared>>
    tpu.wait_dma2 semaphore(%arg10 : memref<!tpu.dma_semaphore, #tpu.memory_space<semaphore_mem>>) src(%dma_wait3A_498 : memref<16x2048xf32, #tpu.memory_space<vmem_shared>>) dst(%dma_wait3A_494 : memref<16x2048xf32, #tpu.memory_space<hbm>>)
    %add3A_499 = arith.constant 272 : i32
    %add3A_500 = arith.addi %mul3A_2, %add3A_499 : i32
    %dma_start3A_501 = arith.constant 2 : i32
    %dma_start3A_502 = arith.constant 0 : i32
    %dma_start3A_503 = arith.constant 0 : i32
    %dma_start3A_504 = tpu.memref_slice %arg4[%arg1, %dma_start3A_501, %dma_start3A_502, %dma_start3A_503] : memref<16x3x16x2048xf32, #tpu.memory_space<vmem_shared>> -> memref<1x1x16x2048xf32, #tpu.memory_space<vmem_shared>>
    %dma_start3A_505 = tpu.memref_squeeze %dma_start3A_504 : memref<1x1x16x2048xf32, #tpu.memory_space<vmem_shared>> -> memref<16x2048xf32, #tpu.memory_space<vmem_shared>>
    %dma_start3A_506 = arith.constant 0 : i32
    %dma_start3A_507 = tpu.memref_slice %arg2[%add3A_500, %dma_start3A_506] : memref<16384x2048xf32, #tpu.memory_space<hbm>> -> memref<16x2048xf32, #tpu.memory_space<hbm>>
    tpu.enqueue_dma source(%dma_start3A_507 : memref<16x2048xf32, #tpu.memory_space<hbm>>) target(%dma_start3A_505 : memref<16x2048xf32, #tpu.memory_space<vmem_shared>>) target_semaphore(%arg7 : memref<!tpu.dma_semaphore, #tpu.memory_space<semaphore_mem>>)
    %dma_wait3A_508 = arith.constant 0 : i32
    %dma_wait3A_509 = arith.constant 0 : i32
    %dma_wait3A_510 = arith.constant 0 : i32
    %dma_wait3A_511 = tpu.memref_slice %arg4[%arg1, %dma_wait3A_508, %dma_wait3A_509, %dma_wait3A_510] : memref<16x3x16x2048xf32, #tpu.memory_space<vmem_shared>> -> memref<1x1x16x2048xf32, #tpu.memory_space<vmem_shared>>
    %dma_wait3A_512 = tpu.memref_squeeze %dma_wait3A_511 : memref<1x1x16x2048xf32, #tpu.memory_space<vmem_shared>> -> memref<16x2048xf32, #tpu.memory_space<vmem_shared>>
    %dma_wait3A_513 = arith.constant 0 : i32
    %dma_wait3A_514 = tpu.memref_slice %arg2[%add3A_436, %dma_wait3A_513] : memref<16384x2048xf32, #tpu.memory_space<hbm>> -> memref<16x2048xf32, #tpu.memory_space<hbm>>
    tpu.wait_dma2 semaphore(%arg5 : memref<!tpu.dma_semaphore, #tpu.memory_space<semaphore_mem>>) src(%dma_wait3A_514 : memref<16x2048xf32, #tpu.memory_space<hbm>>) dst(%dma_wait3A_512 : memref<16x2048xf32, #tpu.memory_space<vmem_shared>>)
    %add3A_515 = arith.constant 240 : i32
    %add3A_516 = arith.addi %mul3A_2, %add3A_515 : i32
    %dma_start3A_517 = arith.constant 0 : i32
    %dma_start3A_518 = arith.constant 0 : i32
    %dma_start3A_519 = tpu.memref_slice %arg3[%add3A_516, %dma_start3A_518] : memref<16384x2048xf32, #tpu.memory_space<hbm>> -> memref<16x2048xf32, #tpu.memory_space<hbm>>
    %dma_start3A_520 = arith.constant 0 : i32
    %dma_start3A_521 = arith.constant 0 : i32
    %dma_start3A_522 = tpu.memref_slice %arg4[%arg1, %dma_start3A_517, %dma_start3A_520, %dma_start3A_521] : memref<16x3x16x2048xf32, #tpu.memory_space<vmem_shared>> -> memref<1x1x16x2048xf32, #tpu.memory_space<vmem_shared>>
    %dma_start3A_523 = tpu.memref_squeeze %dma_start3A_522 : memref<1x1x16x2048xf32, #tpu.memory_space<vmem_shared>> -> memref<16x2048xf32, #tpu.memory_space<vmem_shared>>
    tpu.enqueue_dma source(%dma_start3A_523 : memref<16x2048xf32, #tpu.memory_space<vmem_shared>>) target(%dma_start3A_519 : memref<16x2048xf32, #tpu.memory_space<hbm>>) target_semaphore(%arg8 : memref<!tpu.dma_semaphore, #tpu.memory_space<semaphore_mem>>)
    %dma_wait3A_524 = arith.constant 0 : i32
    %dma_wait3A_525 = arith.constant 0 : i32
    %dma_wait3A_526 = tpu.memref_slice %arg3[%add3A_516, %dma_wait3A_525] : memref<16384x2048xf32, #tpu.memory_space<hbm>> -> memref<16x2048xf32, #tpu.memory_space<hbm>>
    %dma_wait3A_527 = arith.constant 0 : i32
    %dma_wait3A_528 = arith.constant 0 : i32
    %dma_wait3A_529 = tpu.memref_slice %arg4[%arg1, %dma_wait3A_524, %dma_wait3A_527, %dma_wait3A_528] : memref<16x3x16x2048xf32, #tpu.memory_space<vmem_shared>> -> memref<1x1x16x2048xf32, #tpu.memory_space<vmem_shared>>
    %dma_wait3A_530 = tpu.memref_squeeze %dma_wait3A_529 : memref<1x1x16x2048xf32, #tpu.memory_space<vmem_shared>> -> memref<16x2048xf32, #tpu.memory_space<vmem_shared>>
    tpu.wait_dma2 semaphore(%arg8 : memref<!tpu.dma_semaphore, #tpu.memory_space<semaphore_mem>>) src(%dma_wait3A_530 : memref<16x2048xf32, #tpu.memory_space<vmem_shared>>) dst(%dma_wait3A_526 : memref<16x2048xf32, #tpu.memory_space<hbm>>)
    %add3A_531 = arith.constant 288 : i32
    %add3A_532 = arith.addi %mul3A_2, %add3A_531 : i32
    %dma_start3A_533 = arith.constant 0 : i32
    %dma_start3A_534 = arith.constant 0 : i32
    %dma_start3A_535 = arith.constant 0 : i32
    %dma_start3A_536 = tpu.memref_slice %arg4[%arg1, %dma_start3A_533, %dma_start3A_534, %dma_start3A_535] : memref<16x3x16x2048xf32, #tpu.memory_space<vmem_shared>> -> memref<1x1x16x2048xf32, #tpu.memory_space<vmem_shared>>
    %dma_start3A_537 = tpu.memref_squeeze %dma_start3A_536 : memref<1x1x16x2048xf32, #tpu.memory_space<vmem_shared>> -> memref<16x2048xf32, #tpu.memory_space<vmem_shared>>
    %dma_start3A_538 = arith.constant 0 : i32
    %dma_start3A_539 = tpu.memref_slice %arg2[%add3A_532, %dma_start3A_538] : memref<16384x2048xf32, #tpu.memory_space<hbm>> -> memref<16x2048xf32, #tpu.memory_space<hbm>>
    tpu.enqueue_dma source(%dma_start3A_539 : memref<16x2048xf32, #tpu.memory_space<hbm>>) target(%dma_start3A_537 : memref<16x2048xf32, #tpu.memory_space<vmem_shared>>) target_semaphore(%arg5 : memref<!tpu.dma_semaphore, #tpu.memory_space<semaphore_mem>>)
    %dma_wait3A_540 = arith.constant 1 : i32
    %dma_wait3A_541 = arith.constant 0 : i32
    %dma_wait3A_542 = arith.constant 0 : i32
    %dma_wait3A_543 = tpu.memref_slice %arg4[%arg1, %dma_wait3A_540, %dma_wait3A_541, %dma_wait3A_542] : memref<16x3x16x2048xf32, #tpu.memory_space<vmem_shared>> -> memref<1x1x16x2048xf32, #tpu.memory_space<vmem_shared>>
    %dma_wait3A_544 = tpu.memref_squeeze %dma_wait3A_543 : memref<1x1x16x2048xf32, #tpu.memory_space<vmem_shared>> -> memref<16x2048xf32, #tpu.memory_space<vmem_shared>>
    %dma_wait3A_545 = arith.constant 0 : i32
    %dma_wait3A_546 = tpu.memref_slice %arg2[%add3A_468, %dma_wait3A_545] : memref<16384x2048xf32, #tpu.memory_space<hbm>> -> memref<16x2048xf32, #tpu.memory_space<hbm>>
    tpu.wait_dma2 semaphore(%arg6 : memref<!tpu.dma_semaphore, #tpu.memory_space<semaphore_mem>>) src(%dma_wait3A_546 : memref<16x2048xf32, #tpu.memory_space<hbm>>) dst(%dma_wait3A_544 : memref<16x2048xf32, #tpu.memory_space<vmem_shared>>)
    %add3A_547 = arith.constant 256 : i32
    %add3A_548 = arith.addi %mul3A_2, %add3A_547 : i32
    %dma_start3A_549 = arith.constant 1 : i32
    %dma_start3A_550 = arith.constant 0 : i32
    %dma_start3A_551 = tpu.memref_slice %arg3[%add3A_548, %dma_start3A_550] : memref<16384x2048xf32, #tpu.memory_space<hbm>> -> memref<16x2048xf32, #tpu.memory_space<hbm>>
    %dma_start3A_552 = arith.constant 0 : i32
    %dma_start3A_553 = arith.constant 0 : i32
    %dma_start3A_554 = tpu.memref_slice %arg4[%arg1, %dma_start3A_549, %dma_start3A_552, %dma_start3A_553] : memref<16x3x16x2048xf32, #tpu.memory_space<vmem_shared>> -> memref<1x1x16x2048xf32, #tpu.memory_space<vmem_shared>>
    %dma_start3A_555 = tpu.memref_squeeze %dma_start3A_554 : memref<1x1x16x2048xf32, #tpu.memory_space<vmem_shared>> -> memref<16x2048xf32, #tpu.memory_space<vmem_shared>>
    tpu.enqueue_dma source(%dma_start3A_555 : memref<16x2048xf32, #tpu.memory_space<vmem_shared>>) target(%dma_start3A_551 : memref<16x2048xf32, #tpu.memory_space<hbm>>) target_semaphore(%arg9 : memref<!tpu.dma_semaphore, #tpu.memory_space<semaphore_mem>>)
    %dma_wait3A_556 = arith.constant 1 : i32
    %dma_wait3A_557 = arith.constant 0 : i32
    %dma_wait3A_558 = tpu.memref_slice %arg3[%add3A_548, %dma_wait3A_557] : memref<16384x2048xf32, #tpu.memory_space<hbm>> -> memref<16x2048xf32, #tpu.memory_space<hbm>>
    %dma_wait3A_559 = arith.constant 0 : i32
    %dma_wait3A_560 = arith.constant 0 : i32
    %dma_wait3A_561 = tpu.memref_slice %arg4[%arg1, %dma_wait3A_556, %dma_wait3A_559, %dma_wait3A_560] : memref<16x3x16x2048xf32, #tpu.memory_space<vmem_shared>> -> memref<1x1x16x2048xf32, #tpu.memory_space<vmem_shared>>
    %dma_wait3A_562 = tpu.memref_squeeze %dma_wait3A_561 : memref<1x1x16x2048xf32, #tpu.memory_space<vmem_shared>> -> memref<16x2048xf32, #tpu.memory_space<vmem_shared>>
    tpu.wait_dma2 semaphore(%arg9 : memref<!tpu.dma_semaphore, #tpu.memory_space<semaphore_mem>>) src(%dma_wait3A_562 : memref<16x2048xf32, #tpu.memory_space<vmem_shared>>) dst(%dma_wait3A_558 : memref<16x2048xf32, #tpu.memory_space<hbm>>)
    %add3A_563 = arith.constant 304 : i32
    %add3A_564 = arith.addi %mul3A_2, %add3A_563 : i32
    %dma_start3A_565 = arith.constant 1 : i32
    %dma_start3A_566 = arith.constant 0 : i32
    %dma_start3A_567 = arith.constant 0 : i32
    %dma_start3A_568 = tpu.memref_slice %arg4[%arg1, %dma_start3A_565, %dma_start3A_566, %dma_start3A_567] : memref<16x3x16x2048xf32, #tpu.memory_space<vmem_shared>> -> memref<1x1x16x2048xf32, #tpu.memory_space<vmem_shared>>
    %dma_start3A_569 = tpu.memref_squeeze %dma_start3A_568 : memref<1x1x16x2048xf32, #tpu.memory_space<vmem_shared>> -> memref<16x2048xf32, #tpu.memory_space<vmem_shared>>
    %dma_start3A_570 = arith.constant 0 : i32
    %dma_start3A_571 = tpu.memref_slice %arg2[%add3A_564, %dma_start3A_570] : memref<16384x2048xf32, #tpu.memory_space<hbm>> -> memref<16x2048xf32, #tpu.memory_space<hbm>>
    tpu.enqueue_dma source(%dma_start3A_571 : memref<16x2048xf32, #tpu.memory_space<hbm>>) target(%dma_start3A_569 : memref<16x2048xf32, #tpu.memory_space<vmem_shared>>) target_semaphore(%arg6 : memref<!tpu.dma_semaphore, #tpu.memory_space<semaphore_mem>>)
    %dma_wait3A_572 = arith.constant 2 : i32
    %dma_wait3A_573 = arith.constant 0 : i32
    %dma_wait3A_574 = arith.constant 0 : i32
    %dma_wait3A_575 = tpu.memref_slice %arg4[%arg1, %dma_wait3A_572, %dma_wait3A_573, %dma_wait3A_574] : memref<16x3x16x2048xf32, #tpu.memory_space<vmem_shared>> -> memref<1x1x16x2048xf32, #tpu.memory_space<vmem_shared>>
    %dma_wait3A_576 = tpu.memref_squeeze %dma_wait3A_575 : memref<1x1x16x2048xf32, #tpu.memory_space<vmem_shared>> -> memref<16x2048xf32, #tpu.memory_space<vmem_shared>>
    %dma_wait3A_577 = arith.constant 0 : i32
    %dma_wait3A_578 = tpu.memref_slice %arg2[%add3A_500, %dma_wait3A_577] : memref<16384x2048xf32, #tpu.memory_space<hbm>> -> memref<16x2048xf32, #tpu.memory_space<hbm>>
    tpu.wait_dma2 semaphore(%arg7 : memref<!tpu.dma_semaphore, #tpu.memory_space<semaphore_mem>>) src(%dma_wait3A_578 : memref<16x2048xf32, #tpu.memory_space<hbm>>) dst(%dma_wait3A_576 : memref<16x2048xf32, #tpu.memory_space<vmem_shared>>)
    %add3A_579 = arith.constant 272 : i32
    %add3A_580 = arith.addi %mul3A_2, %add3A_579 : i32
    %dma_start3A_581 = arith.constant 2 : i32
    %dma_start3A_582 = arith.constant 0 : i32
    %dma_start3A_583 = tpu.memref_slice %arg3[%add3A_580, %dma_start3A_582] : memref<16384x2048xf32, #tpu.memory_space<hbm>> -> memref<16x2048xf32, #tpu.memory_space<hbm>>
    %dma_start3A_584 = arith.constant 0 : i32
    %dma_start3A_585 = arith.constant 0 : i32
    %dma_start3A_586 = tpu.memref_slice %arg4[%arg1, %dma_start3A_581, %dma_start3A_584, %dma_start3A_585] : memref<16x3x16x2048xf32, #tpu.memory_space<vmem_shared>> -> memref<1x1x16x2048xf32, #tpu.memory_space<vmem_shared>>
    %dma_start3A_587 = tpu.memref_squeeze %dma_start3A_586 : memref<1x1x16x2048xf32, #tpu.memory_space<vmem_shared>> -> memref<16x2048xf32, #tpu.memory_space<vmem_shared>>
    tpu.enqueue_dma source(%dma_start3A_587 : memref<16x2048xf32, #tpu.memory_space<vmem_shared>>) target(%dma_start3A_583 : memref<16x2048xf32, #tpu.memory_space<hbm>>) target_semaphore(%arg10 : memref<!tpu.dma_semaphore, #tpu.memory_space<semaphore_mem>>)
    %dma_wait3A_588 = arith.constant 2 : i32
    %dma_wait3A_589 = arith.constant 0 : i32
    %dma_wait3A_590 = tpu.memref_slice %arg3[%add3A_580, %dma_wait3A_589] : memref<16384x2048xf32, #tpu.memory_space<hbm>> -> memref<16x2048xf32, #tpu.memory_space<hbm>>
    %dma_wait3A_591 = arith.constant 0 : i32
    %dma_wait3A_592 = arith.constant 0 : i32
    %dma_wait3A_593 = tpu.memref_slice %arg4[%arg1, %dma_wait3A_588, %dma_wait3A_591, %dma_wait3A_592] : memref<16x3x16x2048xf32, #tpu.memory_space<vmem_shared>> -> memref<1x1x16x2048xf32, #tpu.memory_space<vmem_shared>>
    %dma_wait3A_594 = tpu.memref_squeeze %dma_wait3A_593 : memref<1x1x16x2048xf32, #tpu.memory_space<vmem_shared>> -> memref<16x2048xf32, #tpu.memory_space<vmem_shared>>
    tpu.wait_dma2 semaphore(%arg10 : memref<!tpu.dma_semaphore, #tpu.memory_space<semaphore_mem>>) src(%dma_wait3A_594 : memref<16x2048xf32, #tpu.memory_space<vmem_shared>>) dst(%dma_wait3A_590 : memref<16x2048xf32, #tpu.memory_space<hbm>>)
    %add3A_595 = arith.constant 320 : i32
    %add3A_596 = arith.addi %mul3A_2, %add3A_595 : i32
    %dma_start3A_597 = arith.constant 2 : i32
    %dma_start3A_598 = arith.constant 0 : i32
    %dma_start3A_599 = arith.constant 0 : i32
    %dma_start3A_600 = tpu.memref_slice %arg4[%arg1, %dma_start3A_597, %dma_start3A_598, %dma_start3A_599] : memref<16x3x16x2048xf32, #tpu.memory_space<vmem_shared>> -> memref<1x1x16x2048xf32, #tpu.memory_space<vmem_shared>>
    %dma_start3A_601 = tpu.memref_squeeze %dma_start3A_600 : memref<1x1x16x2048xf32, #tpu.memory_space<vmem_shared>> -> memref<16x2048xf32, #tpu.memory_space<vmem_shared>>
    %dma_start3A_602 = arith.constant 0 : i32
    %dma_start3A_603 = tpu.memref_slice %arg2[%add3A_596, %dma_start3A_602] : memref<16384x2048xf32, #tpu.memory_space<hbm>> -> memref<16x2048xf32, #tpu.memory_space<hbm>>
    tpu.enqueue_dma source(%dma_start3A_603 : memref<16x2048xf32, #tpu.memory_space<hbm>>) target(%dma_start3A_601 : memref<16x2048xf32, #tpu.memory_space<vmem_shared>>) target_semaphore(%arg7 : memref<!tpu.dma_semaphore, #tpu.memory_space<semaphore_mem>>)
    %dma_wait3A_604 = arith.constant 0 : i32
    %dma_wait3A_605 = arith.constant 0 : i32
    %dma_wait3A_606 = arith.constant 0 : i32
    %dma_wait3A_607 = tpu.memref_slice %arg4[%arg1, %dma_wait3A_604, %dma_wait3A_605, %dma_wait3A_606] : memref<16x3x16x2048xf32, #tpu.memory_space<vmem_shared>> -> memref<1x1x16x2048xf32, #tpu.memory_space<vmem_shared>>
    %dma_wait3A_608 = tpu.memref_squeeze %dma_wait3A_607 : memref<1x1x16x2048xf32, #tpu.memory_space<vmem_shared>> -> memref<16x2048xf32, #tpu.memory_space<vmem_shared>>
    %dma_wait3A_609 = arith.constant 0 : i32
    %dma_wait3A_610 = tpu.memref_slice %arg2[%add3A_532, %dma_wait3A_609] : memref<16384x2048xf32, #tpu.memory_space<hbm>> -> memref<16x2048xf32, #tpu.memory_space<hbm>>
    tpu.wait_dma2 semaphore(%arg5 : memref<!tpu.dma_semaphore, #tpu.memory_space<semaphore_mem>>) src(%dma_wait3A_610 : memref<16x2048xf32, #tpu.memory_space<hbm>>) dst(%dma_wait3A_608 : memref<16x2048xf32, #tpu.memory_space<vmem_shared>>)
    %add3A_611 = arith.constant 288 : i32
    %add3A_612 = arith.addi %mul3A_2, %add3A_611 : i32
    %dma_start3A_613 = arith.constant 0 : i32
    %dma_start3A_614 = arith.constant 0 : i32
    %dma_start3A_615 = tpu.memref_slice %arg3[%add3A_612, %dma_start3A_614] : memref<16384x2048xf32, #tpu.memory_space<hbm>> -> memref<16x2048xf32, #tpu.memory_space<hbm>>
    %dma_start3A_616 = arith.constant 0 : i32
    %dma_start3A_617 = arith.constant 0 : i32
    %dma_start3A_618 = tpu.memref_slice %arg4[%arg1, %dma_start3A_613, %dma_start3A_616, %dma_start3A_617] : memref<16x3x16x2048xf32, #tpu.memory_space<vmem_shared>> -> memref<1x1x16x2048xf32, #tpu.memory_space<vmem_shared>>
    %dma_start3A_619 = tpu.memref_squeeze %dma_start3A_618 : memref<1x1x16x2048xf32, #tpu.memory_space<vmem_shared>> -> memref<16x2048xf32, #tpu.memory_space<vmem_shared>>
    tpu.enqueue_dma source(%dma_start3A_619 : memref<16x2048xf32, #tpu.memory_space<vmem_shared>>) target(%dma_start3A_615 : memref<16x2048xf32, #tpu.memory_space<hbm>>) target_semaphore(%arg8 : memref<!tpu.dma_semaphore, #tpu.memory_space<semaphore_mem>>)
    %dma_wait3A_620 = arith.constant 0 : i32
    %dma_wait3A_621 = arith.constant 0 : i32
    %dma_wait3A_622 = tpu.memref_slice %arg3[%add3A_612, %dma_wait3A_621] : memref<16384x2048xf32, #tpu.memory_space<hbm>> -> memref<16x2048xf32, #tpu.memory_space<hbm>>
    %dma_wait3A_623 = arith.constant 0 : i32
    %dma_wait3A_624 = arith.constant 0 : i32
    %dma_wait3A_625 = tpu.memref_slice %arg4[%arg1, %dma_wait3A_620, %dma_wait3A_623, %dma_wait3A_624] : memref<16x3x16x2048xf32, #tpu.memory_space<vmem_shared>> -> memref<1x1x16x2048xf32, #tpu.memory_space<vmem_shared>>
    %dma_wait3A_626 = tpu.memref_squeeze %dma_wait3A_625 : memref<1x1x16x2048xf32, #tpu.memory_space<vmem_shared>> -> memref<16x2048xf32, #tpu.memory_space<vmem_shared>>
    tpu.wait_dma2 semaphore(%arg8 : memref<!tpu.dma_semaphore, #tpu.memory_space<semaphore_mem>>) src(%dma_wait3A_626 : memref<16x2048xf32, #tpu.memory_space<vmem_shared>>) dst(%dma_wait3A_622 : memref<16x2048xf32, #tpu.memory_space<hbm>>)
    %add3A_627 = arith.constant 336 : i32
    %add3A_628 = arith.addi %mul3A_2, %add3A_627 : i32
    %dma_start3A_629 = arith.constant 0 : i32
    %dma_start3A_630 = arith.constant 0 : i32
    %dma_start3A_631 = arith.constant 0 : i32
    %dma_start3A_632 = tpu.memref_slice %arg4[%arg1, %dma_start3A_629, %dma_start3A_630, %dma_start3A_631] : memref<16x3x16x2048xf32, #tpu.memory_space<vmem_shared>> -> memref<1x1x16x2048xf32, #tpu.memory_space<vmem_shared>>
    %dma_start3A_633 = tpu.memref_squeeze %dma_start3A_632 : memref<1x1x16x2048xf32, #tpu.memory_space<vmem_shared>> -> memref<16x2048xf32, #tpu.memory_space<vmem_shared>>
    %dma_start3A_634 = arith.constant 0 : i32
    %dma_start3A_635 = tpu.memref_slice %arg2[%add3A_628, %dma_start3A_634] : memref<16384x2048xf32, #tpu.memory_space<hbm>> -> memref<16x2048xf32, #tpu.memory_space<hbm>>
    tpu.enqueue_dma source(%dma_start3A_635 : memref<16x2048xf32, #tpu.memory_space<hbm>>) target(%dma_start3A_633 : memref<16x2048xf32, #tpu.memory_space<vmem_shared>>) target_semaphore(%arg5 : memref<!tpu.dma_semaphore, #tpu.memory_space<semaphore_mem>>)
    %dma_wait3A_636 = arith.constant 1 : i32
    %dma_wait3A_637 = arith.constant 0 : i32
    %dma_wait3A_638 = arith.constant 0 : i32
    %dma_wait3A_639 = tpu.memref_slice %arg4[%arg1, %dma_wait3A_636, %dma_wait3A_637, %dma_wait3A_638] : memref<16x3x16x2048xf32, #tpu.memory_space<vmem_shared>> -> memref<1x1x16x2048xf32, #tpu.memory_space<vmem_shared>>
    %dma_wait3A_640 = tpu.memref_squeeze %dma_wait3A_639 : memref<1x1x16x2048xf32, #tpu.memory_space<vmem_shared>> -> memref<16x2048xf32, #tpu.memory_space<vmem_shared>>
    %dma_wait3A_641 = arith.constant 0 : i32
    %dma_wait3A_642 = tpu.memref_slice %arg2[%add3A_564, %dma_wait3A_641] : memref<16384x2048xf32, #tpu.memory_space<hbm>> -> memref<16x2048xf32, #tpu.memory_space<hbm>>
    tpu.wait_dma2 semaphore(%arg6 : memref<!tpu.dma_semaphore, #tpu.memory_space<semaphore_mem>>) src(%dma_wait3A_642 : memref<16x2048xf32, #tpu.memory_space<hbm>>) dst(%dma_wait3A_640 : memref<16x2048xf32, #tpu.memory_space<vmem_shared>>)
    %add3A_643 = arith.constant 304 : i32
    %add3A_644 = arith.addi %mul3A_2, %add3A_643 : i32
    %dma_start3A_645 = arith.constant 1 : i32
    %dma_start3A_646 = arith.constant 0 : i32
    %dma_start3A_647 = tpu.memref_slice %arg3[%add3A_644, %dma_start3A_646] : memref<16384x2048xf32, #tpu.memory_space<hbm>> -> memref<16x2048xf32, #tpu.memory_space<hbm>>
    %dma_start3A_648 = arith.constant 0 : i32
    %dma_start3A_649 = arith.constant 0 : i32
    %dma_start3A_650 = tpu.memref_slice %arg4[%arg1, %dma_start3A_645, %dma_start3A_648, %dma_start3A_649] : memref<16x3x16x2048xf32, #tpu.memory_space<vmem_shared>> -> memref<1x1x16x2048xf32, #tpu.memory_space<vmem_shared>>
    %dma_start3A_651 = tpu.memref_squeeze %dma_start3A_650 : memref<1x1x16x2048xf32, #tpu.memory_space<vmem_shared>> -> memref<16x2048xf32, #tpu.memory_space<vmem_shared>>
    tpu.enqueue_dma source(%dma_start3A_651 : memref<16x2048xf32, #tpu.memory_space<vmem_shared>>) target(%dma_start3A_647 : memref<16x2048xf32, #tpu.memory_space<hbm>>) target_semaphore(%arg9 : memref<!tpu.dma_semaphore, #tpu.memory_space<semaphore_mem>>)
    %dma_wait3A_652 = arith.constant 1 : i32
    %dma_wait3A_653 = arith.constant 0 : i32
    %dma_wait3A_654 = tpu.memref_slice %arg3[%add3A_644, %dma_wait3A_653] : memref<16384x2048xf32, #tpu.memory_space<hbm>> -> memref<16x2048xf32, #tpu.memory_space<hbm>>
    %dma_wait3A_655 = arith.constant 0 : i32
    %dma_wait3A_656 = arith.constant 0 : i32
    %dma_wait3A_657 = tpu.memref_slice %arg4[%arg1, %dma_wait3A_652, %dma_wait3A_655, %dma_wait3A_656] : memref<16x3x16x2048xf32, #tpu.memory_space<vmem_shared>> -> memref<1x1x16x2048xf32, #tpu.memory_space<vmem_shared>>
    %dma_wait3A_658 = tpu.memref_squeeze %dma_wait3A_657 : memref<1x1x16x2048xf32, #tpu.memory_space<vmem_shared>> -> memref<16x2048xf32, #tpu.memory_space<vmem_shared>>
    tpu.wait_dma2 semaphore(%arg9 : memref<!tpu.dma_semaphore, #tpu.memory_space<semaphore_mem>>) src(%dma_wait3A_658 : memref<16x2048xf32, #tpu.memory_space<vmem_shared>>) dst(%dma_wait3A_654 : memref<16x2048xf32, #tpu.memory_space<hbm>>)
    %add3A_659 = arith.constant 352 : i32
    %add3A_660 = arith.addi %mul3A_2, %add3A_659 : i32
    %dma_start3A_661 = arith.constant 1 : i32
    %dma_start3A_662 = arith.constant 0 : i32
    %dma_start3A_663 = arith.constant 0 : i32
    %dma_start3A_664 = tpu.memref_slice %arg4[%arg1, %dma_start3A_661, %dma_start3A_662, %dma_start3A_663] : memref<16x3x16x2048xf32, #tpu.memory_space<vmem_shared>> -> memref<1x1x16x2048xf32, #tpu.memory_space<vmem_shared>>
    %dma_start3A_665 = tpu.memref_squeeze %dma_start3A_664 : memref<1x1x16x2048xf32, #tpu.memory_space<vmem_shared>> -> memref<16x2048xf32, #tpu.memory_space<vmem_shared>>
    %dma_start3A_666 = arith.constant 0 : i32
    %dma_start3A_667 = tpu.memref_slice %arg2[%add3A_660, %dma_start3A_666] : memref<16384x2048xf32, #tpu.memory_space<hbm>> -> memref<16x2048xf32, #tpu.memory_space<hbm>>
    tpu.enqueue_dma source(%dma_start3A_667 : memref<16x2048xf32, #tpu.memory_space<hbm>>) target(%dma_start3A_665 : memref<16x2048xf32, #tpu.memory_space<vmem_shared>>) target_semaphore(%arg6 : memref<!tpu.dma_semaphore, #tpu.memory_space<semaphore_mem>>)
    %dma_wait3A_668 = arith.constant 2 : i32
    %dma_wait3A_669 = arith.constant 0 : i32
    %dma_wait3A_670 = arith.constant 0 : i32
    %dma_wait3A_671 = tpu.memref_slice %arg4[%arg1, %dma_wait3A_668, %dma_wait3A_669, %dma_wait3A_670] : memref<16x3x16x2048xf32, #tpu.memory_space<vmem_shared>> -> memref<1x1x16x2048xf32, #tpu.memory_space<vmem_shared>>
    %dma_wait3A_672 = tpu.memref_squeeze %dma_wait3A_671 : memref<1x1x16x2048xf32, #tpu.memory_space<vmem_shared>> -> memref<16x2048xf32, #tpu.memory_space<vmem_shared>>
    %dma_wait3A_673 = arith.constant 0 : i32
    %dma_wait3A_674 = tpu.memref_slice %arg2[%add3A_596, %dma_wait3A_673] : memref<16384x2048xf32, #tpu.memory_space<hbm>> -> memref<16x2048xf32, #tpu.memory_space<hbm>>
    tpu.wait_dma2 semaphore(%arg7 : memref<!tpu.dma_semaphore, #tpu.memory_space<semaphore_mem>>) src(%dma_wait3A_674 : memref<16x2048xf32, #tpu.memory_space<hbm>>) dst(%dma_wait3A_672 : memref<16x2048xf32, #tpu.memory_space<vmem_shared>>)
    %add3A_675 = arith.constant 320 : i32
    %add3A_676 = arith.addi %mul3A_2, %add3A_675 : i32
    %dma_start3A_677 = arith.constant 2 : i32
    %dma_start3A_678 = arith.constant 0 : i32
    %dma_start3A_679 = tpu.memref_slice %arg3[%add3A_676, %dma_start3A_678] : memref<16384x2048xf32, #tpu.memory_space<hbm>> -> memref<16x2048xf32, #tpu.memory_space<hbm>>
    %dma_start3A_680 = arith.constant 0 : i32
    %dma_start3A_681 = arith.constant 0 : i32
    %dma_start3A_682 = tpu.memref_slice %arg4[%arg1, %dma_start3A_677, %dma_start3A_680, %dma_start3A_681] : memref<16x3x16x2048xf32, #tpu.memory_space<vmem_shared>> -> memref<1x1x16x2048xf32, #tpu.memory_space<vmem_shared>>
    %dma_start3A_683 = tpu.memref_squeeze %dma_start3A_682 : memref<1x1x16x2048xf32, #tpu.memory_space<vmem_shared>> -> memref<16x2048xf32, #tpu.memory_space<vmem_shared>>
    tpu.enqueue_dma source(%dma_start3A_683 : memref<16x2048xf32, #tpu.memory_space<vmem_shared>>) target(%dma_start3A_679 : memref<16x2048xf32, #tpu.memory_space<hbm>>) target_semaphore(%arg10 : memref<!tpu.dma_semaphore, #tpu.memory_space<semaphore_mem>>)
    %dma_wait3A_684 = arith.constant 2 : i32
    %dma_wait3A_685 = arith.constant 0 : i32
    %dma_wait3A_686 = tpu.memref_slice %arg3[%add3A_676, %dma_wait3A_685] : memref<16384x2048xf32, #tpu.memory_space<hbm>> -> memref<16x2048xf32, #tpu.memory_space<hbm>>
    %dma_wait3A_687 = arith.constant 0 : i32
    %dma_wait3A_688 = arith.constant 0 : i32
    %dma_wait3A_689 = tpu.memref_slice %arg4[%arg1, %dma_wait3A_684, %dma_wait3A_687, %dma_wait3A_688] : memref<16x3x16x2048xf32, #tpu.memory_space<vmem_shared>> -> memref<1x1x16x2048xf32, #tpu.memory_space<vmem_shared>>
    %dma_wait3A_690 = tpu.memref_squeeze %dma_wait3A_689 : memref<1x1x16x2048xf32, #tpu.memory_space<vmem_shared>> -> memref<16x2048xf32, #tpu.memory_space<vmem_shared>>
    tpu.wait_dma2 semaphore(%arg10 : memref<!tpu.dma_semaphore, #tpu.memory_space<semaphore_mem>>) src(%dma_wait3A_690 : memref<16x2048xf32, #tpu.memory_space<vmem_shared>>) dst(%dma_wait3A_686 : memref<16x2048xf32, #tpu.memory_space<hbm>>)
    %add3A_691 = arith.constant 368 : i32
    %add3A_692 = arith.addi %mul3A_2, %add3A_691 : i32
    %dma_start3A_693 = arith.constant 2 : i32
    %dma_start3A_694 = arith.constant 0 : i32
    %dma_start3A_695 = arith.constant 0 : i32
    %dma_start3A_696 = tpu.memref_slice %arg4[%arg1, %dma_start3A_693, %dma_start3A_694, %dma_start3A_695] : memref<16x3x16x2048xf32, #tpu.memory_space<vmem_shared>> -> memref<1x1x16x2048xf32, #tpu.memory_space<vmem_shared>>
    %dma_start3A_697 = tpu.memref_squeeze %dma_start3A_696 : memref<1x1x16x2048xf32, #tpu.memory_space<vmem_shared>> -> memref<16x2048xf32, #tpu.memory_space<vmem_shared>>
    %dma_start3A_698 = arith.constant 0 : i32
    %dma_start3A_699 = tpu.memref_slice %arg2[%add3A_692, %dma_start3A_698] : memref<16384x2048xf32, #tpu.memory_space<hbm>> -> memref<16x2048xf32, #tpu.memory_space<hbm>>
    tpu.enqueue_dma source(%dma_start3A_699 : memref<16x2048xf32, #tpu.memory_space<hbm>>) target(%dma_start3A_697 : memref<16x2048xf32, #tpu.memory_space<vmem_shared>>) target_semaphore(%arg7 : memref<!tpu.dma_semaphore, #tpu.memory_space<semaphore_mem>>)
    %dma_wait3A_700 = arith.constant 0 : i32
    %dma_wait3A_701 = arith.constant 0 : i32
    %dma_wait3A_702 = arith.constant 0 : i32
    %dma_wait3A_703 = tpu.memref_slice %arg4[%arg1, %dma_wait3A_700, %dma_wait3A_701, %dma_wait3A_702] : memref<16x3x16x2048xf32, #tpu.memory_space<vmem_shared>> -> memref<1x1x16x2048xf32, #tpu.memory_space<vmem_shared>>
    %dma_wait3A_704 = tpu.memref_squeeze %dma_wait3A_703 : memref<1x1x16x2048xf32, #tpu.memory_space<vmem_shared>> -> memref<16x2048xf32, #tpu.memory_space<vmem_shared>>
    %dma_wait3A_705 = arith.constant 0 : i32
    %dma_wait3A_706 = tpu.memref_slice %arg2[%add3A_628, %dma_wait3A_705] : memref<16384x2048xf32, #tpu.memory_space<hbm>> -> memref<16x2048xf32, #tpu.memory_space<hbm>>
    tpu.wait_dma2 semaphore(%arg5 : memref<!tpu.dma_semaphore, #tpu.memory_space<semaphore_mem>>) src(%dma_wait3A_706 : memref<16x2048xf32, #tpu.memory_space<hbm>>) dst(%dma_wait3A_704 : memref<16x2048xf32, #tpu.memory_space<vmem_shared>>)
    %add3A_707 = arith.constant 336 : i32
    %add3A_708 = arith.addi %mul3A_2, %add3A_707 : i32
    %dma_start3A_709 = arith.constant 0 : i32
    %dma_start3A_710 = arith.constant 0 : i32
    %dma_start3A_711 = tpu.memref_slice %arg3[%add3A_708, %dma_start3A_710] : memref<16384x2048xf32, #tpu.memory_space<hbm>> -> memref<16x2048xf32, #tpu.memory_space<hbm>>
    %dma_start3A_712 = arith.constant 0 : i32
    %dma_start3A_713 = arith.constant 0 : i32
    %dma_start3A_714 = tpu.memref_slice %arg4[%arg1, %dma_start3A_709, %dma_start3A_712, %dma_start3A_713] : memref<16x3x16x2048xf32, #tpu.memory_space<vmem_shared>> -> memref<1x1x16x2048xf32, #tpu.memory_space<vmem_shared>>
    %dma_start3A_715 = tpu.memref_squeeze %dma_start3A_714 : memref<1x1x16x2048xf32, #tpu.memory_space<vmem_shared>> -> memref<16x2048xf32, #tpu.memory_space<vmem_shared>>
    tpu.enqueue_dma source(%dma_start3A_715 : memref<16x2048xf32, #tpu.memory_space<vmem_shared>>) target(%dma_start3A_711 : memref<16x2048xf32, #tpu.memory_space<hbm>>) target_semaphore(%arg8 : memref<!tpu.dma_semaphore, #tpu.memory_space<semaphore_mem>>)
    %dma_wait3A_716 = arith.constant 0 : i32
    %dma_wait3A_717 = arith.constant 0 : i32
    %dma_wait3A_718 = tpu.memref_slice %arg3[%add3A_708, %dma_wait3A_717] : memref<16384x2048xf32, #tpu.memory_space<hbm>> -> memref<16x2048xf32, #tpu.memory_space<hbm>>
    %dma_wait3A_719 = arith.constant 0 : i32
    %dma_wait3A_720 = arith.constant 0 : i32
    %dma_wait3A_721 = tpu.memref_slice %arg4[%arg1, %dma_wait3A_716, %dma_wait3A_719, %dma_wait3A_720] : memref<16x3x16x2048xf32, #tpu.memory_space<vmem_shared>> -> memref<1x1x16x2048xf32, #tpu.memory_space<vmem_shared>>
    %dma_wait3A_722 = tpu.memref_squeeze %dma_wait3A_721 : memref<1x1x16x2048xf32, #tpu.memory_space<vmem_shared>> -> memref<16x2048xf32, #tpu.memory_space<vmem_shared>>
    tpu.wait_dma2 semaphore(%arg8 : memref<!tpu.dma_semaphore, #tpu.memory_space<semaphore_mem>>) src(%dma_wait3A_722 : memref<16x2048xf32, #tpu.memory_space<vmem_shared>>) dst(%dma_wait3A_718 : memref<16x2048xf32, #tpu.memory_space<hbm>>)
    %add3A_723 = arith.constant 384 : i32
    %add3A_724 = arith.addi %mul3A_2, %add3A_723 : i32
    %dma_start3A_725 = arith.constant 0 : i32
    %dma_start3A_726 = arith.constant 0 : i32
    %dma_start3A_727 = arith.constant 0 : i32
    %dma_start3A_728 = tpu.memref_slice %arg4[%arg1, %dma_start3A_725, %dma_start3A_726, %dma_start3A_727] : memref<16x3x16x2048xf32, #tpu.memory_space<vmem_shared>> -> memref<1x1x16x2048xf32, #tpu.memory_space<vmem_shared>>
    %dma_start3A_729 = tpu.memref_squeeze %dma_start3A_728 : memref<1x1x16x2048xf32, #tpu.memory_space<vmem_shared>> -> memref<16x2048xf32, #tpu.memory_space<vmem_shared>>
    %dma_start3A_730 = arith.constant 0 : i32
    %dma_start3A_731 = tpu.memref_slice %arg2[%add3A_724, %dma_start3A_730] : memref<16384x2048xf32, #tpu.memory_space<hbm>> -> memref<16x2048xf32, #tpu.memory_space<hbm>>
    tpu.enqueue_dma source(%dma_start3A_731 : memref<16x2048xf32, #tpu.memory_space<hbm>>) target(%dma_start3A_729 : memref<16x2048xf32, #tpu.memory_space<vmem_shared>>) target_semaphore(%arg5 : memref<!tpu.dma_semaphore, #tpu.memory_space<semaphore_mem>>)
    %dma_wait3A_732 = arith.constant 1 : i32
    %dma_wait3A_733 = arith.constant 0 : i32
    %dma_wait3A_734 = arith.constant 0 : i32
    %dma_wait3A_735 = tpu.memref_slice %arg4[%arg1, %dma_wait3A_732, %dma_wait3A_733, %dma_wait3A_734] : memref<16x3x16x2048xf32, #tpu.memory_space<vmem_shared>> -> memref<1x1x16x2048xf32, #tpu.memory_space<vmem_shared>>
    %dma_wait3A_736 = tpu.memref_squeeze %dma_wait3A_735 : memref<1x1x16x2048xf32, #tpu.memory_space<vmem_shared>> -> memref<16x2048xf32, #tpu.memory_space<vmem_shared>>
    %dma_wait3A_737 = arith.constant 0 : i32
    %dma_wait3A_738 = tpu.memref_slice %arg2[%add3A_660, %dma_wait3A_737] : memref<16384x2048xf32, #tpu.memory_space<hbm>> -> memref<16x2048xf32, #tpu.memory_space<hbm>>
    tpu.wait_dma2 semaphore(%arg6 : memref<!tpu.dma_semaphore, #tpu.memory_space<semaphore_mem>>) src(%dma_wait3A_738 : memref<16x2048xf32, #tpu.memory_space<hbm>>) dst(%dma_wait3A_736 : memref<16x2048xf32, #tpu.memory_space<vmem_shared>>)
    %add3A_739 = arith.constant 352 : i32
    %add3A_740 = arith.addi %mul3A_2, %add3A_739 : i32
    %dma_start3A_741 = arith.constant 1 : i32
    %dma_start3A_742 = arith.constant 0 : i32
    %dma_start3A_743 = tpu.memref_slice %arg3[%add3A_740, %dma_start3A_742] : memref<16384x2048xf32, #tpu.memory_space<hbm>> -> memref<16x2048xf32, #tpu.memory_space<hbm>>
    %dma_start3A_744 = arith.constant 0 : i32
    %dma_start3A_745 = arith.constant 0 : i32
    %dma_start3A_746 = tpu.memref_slice %arg4[%arg1, %dma_start3A_741, %dma_start3A_744, %dma_start3A_745] : memref<16x3x16x2048xf32, #tpu.memory_space<vmem_shared>> -> memref<1x1x16x2048xf32, #tpu.memory_space<vmem_shared>>
    %dma_start3A_747 = tpu.memref_squeeze %dma_start3A_746 : memref<1x1x16x2048xf32, #tpu.memory_space<vmem_shared>> -> memref<16x2048xf32, #tpu.memory_space<vmem_shared>>
    tpu.enqueue_dma source(%dma_start3A_747 : memref<16x2048xf32, #tpu.memory_space<vmem_shared>>) target(%dma_start3A_743 : memref<16x2048xf32, #tpu.memory_space<hbm>>) target_semaphore(%arg9 : memref<!tpu.dma_semaphore, #tpu.memory_space<semaphore_mem>>)
    %dma_wait3A_748 = arith.constant 1 : i32
    %dma_wait3A_749 = arith.constant 0 : i32
    %dma_wait3A_750 = tpu.memref_slice %arg3[%add3A_740, %dma_wait3A_749] : memref<16384x2048xf32, #tpu.memory_space<hbm>> -> memref<16x2048xf32, #tpu.memory_space<hbm>>
    %dma_wait3A_751 = arith.constant 0 : i32
    %dma_wait3A_752 = arith.constant 0 : i32
    %dma_wait3A_753 = tpu.memref_slice %arg4[%arg1, %dma_wait3A_748, %dma_wait3A_751, %dma_wait3A_752] : memref<16x3x16x2048xf32, #tpu.memory_space<vmem_shared>> -> memref<1x1x16x2048xf32, #tpu.memory_space<vmem_shared>>
    %dma_wait3A_754 = tpu.memref_squeeze %dma_wait3A_753 : memref<1x1x16x2048xf32, #tpu.memory_space<vmem_shared>> -> memref<16x2048xf32, #tpu.memory_space<vmem_shared>>
    tpu.wait_dma2 semaphore(%arg9 : memref<!tpu.dma_semaphore, #tpu.memory_space<semaphore_mem>>) src(%dma_wait3A_754 : memref<16x2048xf32, #tpu.memory_space<vmem_shared>>) dst(%dma_wait3A_750 : memref<16x2048xf32, #tpu.memory_space<hbm>>)
    %add3A_755 = arith.constant 400 : i32
    %add3A_756 = arith.addi %mul3A_2, %add3A_755 : i32
    %dma_start3A_757 = arith.constant 1 : i32
    %dma_start3A_758 = arith.constant 0 : i32
    %dma_start3A_759 = arith.constant 0 : i32
    %dma_start3A_760 = tpu.memref_slice %arg4[%arg1, %dma_start3A_757, %dma_start3A_758, %dma_start3A_759] : memref<16x3x16x2048xf32, #tpu.memory_space<vmem_shared>> -> memref<1x1x16x2048xf32, #tpu.memory_space<vmem_shared>>
    %dma_start3A_761 = tpu.memref_squeeze %dma_start3A_760 : memref<1x1x16x2048xf32, #tpu.memory_space<vmem_shared>> -> memref<16x2048xf32, #tpu.memory_space<vmem_shared>>
    %dma_start3A_762 = arith.constant 0 : i32
    %dma_start3A_763 = tpu.memref_slice %arg2[%add3A_756, %dma_start3A_762] : memref<16384x2048xf32, #tpu.memory_space<hbm>> -> memref<16x2048xf32, #tpu.memory_space<hbm>>
    tpu.enqueue_dma source(%dma_start3A_763 : memref<16x2048xf32, #tpu.memory_space<hbm>>) target(%dma_start3A_761 : memref<16x2048xf32, #tpu.memory_space<vmem_shared>>) target_semaphore(%arg6 : memref<!tpu.dma_semaphore, #tpu.memory_space<semaphore_mem>>)
    %dma_wait3A_764 = arith.constant 2 : i32
    %dma_wait3A_765 = arith.constant 0 : i32
    %dma_wait3A_766 = arith.constant 0 : i32
    %dma_wait3A_767 = tpu.memref_slice %arg4[%arg1, %dma_wait3A_764, %dma_wait3A_765, %dma_wait3A_766] : memref<16x3x16x2048xf32, #tpu.memory_space<vmem_shared>> -> memref<1x1x16x2048xf32, #tpu.memory_space<vmem_shared>>
    %dma_wait3A_768 = tpu.memref_squeeze %dma_wait3A_767 : memref<1x1x16x2048xf32, #tpu.memory_space<vmem_shared>> -> memref<16x2048xf32, #tpu.memory_space<vmem_shared>>
    %dma_wait3A_769 = arith.constant 0 : i32
    %dma_wait3A_770 = tpu.memref_slice %arg2[%add3A_692, %dma_wait3A_769] : memref<16384x2048xf32, #tpu.memory_space<hbm>> -> memref<16x2048xf32, #tpu.memory_space<hbm>>
    tpu.wait_dma2 semaphore(%arg7 : memref<!tpu.dma_semaphore, #tpu.memory_space<semaphore_mem>>) src(%dma_wait3A_770 : memref<16x2048xf32, #tpu.memory_space<hbm>>) dst(%dma_wait3A_768 : memref<16x2048xf32, #tpu.memory_space<vmem_shared>>)
    %add3A_771 = arith.constant 368 : i32
    %add3A_772 = arith.addi %mul3A_2, %add3A_771 : i32
    %dma_start3A_773 = arith.constant 2 : i32
    %dma_start3A_774 = arith.constant 0 : i32
    %dma_start3A_775 = tpu.memref_slice %arg3[%add3A_772, %dma_start3A_774] : memref<16384x2048xf32, #tpu.memory_space<hbm>> -> memref<16x2048xf32, #tpu.memory_space<hbm>>
    %dma_start3A_776 = arith.constant 0 : i32
    %dma_start3A_777 = arith.constant 0 : i32
    %dma_start3A_778 = tpu.memref_slice %arg4[%arg1, %dma_start3A_773, %dma_start3A_776, %dma_start3A_777] : memref<16x3x16x2048xf32, #tpu.memory_space<vmem_shared>> -> memref<1x1x16x2048xf32, #tpu.memory_space<vmem_shared>>
    %dma_start3A_779 = tpu.memref_squeeze %dma_start3A_778 : memref<1x1x16x2048xf32, #tpu.memory_space<vmem_shared>> -> memref<16x2048xf32, #tpu.memory_space<vmem_shared>>
    tpu.enqueue_dma source(%dma_start3A_779 : memref<16x2048xf32, #tpu.memory_space<vmem_shared>>) target(%dma_start3A_775 : memref<16x2048xf32, #tpu.memory_space<hbm>>) target_semaphore(%arg10 : memref<!tpu.dma_semaphore, #tpu.memory_space<semaphore_mem>>)
    %dma_wait3A_780 = arith.constant 2 : i32
    %dma_wait3A_781 = arith.constant 0 : i32
    %dma_wait3A_782 = tpu.memref_slice %arg3[%add3A_772, %dma_wait3A_781] : memref<16384x2048xf32, #tpu.memory_space<hbm>> -> memref<16x2048xf32, #tpu.memory_space<hbm>>
    %dma_wait3A_783 = arith.constant 0 : i32
    %dma_wait3A_784 = arith.constant 0 : i32
    %dma_wait3A_785 = tpu.memref_slice %arg4[%arg1, %dma_wait3A_780, %dma_wait3A_783, %dma_wait3A_784] : memref<16x3x16x2048xf32, #tpu.memory_space<vmem_shared>> -> memref<1x1x16x2048xf32, #tpu.memory_space<vmem_shared>>
    %dma_wait3A_786 = tpu.memref_squeeze %dma_wait3A_785 : memref<1x1x16x2048xf32, #tpu.memory_space<vmem_shared>> -> memref<16x2048xf32, #tpu.memory_space<vmem_shared>>
    tpu.wait_dma2 semaphore(%arg10 : memref<!tpu.dma_semaphore, #tpu.memory_space<semaphore_mem>>) src(%dma_wait3A_786 : memref<16x2048xf32, #tpu.memory_space<vmem_shared>>) dst(%dma_wait3A_782 : memref<16x2048xf32, #tpu.memory_space<hbm>>)
    %add3A_787 = arith.constant 416 : i32
    %add3A_788 = arith.addi %mul3A_2, %add3A_787 : i32
    %dma_start3A_789 = arith.constant 2 : i32
    %dma_start3A_790 = arith.constant 0 : i32
    %dma_start3A_791 = arith.constant 0 : i32
    %dma_start3A_792 = tpu.memref_slice %arg4[%arg1, %dma_start3A_789, %dma_start3A_790, %dma_start3A_791] : memref<16x3x16x2048xf32, #tpu.memory_space<vmem_shared>> -> memref<1x1x16x2048xf32, #tpu.memory_space<vmem_shared>>
    %dma_start3A_793 = tpu.memref_squeeze %dma_start3A_792 : memref<1x1x16x2048xf32, #tpu.memory_space<vmem_shared>> -> memref<16x2048xf32, #tpu.memory_space<vmem_shared>>
    %dma_start3A_794 = arith.constant 0 : i32
    %dma_start3A_795 = tpu.memref_slice %arg2[%add3A_788, %dma_start3A_794] : memref<16384x2048xf32, #tpu.memory_space<hbm>> -> memref<16x2048xf32, #tpu.memory_space<hbm>>
    tpu.enqueue_dma source(%dma_start3A_795 : memref<16x2048xf32, #tpu.memory_space<hbm>>) target(%dma_start3A_793 : memref<16x2048xf32, #tpu.memory_space<vmem_shared>>) target_semaphore(%arg7 : memref<!tpu.dma_semaphore, #tpu.memory_space<semaphore_mem>>)
    %dma_wait3A_796 = arith.constant 0 : i32
    %dma_wait3A_797 = arith.constant 0 : i32
    %dma_wait3A_798 = arith.constant 0 : i32
    %dma_wait3A_799 = tpu.memref_slice %arg4[%arg1, %dma_wait3A_796, %dma_wait3A_797, %dma_wait3A_798] : memref<16x3x16x2048xf32, #tpu.memory_space<vmem_shared>> -> memref<1x1x16x2048xf32, #tpu.memory_space<vmem_shared>>
    %dma_wait3A_800 = tpu.memref_squeeze %dma_wait3A_799 : memref<1x1x16x2048xf32, #tpu.memory_space<vmem_shared>> -> memref<16x2048xf32, #tpu.memory_space<vmem_shared>>
    %dma_wait3A_801 = arith.constant 0 : i32
    %dma_wait3A_802 = tpu.memref_slice %arg2[%add3A_724, %dma_wait3A_801] : memref<16384x2048xf32, #tpu.memory_space<hbm>> -> memref<16x2048xf32, #tpu.memory_space<hbm>>
    tpu.wait_dma2 semaphore(%arg5 : memref<!tpu.dma_semaphore, #tpu.memory_space<semaphore_mem>>) src(%dma_wait3A_802 : memref<16x2048xf32, #tpu.memory_space<hbm>>) dst(%dma_wait3A_800 : memref<16x2048xf32, #tpu.memory_space<vmem_shared>>)
    %add3A_803 = arith.constant 384 : i32
    %add3A_804 = arith.addi %mul3A_2, %add3A_803 : i32
    %dma_start3A_805 = arith.constant 0 : i32
    %dma_start3A_806 = arith.constant 0 : i32
    %dma_start3A_807 = tpu.memref_slice %arg3[%add3A_804, %dma_start3A_806] : memref<16384x2048xf32, #tpu.memory_space<hbm>> -> memref<16x2048xf32, #tpu.memory_space<hbm>>
    %dma_start3A_808 = arith.constant 0 : i32
    %dma_start3A_809 = arith.constant 0 : i32
    %dma_start3A_810 = tpu.memref_slice %arg4[%arg1, %dma_start3A_805, %dma_start3A_808, %dma_start3A_809] : memref<16x3x16x2048xf32, #tpu.memory_space<vmem_shared>> -> memref<1x1x16x2048xf32, #tpu.memory_space<vmem_shared>>
    %dma_start3A_811 = tpu.memref_squeeze %dma_start3A_810 : memref<1x1x16x2048xf32, #tpu.memory_space<vmem_shared>> -> memref<16x2048xf32, #tpu.memory_space<vmem_shared>>
    tpu.enqueue_dma source(%dma_start3A_811 : memref<16x2048xf32, #tpu.memory_space<vmem_shared>>) target(%dma_start3A_807 : memref<16x2048xf32, #tpu.memory_space<hbm>>) target_semaphore(%arg8 : memref<!tpu.dma_semaphore, #tpu.memory_space<semaphore_mem>>)
    %dma_wait3A_812 = arith.constant 0 : i32
    %dma_wait3A_813 = arith.constant 0 : i32
    %dma_wait3A_814 = tpu.memref_slice %arg3[%add3A_804, %dma_wait3A_813] : memref<16384x2048xf32, #tpu.memory_space<hbm>> -> memref<16x2048xf32, #tpu.memory_space<hbm>>
    %dma_wait3A_815 = arith.constant 0 : i32
    %dma_wait3A_816 = arith.constant 0 : i32
    %dma_wait3A_817 = tpu.memref_slice %arg4[%arg1, %dma_wait3A_812, %dma_wait3A_815, %dma_wait3A_816] : memref<16x3x16x2048xf32, #tpu.memory_space<vmem_shared>> -> memref<1x1x16x2048xf32, #tpu.memory_space<vmem_shared>>
    %dma_wait3A_818 = tpu.memref_squeeze %dma_wait3A_817 : memref<1x1x16x2048xf32, #tpu.memory_space<vmem_shared>> -> memref<16x2048xf32, #tpu.memory_space<vmem_shared>>
    tpu.wait_dma2 semaphore(%arg8 : memref<!tpu.dma_semaphore, #tpu.memory_space<semaphore_mem>>) src(%dma_wait3A_818 : memref<16x2048xf32, #tpu.memory_space<vmem_shared>>) dst(%dma_wait3A_814 : memref<16x2048xf32, #tpu.memory_space<hbm>>)
    %add3A_819 = arith.constant 432 : i32
    %add3A_820 = arith.addi %mul3A_2, %add3A_819 : i32
    %dma_start3A_821 = arith.constant 0 : i32
    %dma_start3A_822 = arith.constant 0 : i32
    %dma_start3A_823 = arith.constant 0 : i32
    %dma_start3A_824 = tpu.memref_slice %arg4[%arg1, %dma_start3A_821, %dma_start3A_822, %dma_start3A_823] : memref<16x3x16x2048xf32, #tpu.memory_space<vmem_shared>> -> memref<1x1x16x2048xf32, #tpu.memory_space<vmem_shared>>
    %dma_start3A_825 = tpu.memref_squeeze %dma_start3A_824 : memref<1x1x16x2048xf32, #tpu.memory_space<vmem_shared>> -> memref<16x2048xf32, #tpu.memory_space<vmem_shared>>
    %dma_start3A_826 = arith.constant 0 : i32
    %dma_start3A_827 = tpu.memref_slice %arg2[%add3A_820, %dma_start3A_826] : memref<16384x2048xf32, #tpu.memory_space<hbm>> -> memref<16x2048xf32, #tpu.memory_space<hbm>>
    tpu.enqueue_dma source(%dma_start3A_827 : memref<16x2048xf32, #tpu.memory_space<hbm>>) target(%dma_start3A_825 : memref<16x2048xf32, #tpu.memory_space<vmem_shared>>) target_semaphore(%arg5 : memref<!tpu.dma_semaphore, #tpu.memory_space<semaphore_mem>>)
    %dma_wait3A_828 = arith.constant 1 : i32
    %dma_wait3A_829 = arith.constant 0 : i32
    %dma_wait3A_830 = arith.constant 0 : i32
    %dma_wait3A_831 = tpu.memref_slice %arg4[%arg1, %dma_wait3A_828, %dma_wait3A_829, %dma_wait3A_830] : memref<16x3x16x2048xf32, #tpu.memory_space<vmem_shared>> -> memref<1x1x16x2048xf32, #tpu.memory_space<vmem_shared>>
    %dma_wait3A_832 = tpu.memref_squeeze %dma_wait3A_831 : memref<1x1x16x2048xf32, #tpu.memory_space<vmem_shared>> -> memref<16x2048xf32, #tpu.memory_space<vmem_shared>>
    %dma_wait3A_833 = arith.constant 0 : i32
    %dma_wait3A_834 = tpu.memref_slice %arg2[%add3A_756, %dma_wait3A_833] : memref<16384x2048xf32, #tpu.memory_space<hbm>> -> memref<16x2048xf32, #tpu.memory_space<hbm>>
    tpu.wait_dma2 semaphore(%arg6 : memref<!tpu.dma_semaphore, #tpu.memory_space<semaphore_mem>>) src(%dma_wait3A_834 : memref<16x2048xf32, #tpu.memory_space<hbm>>) dst(%dma_wait3A_832 : memref<16x2048xf32, #tpu.memory_space<vmem_shared>>)
    %add3A_835 = arith.constant 400 : i32
    %add3A_836 = arith.addi %mul3A_2, %add3A_835 : i32
    %dma_start3A_837 = arith.constant 1 : i32
    %dma_start3A_838 = arith.constant 0 : i32
    %dma_start3A_839 = tpu.memref_slice %arg3[%add3A_836, %dma_start3A_838] : memref<16384x2048xf32, #tpu.memory_space<hbm>> -> memref<16x2048xf32, #tpu.memory_space<hbm>>
    %dma_start3A_840 = arith.constant 0 : i32
    %dma_start3A_841 = arith.constant 0 : i32
    %dma_start3A_842 = tpu.memref_slice %arg4[%arg1, %dma_start3A_837, %dma_start3A_840, %dma_start3A_841] : memref<16x3x16x2048xf32, #tpu.memory_space<vmem_shared>> -> memref<1x1x16x2048xf32, #tpu.memory_space<vmem_shared>>
    %dma_start3A_843 = tpu.memref_squeeze %dma_start3A_842 : memref<1x1x16x2048xf32, #tpu.memory_space<vmem_shared>> -> memref<16x2048xf32, #tpu.memory_space<vmem_shared>>
    tpu.enqueue_dma source(%dma_start3A_843 : memref<16x2048xf32, #tpu.memory_space<vmem_shared>>) target(%dma_start3A_839 : memref<16x2048xf32, #tpu.memory_space<hbm>>) target_semaphore(%arg9 : memref<!tpu.dma_semaphore, #tpu.memory_space<semaphore_mem>>)
    %dma_wait3A_844 = arith.constant 1 : i32
    %dma_wait3A_845 = arith.constant 0 : i32
    %dma_wait3A_846 = tpu.memref_slice %arg3[%add3A_836, %dma_wait3A_845] : memref<16384x2048xf32, #tpu.memory_space<hbm>> -> memref<16x2048xf32, #tpu.memory_space<hbm>>
    %dma_wait3A_847 = arith.constant 0 : i32
    %dma_wait3A_848 = arith.constant 0 : i32
    %dma_wait3A_849 = tpu.memref_slice %arg4[%arg1, %dma_wait3A_844, %dma_wait3A_847, %dma_wait3A_848] : memref<16x3x16x2048xf32, #tpu.memory_space<vmem_shared>> -> memref<1x1x16x2048xf32, #tpu.memory_space<vmem_shared>>
    %dma_wait3A_850 = tpu.memref_squeeze %dma_wait3A_849 : memref<1x1x16x2048xf32, #tpu.memory_space<vmem_shared>> -> memref<16x2048xf32, #tpu.memory_space<vmem_shared>>
    tpu.wait_dma2 semaphore(%arg9 : memref<!tpu.dma_semaphore, #tpu.memory_space<semaphore_mem>>) src(%dma_wait3A_850 : memref<16x2048xf32, #tpu.memory_space<vmem_shared>>) dst(%dma_wait3A_846 : memref<16x2048xf32, #tpu.memory_space<hbm>>)
    %add3A_851 = arith.constant 448 : i32
    %add3A_852 = arith.addi %mul3A_2, %add3A_851 : i32
    %dma_start3A_853 = arith.constant 1 : i32
    %dma_start3A_854 = arith.constant 0 : i32
    %dma_start3A_855 = arith.constant 0 : i32
    %dma_start3A_856 = tpu.memref_slice %arg4[%arg1, %dma_start3A_853, %dma_start3A_854, %dma_start3A_855] : memref<16x3x16x2048xf32, #tpu.memory_space<vmem_shared>> -> memref<1x1x16x2048xf32, #tpu.memory_space<vmem_shared>>
    %dma_start3A_857 = tpu.memref_squeeze %dma_start3A_856 : memref<1x1x16x2048xf32, #tpu.memory_space<vmem_shared>> -> memref<16x2048xf32, #tpu.memory_space<vmem_shared>>
    %dma_start3A_858 = arith.constant 0 : i32
    %dma_start3A_859 = tpu.memref_slice %arg2[%add3A_852, %dma_start3A_858] : memref<16384x2048xf32, #tpu.memory_space<hbm>> -> memref<16x2048xf32, #tpu.memory_space<hbm>>
    tpu.enqueue_dma source(%dma_start3A_859 : memref<16x2048xf32, #tpu.memory_space<hbm>>) target(%dma_start3A_857 : memref<16x2048xf32, #tpu.memory_space<vmem_shared>>) target_semaphore(%arg6 : memref<!tpu.dma_semaphore, #tpu.memory_space<semaphore_mem>>)
    %dma_wait3A_860 = arith.constant 2 : i32
    %dma_wait3A_861 = arith.constant 0 : i32
    %dma_wait3A_862 = arith.constant 0 : i32
    %dma_wait3A_863 = tpu.memref_slice %arg4[%arg1, %dma_wait3A_860, %dma_wait3A_861, %dma_wait3A_862] : memref<16x3x16x2048xf32, #tpu.memory_space<vmem_shared>> -> memref<1x1x16x2048xf32, #tpu.memory_space<vmem_shared>>
    %dma_wait3A_864 = tpu.memref_squeeze %dma_wait3A_863 : memref<1x1x16x2048xf32, #tpu.memory_space<vmem_shared>> -> memref<16x2048xf32, #tpu.memory_space<vmem_shared>>
    %dma_wait3A_865 = arith.constant 0 : i32
    %dma_wait3A_866 = tpu.memref_slice %arg2[%add3A_788, %dma_wait3A_865] : memref<16384x2048xf32, #tpu.memory_space<hbm>> -> memref<16x2048xf32, #tpu.memory_space<hbm>>
    tpu.wait_dma2 semaphore(%arg7 : memref<!tpu.dma_semaphore, #tpu.memory_space<semaphore_mem>>) src(%dma_wait3A_866 : memref<16x2048xf32, #tpu.memory_space<hbm>>) dst(%dma_wait3A_864 : memref<16x2048xf32, #tpu.memory_space<vmem_shared>>)
    %add3A_867 = arith.constant 416 : i32
    %add3A_868 = arith.addi %mul3A_2, %add3A_867 : i32
    %dma_start3A_869 = arith.constant 2 : i32
    %dma_start3A_870 = arith.constant 0 : i32
    %dma_start3A_871 = tpu.memref_slice %arg3[%add3A_868, %dma_start3A_870] : memref<16384x2048xf32, #tpu.memory_space<hbm>> -> memref<16x2048xf32, #tpu.memory_space<hbm>>
    %dma_start3A_872 = arith.constant 0 : i32
    %dma_start3A_873 = arith.constant 0 : i32
    %dma_start3A_874 = tpu.memref_slice %arg4[%arg1, %dma_start3A_869, %dma_start3A_872, %dma_start3A_873] : memref<16x3x16x2048xf32, #tpu.memory_space<vmem_shared>> -> memref<1x1x16x2048xf32, #tpu.memory_space<vmem_shared>>
    %dma_start3A_875 = tpu.memref_squeeze %dma_start3A_874 : memref<1x1x16x2048xf32, #tpu.memory_space<vmem_shared>> -> memref<16x2048xf32, #tpu.memory_space<vmem_shared>>
    tpu.enqueue_dma source(%dma_start3A_875 : memref<16x2048xf32, #tpu.memory_space<vmem_shared>>) target(%dma_start3A_871 : memref<16x2048xf32, #tpu.memory_space<hbm>>) target_semaphore(%arg10 : memref<!tpu.dma_semaphore, #tpu.memory_space<semaphore_mem>>)
    %dma_wait3A_876 = arith.constant 2 : i32
    %dma_wait3A_877 = arith.constant 0 : i32
    %dma_wait3A_878 = tpu.memref_slice %arg3[%add3A_868, %dma_wait3A_877] : memref<16384x2048xf32, #tpu.memory_space<hbm>> -> memref<16x2048xf32, #tpu.memory_space<hbm>>
    %dma_wait3A_879 = arith.constant 0 : i32
    %dma_wait3A_880 = arith.constant 0 : i32
    %dma_wait3A_881 = tpu.memref_slice %arg4[%arg1, %dma_wait3A_876, %dma_wait3A_879, %dma_wait3A_880] : memref<16x3x16x2048xf32, #tpu.memory_space<vmem_shared>> -> memref<1x1x16x2048xf32, #tpu.memory_space<vmem_shared>>
    %dma_wait3A_882 = tpu.memref_squeeze %dma_wait3A_881 : memref<1x1x16x2048xf32, #tpu.memory_space<vmem_shared>> -> memref<16x2048xf32, #tpu.memory_space<vmem_shared>>
    tpu.wait_dma2 semaphore(%arg10 : memref<!tpu.dma_semaphore, #tpu.memory_space<semaphore_mem>>) src(%dma_wait3A_882 : memref<16x2048xf32, #tpu.memory_space<vmem_shared>>) dst(%dma_wait3A_878 : memref<16x2048xf32, #tpu.memory_space<hbm>>)
    %add3A_883 = arith.constant 464 : i32
    %add3A_884 = arith.addi %mul3A_2, %add3A_883 : i32
    %dma_start3A_885 = arith.constant 2 : i32
    %dma_start3A_886 = arith.constant 0 : i32
    %dma_start3A_887 = arith.constant 0 : i32
    %dma_start3A_888 = tpu.memref_slice %arg4[%arg1, %dma_start3A_885, %dma_start3A_886, %dma_start3A_887] : memref<16x3x16x2048xf32, #tpu.memory_space<vmem_shared>> -> memref<1x1x16x2048xf32, #tpu.memory_space<vmem_shared>>
    %dma_start3A_889 = tpu.memref_squeeze %dma_start3A_888 : memref<1x1x16x2048xf32, #tpu.memory_space<vmem_shared>> -> memref<16x2048xf32, #tpu.memory_space<vmem_shared>>
    %dma_start3A_890 = arith.constant 0 : i32
    %dma_start3A_891 = tpu.memref_slice %arg2[%add3A_884, %dma_start3A_890] : memref<16384x2048xf32, #tpu.memory_space<hbm>> -> memref<16x2048xf32, #tpu.memory_space<hbm>>
    tpu.enqueue_dma source(%dma_start3A_891 : memref<16x2048xf32, #tpu.memory_space<hbm>>) target(%dma_start3A_889 : memref<16x2048xf32, #tpu.memory_space<vmem_shared>>) target_semaphore(%arg7 : memref<!tpu.dma_semaphore, #tpu.memory_space<semaphore_mem>>)
    %dma_wait3A_892 = arith.constant 0 : i32
    %dma_wait3A_893 = arith.constant 0 : i32
    %dma_wait3A_894 = arith.constant 0 : i32
    %dma_wait3A_895 = tpu.memref_slice %arg4[%arg1, %dma_wait3A_892, %dma_wait3A_893, %dma_wait3A_894] : memref<16x3x16x2048xf32, #tpu.memory_space<vmem_shared>> -> memref<1x1x16x2048xf32, #tpu.memory_space<vmem_shared>>
    %dma_wait3A_896 = tpu.memref_squeeze %dma_wait3A_895 : memref<1x1x16x2048xf32, #tpu.memory_space<vmem_shared>> -> memref<16x2048xf32, #tpu.memory_space<vmem_shared>>
    %dma_wait3A_897 = arith.constant 0 : i32
    %dma_wait3A_898 = tpu.memref_slice %arg2[%add3A_820, %dma_wait3A_897] : memref<16384x2048xf32, #tpu.memory_space<hbm>> -> memref<16x2048xf32, #tpu.memory_space<hbm>>
    tpu.wait_dma2 semaphore(%arg5 : memref<!tpu.dma_semaphore, #tpu.memory_space<semaphore_mem>>) src(%dma_wait3A_898 : memref<16x2048xf32, #tpu.memory_space<hbm>>) dst(%dma_wait3A_896 : memref<16x2048xf32, #tpu.memory_space<vmem_shared>>)
    %add3A_899 = arith.constant 432 : i32
    %add3A_900 = arith.addi %mul3A_2, %add3A_899 : i32
    %dma_start3A_901 = arith.constant 0 : i32
    %dma_start3A_902 = arith.constant 0 : i32
    %dma_start3A_903 = tpu.memref_slice %arg3[%add3A_900, %dma_start3A_902] : memref<16384x2048xf32, #tpu.memory_space<hbm>> -> memref<16x2048xf32, #tpu.memory_space<hbm>>
    %dma_start3A_904 = arith.constant 0 : i32
    %dma_start3A_905 = arith.constant 0 : i32
    %dma_start3A_906 = tpu.memref_slice %arg4[%arg1, %dma_start3A_901, %dma_start3A_904, %dma_start3A_905] : memref<16x3x16x2048xf32, #tpu.memory_space<vmem_shared>> -> memref<1x1x16x2048xf32, #tpu.memory_space<vmem_shared>>
    %dma_start3A_907 = tpu.memref_squeeze %dma_start3A_906 : memref<1x1x16x2048xf32, #tpu.memory_space<vmem_shared>> -> memref<16x2048xf32, #tpu.memory_space<vmem_shared>>
    tpu.enqueue_dma source(%dma_start3A_907 : memref<16x2048xf32, #tpu.memory_space<vmem_shared>>) target(%dma_start3A_903 : memref<16x2048xf32, #tpu.memory_space<hbm>>) target_semaphore(%arg8 : memref<!tpu.dma_semaphore, #tpu.memory_space<semaphore_mem>>)
    %dma_wait3A_908 = arith.constant 0 : i32
    %dma_wait3A_909 = arith.constant 0 : i32
    %dma_wait3A_910 = tpu.memref_slice %arg3[%add3A_900, %dma_wait3A_909] : memref<16384x2048xf32, #tpu.memory_space<hbm>> -> memref<16x2048xf32, #tpu.memory_space<hbm>>
    %dma_wait3A_911 = arith.constant 0 : i32
    %dma_wait3A_912 = arith.constant 0 : i32
    %dma_wait3A_913 = tpu.memref_slice %arg4[%arg1, %dma_wait3A_908, %dma_wait3A_911, %dma_wait3A_912] : memref<16x3x16x2048xf32, #tpu.memory_space<vmem_shared>> -> memref<1x1x16x2048xf32, #tpu.memory_space<vmem_shared>>
    %dma_wait3A_914 = tpu.memref_squeeze %dma_wait3A_913 : memref<1x1x16x2048xf32, #tpu.memory_space<vmem_shared>> -> memref<16x2048xf32, #tpu.memory_space<vmem_shared>>
    tpu.wait_dma2 semaphore(%arg8 : memref<!tpu.dma_semaphore, #tpu.memory_space<semaphore_mem>>) src(%dma_wait3A_914 : memref<16x2048xf32, #tpu.memory_space<vmem_shared>>) dst(%dma_wait3A_910 : memref<16x2048xf32, #tpu.memory_space<hbm>>)
    %add3A_915 = arith.constant 480 : i32
    %add3A_916 = arith.addi %mul3A_2, %add3A_915 : i32
    %dma_start3A_917 = arith.constant 0 : i32
    %dma_start3A_918 = arith.constant 0 : i32
    %dma_start3A_919 = arith.constant 0 : i32
    %dma_start3A_920 = tpu.memref_slice %arg4[%arg1, %dma_start3A_917, %dma_start3A_918, %dma_start3A_919] : memref<16x3x16x2048xf32, #tpu.memory_space<vmem_shared>> -> memref<1x1x16x2048xf32, #tpu.memory_space<vmem_shared>>
    %dma_start3A_921 = tpu.memref_squeeze %dma_start3A_920 : memref<1x1x16x2048xf32, #tpu.memory_space<vmem_shared>> -> memref<16x2048xf32, #tpu.memory_space<vmem_shared>>
    %dma_start3A_922 = arith.constant 0 : i32
    %dma_start3A_923 = tpu.memref_slice %arg2[%add3A_916, %dma_start3A_922] : memref<16384x2048xf32, #tpu.memory_space<hbm>> -> memref<16x2048xf32, #tpu.memory_space<hbm>>
    tpu.enqueue_dma source(%dma_start3A_923 : memref<16x2048xf32, #tpu.memory_space<hbm>>) target(%dma_start3A_921 : memref<16x2048xf32, #tpu.memory_space<vmem_shared>>) target_semaphore(%arg5 : memref<!tpu.dma_semaphore, #tpu.memory_space<semaphore_mem>>)
    %dma_wait3A_924 = arith.constant 1 : i32
    %dma_wait3A_925 = arith.constant 0 : i32
    %dma_wait3A_926 = arith.constant 0 : i32
    %dma_wait3A_927 = tpu.memref_slice %arg4[%arg1, %dma_wait3A_924, %dma_wait3A_925, %dma_wait3A_926] : memref<16x3x16x2048xf32, #tpu.memory_space<vmem_shared>> -> memref<1x1x16x2048xf32, #tpu.memory_space<vmem_shared>>
    %dma_wait3A_928 = tpu.memref_squeeze %dma_wait3A_927 : memref<1x1x16x2048xf32, #tpu.memory_space<vmem_shared>> -> memref<16x2048xf32, #tpu.memory_space<vmem_shared>>
    %dma_wait3A_929 = arith.constant 0 : i32
    %dma_wait3A_930 = tpu.memref_slice %arg2[%add3A_852, %dma_wait3A_929] : memref<16384x2048xf32, #tpu.memory_space<hbm>> -> memref<16x2048xf32, #tpu.memory_space<hbm>>
    tpu.wait_dma2 semaphore(%arg6 : memref<!tpu.dma_semaphore, #tpu.memory_space<semaphore_mem>>) src(%dma_wait3A_930 : memref<16x2048xf32, #tpu.memory_space<hbm>>) dst(%dma_wait3A_928 : memref<16x2048xf32, #tpu.memory_space<vmem_shared>>)
    %add3A_931 = arith.constant 448 : i32
    %add3A_932 = arith.addi %mul3A_2, %add3A_931 : i32
    %dma_start3A_933 = arith.constant 1 : i32
    %dma_start3A_934 = arith.constant 0 : i32
    %dma_start3A_935 = tpu.memref_slice %arg3[%add3A_932, %dma_start3A_934] : memref<16384x2048xf32, #tpu.memory_space<hbm>> -> memref<16x2048xf32, #tpu.memory_space<hbm>>
    %dma_start3A_936 = arith.constant 0 : i32
    %dma_start3A_937 = arith.constant 0 : i32
    %dma_start3A_938 = tpu.memref_slice %arg4[%arg1, %dma_start3A_933, %dma_start3A_936, %dma_start3A_937] : memref<16x3x16x2048xf32, #tpu.memory_space<vmem_shared>> -> memref<1x1x16x2048xf32, #tpu.memory_space<vmem_shared>>
    %dma_start3A_939 = tpu.memref_squeeze %dma_start3A_938 : memref<1x1x16x2048xf32, #tpu.memory_space<vmem_shared>> -> memref<16x2048xf32, #tpu.memory_space<vmem_shared>>
    tpu.enqueue_dma source(%dma_start3A_939 : memref<16x2048xf32, #tpu.memory_space<vmem_shared>>) target(%dma_start3A_935 : memref<16x2048xf32, #tpu.memory_space<hbm>>) target_semaphore(%arg9 : memref<!tpu.dma_semaphore, #tpu.memory_space<semaphore_mem>>)
    %dma_wait3A_940 = arith.constant 1 : i32
    %dma_wait3A_941 = arith.constant 0 : i32
    %dma_wait3A_942 = tpu.memref_slice %arg3[%add3A_932, %dma_wait3A_941] : memref<16384x2048xf32, #tpu.memory_space<hbm>> -> memref<16x2048xf32, #tpu.memory_space<hbm>>
    %dma_wait3A_943 = arith.constant 0 : i32
    %dma_wait3A_944 = arith.constant 0 : i32
    %dma_wait3A_945 = tpu.memref_slice %arg4[%arg1, %dma_wait3A_940, %dma_wait3A_943, %dma_wait3A_944] : memref<16x3x16x2048xf32, #tpu.memory_space<vmem_shared>> -> memref<1x1x16x2048xf32, #tpu.memory_space<vmem_shared>>
    %dma_wait3A_946 = tpu.memref_squeeze %dma_wait3A_945 : memref<1x1x16x2048xf32, #tpu.memory_space<vmem_shared>> -> memref<16x2048xf32, #tpu.memory_space<vmem_shared>>
    tpu.wait_dma2 semaphore(%arg9 : memref<!tpu.dma_semaphore, #tpu.memory_space<semaphore_mem>>) src(%dma_wait3A_946 : memref<16x2048xf32, #tpu.memory_space<vmem_shared>>) dst(%dma_wait3A_942 : memref<16x2048xf32, #tpu.memory_space<hbm>>)
    %add3A_947 = arith.constant 496 : i32
    %add3A_948 = arith.addi %mul3A_2, %add3A_947 : i32
    %dma_start3A_949 = arith.constant 1 : i32
    %dma_start3A_950 = arith.constant 0 : i32
    %dma_start3A_951 = arith.constant 0 : i32
    %dma_start3A_952 = tpu.memref_slice %arg4[%arg1, %dma_start3A_949, %dma_start3A_950, %dma_start3A_951] : memref<16x3x16x2048xf32, #tpu.memory_space<vmem_shared>> -> memref<1x1x16x2048xf32, #tpu.memory_space<vmem_shared>>
    %dma_start3A_953 = tpu.memref_squeeze %dma_start3A_952 : memref<1x1x16x2048xf32, #tpu.memory_space<vmem_shared>> -> memref<16x2048xf32, #tpu.memory_space<vmem_shared>>
    %dma_start3A_954 = arith.constant 0 : i32
    %dma_start3A_955 = tpu.memref_slice %arg2[%add3A_948, %dma_start3A_954] : memref<16384x2048xf32, #tpu.memory_space<hbm>> -> memref<16x2048xf32, #tpu.memory_space<hbm>>
    tpu.enqueue_dma source(%dma_start3A_955 : memref<16x2048xf32, #tpu.memory_space<hbm>>) target(%dma_start3A_953 : memref<16x2048xf32, #tpu.memory_space<vmem_shared>>) target_semaphore(%arg6 : memref<!tpu.dma_semaphore, #tpu.memory_space<semaphore_mem>>)
    %dma_wait3A_956 = arith.constant 2 : i32
    %dma_wait3A_957 = arith.constant 0 : i32
    %dma_wait3A_958 = arith.constant 0 : i32
    %dma_wait3A_959 = tpu.memref_slice %arg4[%arg1, %dma_wait3A_956, %dma_wait3A_957, %dma_wait3A_958] : memref<16x3x16x2048xf32, #tpu.memory_space<vmem_shared>> -> memref<1x1x16x2048xf32, #tpu.memory_space<vmem_shared>>
    %dma_wait3A_960 = tpu.memref_squeeze %dma_wait3A_959 : memref<1x1x16x2048xf32, #tpu.memory_space<vmem_shared>> -> memref<16x2048xf32, #tpu.memory_space<vmem_shared>>
    %dma_wait3A_961 = arith.constant 0 : i32
    %dma_wait3A_962 = tpu.memref_slice %arg2[%add3A_884, %dma_wait3A_961] : memref<16384x2048xf32, #tpu.memory_space<hbm>> -> memref<16x2048xf32, #tpu.memory_space<hbm>>
    tpu.wait_dma2 semaphore(%arg7 : memref<!tpu.dma_semaphore, #tpu.memory_space<semaphore_mem>>) src(%dma_wait3A_962 : memref<16x2048xf32, #tpu.memory_space<hbm>>) dst(%dma_wait3A_960 : memref<16x2048xf32, #tpu.memory_space<vmem_shared>>)
    %add3A_963 = arith.constant 464 : i32
    %add3A_964 = arith.addi %mul3A_2, %add3A_963 : i32
    %dma_start3A_965 = arith.constant 2 : i32
    %dma_start3A_966 = arith.constant 0 : i32
    %dma_start3A_967 = tpu.memref_slice %arg3[%add3A_964, %dma_start3A_966] : memref<16384x2048xf32, #tpu.memory_space<hbm>> -> memref<16x2048xf32, #tpu.memory_space<hbm>>
    %dma_start3A_968 = arith.constant 0 : i32
    %dma_start3A_969 = arith.constant 0 : i32
    %dma_start3A_970 = tpu.memref_slice %arg4[%arg1, %dma_start3A_965, %dma_start3A_968, %dma_start3A_969] : memref<16x3x16x2048xf32, #tpu.memory_space<vmem_shared>> -> memref<1x1x16x2048xf32, #tpu.memory_space<vmem_shared>>
    %dma_start3A_971 = tpu.memref_squeeze %dma_start3A_970 : memref<1x1x16x2048xf32, #tpu.memory_space<vmem_shared>> -> memref<16x2048xf32, #tpu.memory_space<vmem_shared>>
    tpu.enqueue_dma source(%dma_start3A_971 : memref<16x2048xf32, #tpu.memory_space<vmem_shared>>) target(%dma_start3A_967 : memref<16x2048xf32, #tpu.memory_space<hbm>>) target_semaphore(%arg10 : memref<!tpu.dma_semaphore, #tpu.memory_space<semaphore_mem>>)
    %dma_wait3A_972 = arith.constant 0 : i32
    %dma_wait3A_973 = arith.constant 0 : i32
    %dma_wait3A_974 = arith.constant 0 : i32
    %dma_wait3A_975 = tpu.memref_slice %arg4[%arg1, %dma_wait3A_972, %dma_wait3A_973, %dma_wait3A_974] : memref<16x3x16x2048xf32, #tpu.memory_space<vmem_shared>> -> memref<1x1x16x2048xf32, #tpu.memory_space<vmem_shared>>
    %dma_wait3A_976 = tpu.memref_squeeze %dma_wait3A_975 : memref<1x1x16x2048xf32, #tpu.memory_space<vmem_shared>> -> memref<16x2048xf32, #tpu.memory_space<vmem_shared>>
    %dma_wait3A_977 = arith.constant 0 : i32
    %dma_wait3A_978 = tpu.memref_slice %arg2[%add3A_916, %dma_wait3A_977] : memref<16384x2048xf32, #tpu.memory_space<hbm>> -> memref<16x2048xf32, #tpu.memory_space<hbm>>
    tpu.wait_dma2 semaphore(%arg5 : memref<!tpu.dma_semaphore, #tpu.memory_space<semaphore_mem>>) src(%dma_wait3A_978 : memref<16x2048xf32, #tpu.memory_space<hbm>>) dst(%dma_wait3A_976 : memref<16x2048xf32, #tpu.memory_space<vmem_shared>>)
    %add3A_979 = arith.constant 480 : i32
    %add3A_980 = arith.addi %mul3A_2, %add3A_979 : i32
    %dma_start3A_981 = arith.constant 0 : i32
    %dma_start3A_982 = arith.constant 0 : i32
    %dma_start3A_983 = tpu.memref_slice %arg3[%add3A_980, %dma_start3A_982] : memref<16384x2048xf32, #tpu.memory_space<hbm>> -> memref<16x2048xf32, #tpu.memory_space<hbm>>
    %dma_start3A_984 = arith.constant 0 : i32
    %dma_start3A_985 = arith.constant 0 : i32
    %dma_start3A_986 = tpu.memref_slice %arg4[%arg1, %dma_start3A_981, %dma_start3A_984, %dma_start3A_985] : memref<16x3x16x2048xf32, #tpu.memory_space<vmem_shared>> -> memref<1x1x16x2048xf32, #tpu.memory_space<vmem_shared>>
    %dma_start3A_987 = tpu.memref_squeeze %dma_start3A_986 : memref<1x1x16x2048xf32, #tpu.memory_space<vmem_shared>> -> memref<16x2048xf32, #tpu.memory_space<vmem_shared>>
    tpu.enqueue_dma source(%dma_start3A_987 : memref<16x2048xf32, #tpu.memory_space<vmem_shared>>) target(%dma_start3A_983 : memref<16x2048xf32, #tpu.memory_space<hbm>>) target_semaphore(%arg8 : memref<!tpu.dma_semaphore, #tpu.memory_space<semaphore_mem>>)
    %dma_wait3A_988 = arith.constant 1 : i32
    %dma_wait3A_989 = arith.constant 0 : i32
    %dma_wait3A_990 = arith.constant 0 : i32
    %dma_wait3A_991 = tpu.memref_slice %arg4[%arg1, %dma_wait3A_988, %dma_wait3A_989, %dma_wait3A_990] : memref<16x3x16x2048xf32, #tpu.memory_space<vmem_shared>> -> memref<1x1x16x2048xf32, #tpu.memory_space<vmem_shared>>
    %dma_wait3A_992 = tpu.memref_squeeze %dma_wait3A_991 : memref<1x1x16x2048xf32, #tpu.memory_space<vmem_shared>> -> memref<16x2048xf32, #tpu.memory_space<vmem_shared>>
    %dma_wait3A_993 = arith.constant 0 : i32
    %dma_wait3A_994 = tpu.memref_slice %arg2[%add3A_948, %dma_wait3A_993] : memref<16384x2048xf32, #tpu.memory_space<hbm>> -> memref<16x2048xf32, #tpu.memory_space<hbm>>
    tpu.wait_dma2 semaphore(%arg6 : memref<!tpu.dma_semaphore, #tpu.memory_space<semaphore_mem>>) src(%dma_wait3A_994 : memref<16x2048xf32, #tpu.memory_space<hbm>>) dst(%dma_wait3A_992 : memref<16x2048xf32, #tpu.memory_space<vmem_shared>>)
    %add3A_995 = arith.constant 496 : i32
    %add3A_996 = arith.addi %mul3A_2, %add3A_995 : i32
    %dma_start3A_997 = arith.constant 1 : i32
    %dma_start3A_998 = arith.constant 0 : i32
    %dma_start3A_999 = tpu.memref_slice %arg3[%add3A_996, %dma_start3A_998] : memref<16384x2048xf32, #tpu.memory_space<hbm>> -> memref<16x2048xf32, #tpu.memory_space<hbm>>
    %dma_start3A_1000 = arith.constant 0 : i32
    %dma_start3A_1001 = arith.constant 0 : i32
    %dma_start3A_1002 = tpu.memref_slice %arg4[%arg1, %dma_start3A_997, %dma_start3A_1000, %dma_start3A_1001] : memref<16x3x16x2048xf32, #tpu.memory_space<vmem_shared>> -> memref<1x1x16x2048xf32, #tpu.memory_space<vmem_shared>>
    %dma_start3A_1003 = tpu.memref_squeeze %dma_start3A_1002 : memref<1x1x16x2048xf32, #tpu.memory_space<vmem_shared>> -> memref<16x2048xf32, #tpu.memory_space<vmem_shared>>
    tpu.enqueue_dma source(%dma_start3A_1003 : memref<16x2048xf32, #tpu.memory_space<vmem_shared>>) target(%dma_start3A_999 : memref<16x2048xf32, #tpu.memory_space<hbm>>) target_semaphore(%arg9 : memref<!tpu.dma_semaphore, #tpu.memory_space<semaphore_mem>>)
    %dma_wait3A_1004 = arith.constant 0 : i32
    %dma_wait3A_1005 = arith.constant 0 : i32
    %dma_wait3A_1006 = tpu.memref_slice %arg3[%add3A_980, %dma_wait3A_1005] : memref<16384x2048xf32, #tpu.memory_space<hbm>> -> memref<16x2048xf32, #tpu.memory_space<hbm>>
    %dma_wait3A_1007 = arith.constant 0 : i32
    %dma_wait3A_1008 = arith.constant 0 : i32
    %dma_wait3A_1009 = tpu.memref_slice %arg4[%arg1, %dma_wait3A_1004, %dma_wait3A_1007, %dma_wait3A_1008] : memref<16x3x16x2048xf32, #tpu.memory_space<vmem_shared>> -> memref<1x1x16x2048xf32, #tpu.memory_space<vmem_shared>>
    %dma_wait3A_1010 = tpu.memref_squeeze %dma_wait3A_1009 : memref<1x1x16x2048xf32, #tpu.memory_space<vmem_shared>> -> memref<16x2048xf32, #tpu.memory_space<vmem_shared>>
    tpu.wait_dma2 semaphore(%arg8 : memref<!tpu.dma_semaphore, #tpu.memory_space<semaphore_mem>>) src(%dma_wait3A_1010 : memref<16x2048xf32, #tpu.memory_space<vmem_shared>>) dst(%dma_wait3A_1006 : memref<16x2048xf32, #tpu.memory_space<hbm>>)
    %dma_wait3A_1011 = arith.constant 1 : i32
    %dma_wait3A_1012 = arith.constant 0 : i32
    %dma_wait3A_1013 = tpu.memref_slice %arg3[%add3A_996, %dma_wait3A_1012] : memref<16384x2048xf32, #tpu.memory_space<hbm>> -> memref<16x2048xf32, #tpu.memory_space<hbm>>
    %dma_wait3A_1014 = arith.constant 0 : i32
    %dma_wait3A_1015 = arith.constant 0 : i32
    %dma_wait3A_1016 = tpu.memref_slice %arg4[%arg1, %dma_wait3A_1011, %dma_wait3A_1014, %dma_wait3A_1015] : memref<16x3x16x2048xf32, #tpu.memory_space<vmem_shared>> -> memref<1x1x16x2048xf32, #tpu.memory_space<vmem_shared>>
    %dma_wait3A_1017 = tpu.memref_squeeze %dma_wait3A_1016 : memref<1x1x16x2048xf32, #tpu.memory_space<vmem_shared>> -> memref<16x2048xf32, #tpu.memory_space<vmem_shared>>
    tpu.wait_dma2 semaphore(%arg9 : memref<!tpu.dma_semaphore, #tpu.memory_space<semaphore_mem>>) src(%dma_wait3A_1017 : memref<16x2048xf32, #tpu.memory_space<vmem_shared>>) dst(%dma_wait3A_1013 : memref<16x2048xf32, #tpu.memory_space<hbm>>)
    %dma_wait3A_1018 = arith.constant 2 : i32
    %dma_wait3A_1019 = arith.constant 0 : i32
    %dma_wait3A_1020 = tpu.memref_slice %arg3[%add3A_964, %dma_wait3A_1019] : memref<16384x2048xf32, #tpu.memory_space<hbm>> -> memref<16x2048xf32, #tpu.memory_space<hbm>>
    %dma_wait3A_1021 = arith.constant 0 : i32
    %dma_wait3A_1022 = arith.constant 0 : i32
    %dma_wait3A_1023 = tpu.memref_slice %arg4[%arg1, %dma_wait3A_1018, %dma_wait3A_1021, %dma_wait3A_1022] : memref<16x3x16x2048xf32, #tpu.memory_space<vmem_shared>> -> memref<1x1x16x2048xf32, #tpu.memory_space<vmem_shared>>
    %dma_wait3A_1024 = tpu.memref_squeeze %dma_wait3A_1023 : memref<1x1x16x2048xf32, #tpu.memory_space<vmem_shared>> -> memref<16x2048xf32, #tpu.memory_space<vmem_shared>>
    tpu.wait_dma2 semaphore(%arg10 : memref<!tpu.dma_semaphore, #tpu.memory_space<semaphore_mem>>) src(%dma_wait3A_1024 : memref<16x2048xf32, #tpu.memory_space<vmem_shared>>) dst(%dma_wait3A_1020 : memref<16x2048xf32, #tpu.memory_space<hbm>>)
    return
  }
}

</mosaic_0001>

<sc_bundles>
// kernel: kernel.3.cloned.1.call-start
scs
__scs_entry_jumppad:
0x0: {  	(pc) =	sbr.rel $0x88, $3  }
0x1: {  	(tag) =	ssettag $0x0;
	lr =	simm.s32 $0x1  }
0x2: {  	[smem:$0x3FA0] =	sst lr;
	_ =	strace $0xD0000000  }
0x3: {  	_ = 	snop  }
0x4: {  	_ = 	snop  }
0x5: {  	_ = 	snop  }
0x6: {  	_ = 	snop  }
0x7: {  	_ = 	snop  }
__scs_overlays_trampoline_lowered:
0x8: {  	[smem:$0x3FAF] =	sst s0  }
0x9: {  	[smem:$0x3FB0] =	sst s1  }
0xa: {  	[smem:$0x3FB1] =	sst s2  }
0xb: {  	[smem:$0x3FB2] =	sst s3  }
0xc: {  	[smem:$0x3FB3] =	sst s4  }
0xd: {  	[smem:$0x3FB4] =	sst s5  }
0xe: {  	[smem:$0x3FB5] =	sst s6  }
0xf: {  	[smem:$0x3FB6] =	sst s7  }
0x10: {  	[smem:$0x3FB7] =	sst s8  }
0x11: {  	[smem:$0x3FB8] =	sst s9;
	s0 =	simm.s32 @!p0 $0x0  }
0x12: {  	s1 =	sld [smem:$0x3F9E];
	s0 =	simm.s32 @p0 $0x1  }
0x13: {  	[smem:$0x3FB9] =	sst s0;
	s0 =	simm.s32 @!p1 $0x0  }
0x14: {  	s2 =	sld [smem:$0x3F9D];
	s0 =	simm.s32 @p1 $0x1  }
0x15: {  	[smem:$0x3FBA] =	sst s0;
	s0 =	simm.s32 @!p2 $0x0  }
0x16: {  	s3 =	sld [smem:$0x3FDB];
	s0 =	simm.s32 @p2 $0x1  }
0x17: {  	s4 =	simm.s32 $0x1BF5;
	[smem:$0x3FBC] =	sst s0  }
0x18: {  	s0 =	sld [smem:$0x3F9F];
	_ =	swait.ge [sflag:s4], $0x0  }
0x19: {  	s7 =	sld [smem:$0x3FA0]  }
0x1a: {  	s8 =	sadd.s32 $0xFFFFE003, lr  }
0x1b: {  	s9 =	sadd.s32 $0xFFFFFEF7, lr;
	s5 =	simm.s32 $0xFFFFFFFF;
	p2 =	slt.u32 s8, $0xFFFFF086  }
0x1c: {  	p1 =	slt.u32 s9, $0xF7A;
	s5 =	simm.s32 @!p2 $0x0  }
0x1d: {  	s5 =	simm.s32 @p1 $0x1;
	p0 =	seq.s32 s7, s2  }
0x1e: {  	s7 =	smul.u32 @!p0 $0xF7A, s2;
	p2 =	seq.s32 @!p0 s5, $0x0  }
0x1f: {  	s9 =	smul.u32 $0xF7A, s1;
	s8 =	simm.s32 @!p0 $0x1BF5;
	p2 =	por !p2, p0  }
0x20: {  	[sflag:s8] =	ssyncset.s32 @!p0 $0xFFFFF086;
	s6 =	sadd.s32 @!p0 s3, s7;
	s7 =	simm.s32 @!p0 $0x108  }
0x21: {  	s3 =	sadd.s32 s3, s9;
	s6 =	sadd.s32 @!p0 $0x88, s6;
	s7 =	simm.s32 @p2 $0x1082  }
0x22: {  	[simem:s7], [sflag:s8] =	dma.local @!p0 [hbm:s6], $0xF7A  }
0x23: {  	s9 =	sor.u32 $0xD0000000, s2;
	s6 =	simm.s32 $0x108;
	_ =	swait.ge @!p0 [sflag:s8], $0x0  }
0x24: {  	s3 =	sadd.s32 $0x88, s3;
	s6 =	simm.s32 @!p1 $0x1082;
	[sflag:s4] =	ssyncset.s32 $0xFFFFF086  }
0x25: {  	[simem:s6], [sflag:s4] =	dma.local [hbm:s3], $0xF7A  }
0x26: {  	[smem:$0x3FA0] =	sst s1;
	(tag) =	ssettag s2;
	_ =	strace s9  }
0x27: {  	s1 =	sld [smem:$0x3FB0]  }
0x28: {  	s2 =	sld [smem:$0x3FB1]  }
0x29: {  	s4 =	sld [smem:$0x3FB3]  }
0x2a: {  	p0 =	seq.s32 s5, $0x0;
	s5 =	sld [smem:$0x3FB4]  }
0x2b: {  	s6 =	sld [smem:$0x3FB5]  }
0x2c: {  	s7 =	sld [smem:$0x3FB6]  }
0x2d: {  	s3 =	simm.s32 $0x108;
	s8 =	sld [smem:$0x3FB7]  }
0x2e: {  	s3 =	simm.s32 @!p0 $0x1082;
	s9 =	sld [smem:$0x3FB8]  }
0x2f: {  	lr =	sadd.s32 s0, s3;
	s0 =	sld [smem:$0x3FAF]  }
0x30: {  	s3 =	sld [smem:$0x3FB2]  }
0x31: {  	[smem:$0x3FBB] =	sst s10  }
0x32: {  	s10 =	sld [smem:$0x3FB9];
	_ =	sdelay $0x3  }
0x33: {  	p0 =	seq.s32 s10, $0x1;
	s10 =	sld [smem:$0x3FBB];
	_ =	sdelay $0x3  }
0x34: {  	[smem:$0x3FBB] =	sst s10  }
0x35: {  	s10 =	sld [smem:$0x3FBA];
	_ =	sdelay $0x3  }
0x36: {  	p1 =	seq.s32 s10, $0x1;
	s10 =	sld [smem:$0x3FBB];
	_ =	sdelay $0x3  }
0x37: {  	[smem:$0x3FBB] =	sst s10  }
0x38: {  	s10 =	sld [smem:$0x3FBC]  }
0x39: {  	_ = 	snop;
	(pc) =	sbr.ind lr, $3  }
0x3a: {  	_ = 	snop  }
0x3b: {  	_ = 	snop  }
0x3c: {  	p2 =	seq.s32 s10, $0x1;
	s10 =	sld [smem:$0x3FBB]  }
0x3d: {  	_ =	shalt  }
0x3e: {  	_ =	shalt  }
0x3f: {  	_ =	shalt  }
0x40: {  	_ =	shalt  }
0x41: {  	_ =	shalt  }
0x42: {  	_ =	shalt  }
0x43: {  	_ =	shalt  }
0x44: {  	_ =	shalt  }
0x45: {  	_ =	shalt  }
0x46: {  	_ =	shalt  }
0x47: {  	_ =	shalt  }
0x48: {  	_ =	shalt  }
0x49: {  	_ =	shalt  }
0x4a: {  	_ =	shalt  }
0x4b: {  	_ =	shalt  }
0x4c: {  	_ =	shalt  }
0x4d: {  	_ =	shalt  }
0x4e: {  	_ =	shalt  }
0x4f: {  	_ =	shalt  }
0x50: {  	_ =	shalt  }
0x51: {  	_ =	shalt  }
0x52: {  	_ =	shalt  }
0x53: {  	_ =	shalt  }
0x54: {  	_ =	shalt  }
0x55: {  	_ =	shalt  }
0x56: {  	_ =	shalt  }
0x57: {  	_ =	shalt  }
0x58: {  	_ =	shalt  }
0x59: {  	_ =	shalt  }
0x5a: {  	_ =	shalt  }
0x5b: {  	_ =	shalt  }
0x5c: {  	_ =	shalt  }
0x5d: {  	_ =	shalt  }
0x5e: {  	_ =	shalt  }
0x5f: {  	_ =	shalt  }
0x60: {  	_ =	shalt  }
0x61: {  	_ =	shalt  }
0x62: {  	_ =	shalt  }
0x63: {  	_ =	shalt  }
0x64: {  	_ =	shalt  }
0x65: {  	_ =	shalt  }
0x66: {  	_ =	shalt  }
0x67: {  	_ =	shalt  }
0x68: {  	_ =	shalt  }
0x69: {  	_ =	shalt  }
0x6a: {  	_ =	shalt  }
0x6b: {  	_ =	shalt  }
0x6c: {  	_ =	shalt  }
0x6d: {  	_ =	shalt  }
0x6e: {  	_ =	shalt  }
0x6f: {  	_ =	shalt  }
0x70: {  	_ =	shalt  }
0x71: {  	_ =	shalt  }
0x72: {  	_ =	shalt  }
0x73: {  	_ =	shalt  }
0x74: {  	_ =	shalt  }
0x75: {  	_ =	shalt  }
0x76: {  	_ =	shalt  }
0x77: {  	_ =	shalt  }
0x78: {  	_ =	shalt  }
0x79: {  	_ =	shalt  }
0x7a: {  	_ =	shalt  }
0x7b: {  	_ =	shalt  }
0x7c: {  	_ =	shalt  }
0x7d: {  	_ =	shalt  }
0x7e: {  	_ =	shalt  }
0x7f: {  	_ =	shalt  }
0x80: {  	_ =	shalt  }
0x81: {  	_ =	shalt  }
0x82: {  	_ =	shalt  }
0x83: {  	_ =	shalt  }
0x84: {  	_ =	shalt  }
0x85: {  	_ =	shalt  }
0x86: {  	_ =	shalt  }
0x87: {  	_ =	shalt  }
.Lfunc_end0:
.L_simem_size_0:
called_computation_lowered:
.L_overlay_start_0:
0x88: {  	s2 =	sld [smem:$0x3FD9]  }
0x89: {  	s3 =	sld [smem:$0x3FFE];
	_ =	sdelay $0x1  }
0x8a: {  	s1 =	srdreg.scid  }
0x8b: {  	s0 =	sand.u32 $0x1, s1  }
0x8c: {  	s18 =	sshll.u32 s0, $0xA;
	s2 =	sadd.s32 s3, s2  }
0x8d: {  	s2 =	sadd.s32 s2, s18  }
0x8e: {  	[smem:$0x3FC7] =	sst s2  }
0x8f: {  	_ = 	snop  }
0x90: {  	s2 =	sld [smem:$0x3FC9]  }
0x91: {  	s19 =	sld [smem:$0x3FD0];
	(tm) =	ssettm $0x1  }
0x92: {  	s4 =	sld [smem:$0x3FFB];
	_ =	sdelay $0x3  }
0x93: {  	_ =	strace s4  }
0x94: {  	s4 =	sld [smem:$0x3FFC];
	_ =	sdelay $0x3  }
0x95: {  	_ =	strace s4  }
0x96: {  	s4 =	sld [smem:$0x3FFD];
	_ =	sdelay $0x3  }
0x97: {  	_ =	strace s4  }
0x98: {  	_ =	strace $0x8FFFFFFF  }
0x99: {  	s20 =	sld [smem:$0x3FDB];
	_ =	sdelay $0x1  }
0x9a: {  	s5 =	simm.s32 $_scs_section_size  }
0x9b: {  	s6 =	simm.s32 $_size__tile_overlayer_lowered;
	s7 =	simm.s32 $_tile_overlayer_lowered  }
0x9c: {  	s23 =	simm.s32 $0x1BFF;
	s22 =	sshll.u32 s7, $0x1;
	s4 =	sadd.s32 s5, s20  }
0x9d: {  	s8 =	simm.s32 $0x0;
	s21 =	sshll.u32 s6, $0x1;
	s6 =	sadd.s32 s22, s4  }
0x9e: {  	[timem:s8], [sflag:s23] =	dma.local [hbm:s6], s21  }
0x9f: {  	_ =	swait.ge [sflag:s23], s21  }
0xa0: {  	s5 =	ssub.s32 $0x0, s21;
	[sflag:s23] =	ssyncset.done $0x0  }
0xa1: {  	[sflag:s23] =	ssyncadd.s32 s5;
	_ =	sdelay $0x1  }
0xa2: {  	s24 =	simm.s32 $0x1B8B  }
0xa3: {  	_ =	swait.ge [sflag:s24], $0x1  }
0xa4: {  	[sflag:s24] =	ssyncset.done $0x0  }
0xa5: {  	s25 =	simm.s32 $0x1B8E;
	[sflag:s24] =	ssyncadd.s32 $0xFFFFFFFF  }
0xa6: {  	s26 =	simm.s32 $execute0_lowered;
	[smem:$0x3FD2] =	sst s25  }
0xa7: {  	s5 =	sshll.u32 s26, $0x1;
	_ =	strace $0x80000046;
	[dreg:$0x1] =	wrdreg $0xFFFFFFFF  }
0xa8: {  	s28 =	simm.s32 $_size_execute0_lowered;
	s4 =	sadd.s32 s4, s5;
	[dreg:$0x0] =	wrdreg $0x0  }
0xa9: {  	s5 =	sshll.u32 s28, $0x1;
	[dreg:$0x2] =	wrdreg s4  }
0xaa: {  	[dreg:$0x3] =	wrdreg s5  }
0xab: {  	[dreg:$0x4] =	wrdreg $0xC0  }
0xac: {  	_ =	task [dreg:s8], $0x5FFFF  }
0xad: {  	[dreg:$0x1] =	wrdreg $0xFFFFFFFF  }
0xae: {  	[dreg:$0x0] =	wrdreg $0x60  }
0xaf: {  	[dreg:$0x2] =	wrdreg s2  }
0xb0: {  	[dreg:$0x3] =	wrdreg s19  }
0xb1: {  	[dreg:$0x4] =	wrdreg $0x0  }
0xb2: {  	[dreg:$0x5] =	wrdreg $0x9  }
0xb3: {  	_ =	task.clear_ibuf [dreg:s8], $0x6FFFF;
	_ =	strace $0x90000046  }
0xb4: {  	s29 =	simm.s32 $0x9;
	_ =	strace $0x80000048  }
0xb5: {  	_ =	swait.ge [sflag:s29], $0x1  }
0xb6: {  	[sflag:s29] =	ssyncadd.s32 $0xFFFFFFFF  }
0xb7: {  	_ =	strace $0x90000048  }
0xb8: {  	_ =	sfence  }
0xb9: {  	s30 =	sld [smem:$0x0];
	_ =	sdelay $0x2  }
0xba: {  	s31 =	sshll.u32 s1, $0xD;
	s1 =	sshrl.u32 s1, $0x2  }
0xbb: {  	s3 =	sand.u32 $0x4000, s31;
	s1 =	sadd.s32 s1, s30  }
0xbc: {  	s0 =	sor.u32 s3, s0;
	s1 =	sshll.u32 s1, $0x11  }
0xbd: {  	s0 =	sor.u32 s1, s0  }
0xbe: {  	s0 =	sadd.s32 $0x8F2B, s0  }
0xbf: {  	[sflag:s0] =	ssyncadd.remote.s32 $0x1  }
0xc0: {  	_ =	sfence.sel $0xFFFF  }
0xc1: {  	[dreg:$0x0] =	wrdreg $0xFFFFFFFF;
	(pc) =	sbr.abs _section_cstart, $3  }
0xc2: {  	[dreg:$0x1] =	wrdreg $0xFFFFFFFF  }
0xc3: {  	_ =	task.clear_ibuf [dreg:s8], $0x2FFFF;
	_ =	strace $0x9FFFFFFF  }
0xc4: {  	(tm) =	ssettm $0x7FFFFFFF  }
0xc5: {  	_ =	shalt  }
tec
execute0_lowered:
.L_overlay_start_1:
0x0: {  	(tag) =	ssettag $0x1  }
0x1: {  	s3 =	rddreg [dreg:$0x0]  }
0x2: {  	s0 =	rddreg [dreg:$0x1];
	s1 =	srdreg.scid  }
0x3: {  	s2 =	rddreg [dreg:$0x2];
	s31 =	stileid.u32;
	s5 =	sand.u32 $0x1, s1  }
0x4: {  	s17 =	simm.s32 $0x0;
	s4 =	sshll.u32 s31, $0x12;
	s6 =	sshll.u32 s5, $0x11  }
0x5: {  	[smem:$0x7FF] =	sst s17;
	s4 =	sor.u32 s6, s4  }
0x6: {  	s30 =	rddreg [dreg:$0x3];
	_ =	strace $0x80000047;
	s18 =	sadd.s32 s3, s4  }
0x7: {  	s6 =	sor.u32 $0x1000, s4;
	s21 =	sadd.s32 s0, s4;
	[dreg:$0x4] =	wrdreg s18  }
0x8: {  	s7 =	sor.u32 $0x2000, s4;
	s19 =	sadd.s32 s3, s6;
	[dreg:$0x7] =	wrdreg s21  }
0x9: {  	s8 =	sor.u32 $0x3000, s4;
	s20 =	sadd.s32 s3, s7;
	[dreg:$0x5] =	wrdreg s19  }
0xa: {  	s22 =	sadd.s32 s3, s8;
	[dreg:$0x6] =	wrdreg s20  }
0xb: {  	s24 =	sor.u32 $0x4000, s4;
	s23 =	sadd.s32 s0, s6;
	[dreg:$0x8] =	wrdreg s22  }
0xc: {  	s25 =	sadd.s32 s3, s24;
	[dreg:$0x9] =	wrdreg s23  }
0xd: {  	s28 =	sor.u32 $0x5000, s4;
	s26 =	sadd.s32 s0, s7;
	[dreg:$0xa] =	wrdreg s25  }
0xe: {  	s29 =	sadd.s32 s3, s28;
	[dreg:$0xb] =	wrdreg s26  }
0xf: {  	s9 =	sor.u32 $0x6000, s4;
	s8 =	sadd.s32 s0, s8;
	[dreg:$0xc] =	wrdreg s29  }
0x10: {  	s10 =	sadd.s32 s3, s9;
	[dreg:$0xd] =	wrdreg s8  }
0x11: {  	s12 =	sor.u32 $0x7000, s4;
	s11 =	sadd.s32 s0, s24;
	[dreg:$0xe] =	wrdreg s10  }
0x12: {  	s13 =	sadd.s32 s3, s12;
	[dreg:$0xf] =	wrdreg s11  }
0x13: {  	s15 =	sor.u32 $0x8000, s4;
	s14 =	sadd.s32 s0, s28;
	[dreg:$0x10] =	wrdreg s13  }
0x14: {  	s16 =	sadd.s32 s3, s15;
	[dreg:$0x11] =	wrdreg s14  }
0x15: {  	s17 =	sadd.s32 s0, s9;
	[dreg:$0x12] =	wrdreg s16  }
0x16: {  	s18 =	sor.u32 $0x9000, s4;
	[dreg:$0x13] =	wrdreg s17  }
0x17: {  	s19 =	sadd.s32 s3, s18;
	s1 =	rddreg [dreg:$0x4]  }
0x18: {  	s21 =	sor.u32 $0xA000, s4;
	s20 =	sadd.s32 s0, s12;
	[dreg:$0x14] =	wrdreg s19  }
0x19: {  	s22 =	sadd.s32 s3, s21;
	[dreg:$0x15] =	wrdreg s20  }
0x1a: {  	s24 =	sor.u32 $0xB000, s4;
	s23 =	sadd.s32 s0, s15;
	[dreg:$0x16] =	wrdreg s22  }
0x1b: {  	s25 =	sadd.s32 s3, s24;
	[dreg:$0x17] =	wrdreg s23  }
0x1c: {  	s28 =	sor.u32 $0xC000, s4;
	s26 =	sadd.s32 s0, s18;
	[dreg:$0x18] =	wrdreg s25  }
0x1d: {  	s29 =	sadd.s32 s3, s28;
	[dreg:$0x19] =	wrdreg s26  }
0x1e: {  	s9 =	sadd.s32 s0, s21;
	[dreg:$0x1a] =	wrdreg s29  }
0x1f: {  	p0 =	por $0x0, $0x0;
	s12 =	sadd.s32 s0, s24;
	[dreg:$0x1b] =	wrdreg s9  }
0x20: {  	s10 =	sor.u32 $0xD000, s4;
	s15 =	sadd.s32 s0, s28;
	[dreg:$0x1d] =	wrdreg s12  }
0x21: {  	s13 =	sor.u32 $0xE000, s4;
	s11 =	sadd.s32 s3, s10;
	[dreg:$0x1f] =	wrdreg s15  }
0x22: {  	s16 =	sor.u32 $0xF000, s4;
	s14 =	sadd.s32 s3, s13;
	[dreg:$0x1c] =	wrdreg s11  }
0x23: {  	s5 =	ssub.s32 $0x2, s5;
	s17 =	sadd.s32 s3, s16;
	[dreg:$0x1e] =	wrdreg s14  }
0x24: {  	s6 =	simm.s32 $0x4;
	s18 =	sadd.s32 s0, s10;
	[smem:$0x7E7] =	sst s17  }
0x25: {  	s8 =	simm.s32 $0x6;
	s21 =	sadd.s32 s0, s13;
	[smem:$0x7E8] =	sst s18  }
0x26: {  	s19 =	sor.u32 $0x10000, s4;
	s24 =	sadd.s32 s0, s16;
	[smem:$0x7EA] =	sst s21  }
0x27: {  	s22 =	sor.u32 $0x11000, s4;
	s20 =	sadd.s32 s3, s19;
	[smem:$0x7EC] =	sst s24  }
0x28: {  	s25 =	sor.u32 $0x12000, s4;
	s23 =	sadd.s32 s3, s22;
	[smem:$0x7E9] =	sst s20  }
0x29: {  	s9 =	sshrl.u32 s5, $0x1;
	s26 =	sadd.s32 s3, s25;
	[smem:$0x7EB] =	sst s23  }
0x2a: {  	s29 =	sor.u32 $0x13000, s4;
	s28 =	sadd.s32 s0, s19;
	[smem:$0x7ED] =	sst s26  }
0x2b: {  	s12 =	sor.u32 $0x14000, s4;
	s10 =	sadd.s32 s3, s29;
	[smem:$0x7EE] =	sst s28  }
0x2c: {  	s13 =	smul.u32 $0x60000, s31;
	s11 =	sadd.s32 s0, s22;
	[smem:$0x7EF] =	sst s10  }
0x2d: {  	s16 =	sor.u32 $0x15000, s4;
	s14 =	sadd.s32 s3, s12;
	[smem:$0x7F0] =	sst s11  }
0x2e: {  	s5 =	ssub.s32 s5, s9;
	s15 =	sadd.s32 s0, s25;
	[smem:$0x7F1] =	sst s14  }
0x2f: {  	s18 =	sadd.s32 s3, s16;
	s19 =	sadd.s32 s0, s29;
	[smem:$0x7F2] =	sst s15  }
0x30: {  	s22 =	sadd.s32 s0, s12;
	s25 =	sshll.u32 s31, $0x6;
	[smem:$0x7F3] =	sst s18  }
0x31: {  	s9 =	sshrl.u32 s13, $0x2;
	s20 =	sor.u32 $0x16000, s4;
	[smem:$0x7F4] =	sst s19  }
0x32: {  	s23 =	sor.u32 $0x17000, s4;
	[smem:$0x7F6] =	sst s22;
	s26 =	sadd.s32 s0, s16  }
0x33: {  	s28 =	sor.u32 $0x18000, s4;
	s11 =	sor.u32 $0x19000, s4;
	s14 =	sor.u32 $0x1A000, s4  }
0x34: {  	s16 =	sor.u32 $0x1B000, s4;
	s18 =	sor.u32 $0x1C000, s4;
	s17 =	sadd.s32 s9, s2  }
0x35: {  	s21 =	sadd.s32 s3, s20;
	s24 =	sadd.s32 s3, s23;
	[smem:$0x7F8] =	sst s26  }
0x36: {  	s2 =	sor.u32 $0x1C01, s25;
	s29 =	sadd.s32 s3, s28;
	[smem:$0x7F5] =	sst s21  }
0x37: {  	s9 =	sadd.s32 s0, s20;
	s12 =	sadd.s32 s3, s11;
	[smem:$0x7F7] =	sst s24  }
0x38: {  	s13 =	sadd.s32 s0, s23;
	s15 =	sadd.s32 s3, s14;
	[smem:$0x7F9] =	sst s29  }
0x39: {  	s23 =	sadd.s32 s3, s16;
	s22 =	sadd.s32 s0, s11;
	[smem:$0x7FA] =	sst s9  }
0x3a: {  	s20 =	sadd.s32 s0, s14;
	s26 =	sor.u32 $0x1D000, s4;
	[smem:$0x7FB] =	sst s12  }
0x3b: {  	s16 =	sadd.s32 s0, s16;
	s10 =	sadd.s32 $0x8000, s17;
	[smem:$0x7FC] =	sst s13  }
0x3c: {  	s12 =	sadd.s32 $0x10000, s17;
	[smem:$0x7FD] =	sst s15;
	s24 =	sadd.s32 s0, s28  }
0x3d: {  	s21 =	sadd.s32 s3, s18;
	s19 =	sadd.s32 s3, s26;
	s29 =	smax.u32 s5, $0x1  }
0x3e: {  	s28 =	sor.u32 $0x1E000, s4;
	s13 =	sadd.s32 s0, s18;
	p1 =	sne.s32 s29, $0x1  }
.Ltmp0:
0x3f: {  	s4 =	sor.u32 $0x1F000, s4;
	s9 =	sadd.s32 s0, s26;
	(pc) =	sbr.rel @!p1 .LBB2_5-.Ltmp0, $4  }
0x40: {  	s18 =	simm.s32 $0x3;
	s17 =	sshrl.u32 s17, $0x3;
	s15 =	sadd.s32 s3, s28  }
0x41: {  	s11 =	sadd.s32 s3, s4;
	s7 =	sadd.s32 s0, s28;
	s3 =	sadd.s32 s0, s4  }
0x42: {  	s5 =	sshrl.u32 s10, $0x3;
	s14 =	sshrl.u32 s12, $0x3;
	s12 =	simm.s32 $0x1  }
0x43: {  	s10 =	simm.s32 $0x2;
	s4 =	simm.s32 $0x5;
	s0 =	sadd.s32 $0xFFFFFFFF, s29  }
0x44: {  	[spmem:s17], [sflag:s2] =	dma.local [hbm:s1], $0x1000  }
0x45: {  	s26 =	sor.u32 $0x1C02, s25;
	s1 =	rddreg [dreg:$0x5]  }
0x46: {  	[spmem:s5], [sflag:s26] =	dma.local [hbm:s1], $0x1000  }
0x47: {  	s28 =	sor.u32 $0x1C03, s25;
	s1 =	rddreg [dreg:$0x6]  }
0x48: {  	[spmem:s14], [sflag:s28] =	dma.local [hbm:s1], $0x1000  }
0x49: {  	_ =	swait.ge [sflag:s12], $0x1000  }
0x4a: {  	[sflag:s12] =	ssyncset.done $0x0  }
0x4b: {  	s29 =	sor.u32 $0x1C04, s25;
	s1 =	rddreg [dreg:$0x7];
	[sflag:s12] =	ssyncadd.s32 $0xFFFFF000  }
0x4c: {  	[hbm:s1], [sflag:s29] =	dma.local [spmem:s17], $0x1000  }
0x4d: {  	_ =	swait.ge [sflag:s6], $0x1000  }
0x4e: {  	[sflag:s6] =	ssyncset.done $0x0  }
0x4f: {  	s1 =	rddreg [dreg:$0x8];
	[sflag:s6] =	ssyncadd.s32 $0xFFFFF000  }
0x50: {  	[spmem:s17], [sflag:s2] =	dma.local [hbm:s1], $0x1000  }
0x51: {  	_ =	swait.ge [sflag:s10], $0x1000  }
0x52: {  	[sflag:s10] =	ssyncset.done $0x0  }
0x53: {  	s30 =	sor.u32 $0x1C05, s25;
	s1 =	rddreg [dreg:$0x9];
	[sflag:s10] =	ssyncadd.s32 $0xFFFFF000  }
0x54: {  	[hbm:s1], [sflag:s30] =	dma.local [spmem:s5], $0x1000  }
0x55: {  	_ =	swait.ge [sflag:s4], $0x1000  }
0x56: {  	[sflag:s4] =	ssyncset.done $0x0  }
0x57: {  	s1 =	rddreg [dreg:$0xa];
	[sflag:s4] =	ssyncadd.s32 $0xFFFFF000  }
0x58: {  	[spmem:s5], [sflag:s26] =	dma.local [hbm:s1], $0x1000  }
0x59: {  	_ =	swait.ge [sflag:s18], $0x1000  }
0x5a: {  	[sflag:s18] =	ssyncset.done $0x0  }
0x5b: {  	s31 =	sor.u32 $0x1C06, s25;
	s1 =	rddreg [dreg:$0xb];
	[sflag:s18] =	ssyncadd.s32 $0xFFFFF000  }
0x5c: {  	[hbm:s1], [sflag:s31] =	dma.local [spmem:s14], $0x1000  }
0x5d: {  	_ =	swait.ge [sflag:s8], $0x1000  }
0x5e: {  	[sflag:s8] =	ssyncset.done $0x0  }
0x5f: {  	s1 =	rddreg [dreg:$0xc];
	[sflag:s8] =	ssyncadd.s32 $0xFFFFF000  }
0x60: {  	[spmem:s14], [sflag:s28] =	dma.local [hbm:s1], $0x1000  }
0x61: {  	_ =	swait.ge [sflag:s12], $0x1000  }
0x62: {  	[sflag:s12] =	ssyncset.done $0x0  }
0x63: {  	s1 =	rddreg [dreg:$0xd];
	[sflag:s12] =	ssyncadd.s32 $0xFFFFF000  }
0x64: {  	[hbm:s1], [sflag:s29] =	dma.local [spmem:s17], $0x1000  }
0x65: {  	_ =	swait.ge [sflag:s6], $0x1000  }
0x66: {  	[sflag:s6] =	ssyncset.done $0x0  }
0x67: {  	s1 =	rddreg [dreg:$0xe];
	[sflag:s6] =	ssyncadd.s32 $0xFFFFF000  }
0x68: {  	[spmem:s17], [sflag:s2] =	dma.local [hbm:s1], $0x1000  }
0x69: {  	_ =	swait.ge [sflag:s10], $0x1000  }
0x6a: {  	[sflag:s10] =	ssyncset.done $0x0  }
0x6b: {  	s1 =	rddreg [dreg:$0xf];
	[sflag:s10] =	ssyncadd.s32 $0xFFFFF000  }
0x6c: {  	[hbm:s1], [sflag:s30] =	dma.local [spmem:s5], $0x1000  }
0x6d: {  	_ =	swait.ge [sflag:s4], $0x1000  }
0x6e: {  	[sflag:s4] =	ssyncset.done $0x0  }
0x6f: {  	s1 =	rddreg [dreg:$0x10];
	[sflag:s4] =	ssyncadd.s32 $0xFFFFF000  }
0x70: {  	[spmem:s5], [sflag:s26] =	dma.local [hbm:s1], $0x1000  }
0x71: {  	_ =	swait.ge [sflag:s18], $0x1000  }
0x72: {  	[sflag:s18] =	ssyncset.done $0x0  }
0x73: {  	s1 =	rddreg [dreg:$0x11];
	[sflag:s18] =	ssyncadd.s32 $0xFFFFF000  }
0x74: {  	[hbm:s1], [sflag:s31] =	dma.local [spmem:s14], $0x1000  }
0x75: {  	_ =	swait.ge [sflag:s8], $0x1000  }
0x76: {  	[sflag:s8] =	ssyncset.done $0x0  }
0x77: {  	s1 =	rddreg [dreg:$0x12];
	[sflag:s8] =	ssyncadd.s32 $0xFFFFF000  }
0x78: {  	[spmem:s14], [sflag:s28] =	dma.local [hbm:s1], $0x1000  }
0x79: {  	_ =	swait.ge [sflag:s12], $0x1000  }
0x7a: {  	[sflag:s12] =	ssyncset.done $0x0  }
0x7b: {  	s1 =	rddreg [dreg:$0x13];
	[sflag:s12] =	ssyncadd.s32 $0xFFFFF000  }
0x7c: {  	[hbm:s1], [sflag:s29] =	dma.local [spmem:s17], $0x1000  }
0x7d: {  	_ =	swait.ge [sflag:s6], $0x1000  }
0x7e: {  	[sflag:s6] =	ssyncset.done $0x0  }
0x7f: {  	s1 =	rddreg [dreg:$0x14];
	[sflag:s6] =	ssyncadd.s32 $0xFFFFF000  }
0x80: {  	[spmem:s17], [sflag:s2] =	dma.local [hbm:s1], $0x1000  }
0x81: {  	_ =	swait.ge [sflag:s10], $0x1000  }
0x82: {  	[sflag:s10] =	ssyncset.done $0x0  }
0x83: {  	s1 =	rddreg [dreg:$0x15];
	[sflag:s10] =	ssyncadd.s32 $0xFFFFF000  }
0x84: {  	[hbm:s1], [sflag:s30] =	dma.local [spmem:s5], $0x1000  }
0x85: {  	_ =	swait.ge [sflag:s4], $0x1000  }
0x86: {  	[sflag:s4] =	ssyncset.done $0x0  }
0x87: {  	s1 =	rddreg [dreg:$0x16];
	[sflag:s4] =	ssyncadd.s32 $0xFFFFF000  }
0x88: {  	[spmem:s5], [sflag:s26] =	dma.local [hbm:s1], $0x1000  }
0x89: {  	_ =	swait.ge [sflag:s18], $0x1000  }
0x8a: {  	[sflag:s18] =	ssyncset.done $0x0  }
0x8b: {  	s1 =	rddreg [dreg:$0x17];
	[sflag:s18] =	ssyncadd.s32 $0xFFFFF000  }
0x8c: {  	[hbm:s1], [sflag:s31] =	dma.local [spmem:s14], $0x1000  }
0x8d: {  	_ =	swait.ge [sflag:s8], $0x1000  }
0x8e: {  	[sflag:s8] =	ssyncset.done $0x0  }
0x8f: {  	s1 =	rddreg [dreg:$0x18];
	[sflag:s8] =	ssyncadd.s32 $0xFFFFF000  }
0x90: {  	[spmem:s14], [sflag:s28] =	dma.local [hbm:s1], $0x1000  }
0x91: {  	_ =	swait.ge [sflag:s12], $0x1000  }
0x92: {  	[sflag:s12] =	ssyncset.done $0x0  }
0x93: {  	s1 =	rddreg [dreg:$0x19];
	[sflag:s12] =	ssyncadd.s32 $0xFFFFF000  }
0x94: {  	[hbm:s1], [sflag:s29] =	dma.local [spmem:s17], $0x1000  }
0x95: {  	_ =	swait.ge [sflag:s6], $0x1000  }
0x96: {  	[sflag:s6] =	ssyncset.done $0x0  }
0x97: {  	s1 =	rddreg [dreg:$0x1a];
	[sflag:s6] =	ssyncadd.s32 $0xFFFFF000  }
0x98: {  	[spmem:s17], [sflag:s2] =	dma.local [hbm:s1], $0x1000  }
0x99: {  	_ =	swait.ge [sflag:s10], $0x1000  }
0x9a: {  	[sflag:s10] =	ssyncset.done $0x0  }
0x9b: {  	s1 =	rddreg [dreg:$0x1b];
	[sflag:s10] =	ssyncadd.s32 $0xFFFFF000  }
0x9c: {  	[hbm:s1], [sflag:s30] =	dma.local [spmem:s5], $0x1000  }
0x9d: {  	_ =	swait.ge [sflag:s4], $0x1000  }
0x9e: {  	[sflag:s4] =	ssyncset.done $0x0  }
0x9f: {  	s1 =	rddreg [dreg:$0x1c];
	[sflag:s4] =	ssyncadd.s32 $0xFFFFF000  }
0xa0: {  	[spmem:s5], [sflag:s26] =	dma.local [hbm:s1], $0x1000  }
0xa1: {  	_ =	swait.ge [sflag:s18], $0x1000  }
0xa2: {  	[sflag:s18] =	ssyncset.done $0x0  }
0xa3: {  	s1 =	rddreg [dreg:$0x1d];
	[sflag:s18] =	ssyncadd.s32 $0xFFFFF000  }
0xa4: {  	[hbm:s1], [sflag:s31] =	dma.local [spmem:s14], $0x1000  }
0xa5: {  	_ =	swait.ge [sflag:s8], $0x1000  }
0xa6: {  	[sflag:s8] =	ssyncset.done $0x0  }
0xa7: {  	s1 =	rddreg [dreg:$0x1e];
	[sflag:s8] =	ssyncadd.s32 $0xFFFFF000  }
0xa8: {  	[spmem:s14], [sflag:s28] =	dma.local [hbm:s1], $0x1000  }
0xa9: {  	_ =	swait.ge [sflag:s12], $0x1000  }
0xaa: {  	[sflag:s12] =	ssyncset.done $0x0  }
0xab: {  	s1 =	rddreg [dreg:$0x1f];
	[sflag:s12] =	ssyncadd.s32 $0xFFFFF000  }
0xac: {  	[hbm:s1], [sflag:s29] =	dma.local [spmem:s17], $0x1000  }
0xad: {  	_ =	swait.ge [sflag:s6], $0x1000  }
0xae: {  	s1 =	sld [smem:$0x7E7]  }
0xaf: {  	[sflag:s6] =	ssyncset.done $0x0  }
0xb0: {  	[sflag:s6] =	ssyncadd.s32 $0xFFFFF000  }
0xb1: {  	[spmem:s17], [sflag:s2] =	dma.local [hbm:s1], $0x1000  }
0xb2: {  	_ =	swait.ge [sflag:s10], $0x1000  }
0xb3: {  	s1 =	sld [smem:$0x7E8]  }
0xb4: {  	[sflag:s10] =	ssyncset.done $0x0  }
0xb5: {  	[sflag:s10] =	ssyncadd.s32 $0xFFFFF000  }
0xb6: {  	[hbm:s1], [sflag:s30] =	dma.local [spmem:s5], $0x1000  }
0xb7: {  	_ =	swait.ge [sflag:s4], $0x1000  }
0xb8: {  	s1 =	sld [smem:$0x7E9]  }
0xb9: {  	[sflag:s4] =	ssyncset.done $0x0  }
0xba: {  	[sflag:s4] =	ssyncadd.s32 $0xFFFFF000  }
0xbb: {  	[spmem:s5], [sflag:s26] =	dma.local [hbm:s1], $0x1000  }
0xbc: {  	_ =	swait.ge [sflag:s18], $0x1000  }
0xbd: {  	s1 =	sld [smem:$0x7EA]  }
0xbe: {  	[sflag:s18] =	ssyncset.done $0x0  }
0xbf: {  	[sflag:s18] =	ssyncadd.s32 $0xFFFFF000  }
0xc0: {  	[hbm:s1], [sflag:s31] =	dma.local [spmem:s14], $0x1000  }
0xc1: {  	_ =	swait.ge [sflag:s8], $0x1000  }
0xc2: {  	s1 =	sld [smem:$0x7EB]  }
0xc3: {  	[sflag:s8] =	ssyncset.done $0x0  }
0xc4: {  	[sflag:s8] =	ssyncadd.s32 $0xFFFFF000  }
0xc5: {  	[spmem:s14], [sflag:s28] =	dma.local [hbm:s1], $0x1000  }
0xc6: {  	_ =	swait.ge [sflag:s12], $0x1000  }
0xc7: {  	s1 =	sld [smem:$0x7EC]  }
0xc8: {  	[sflag:s12] =	ssyncset.done $0x0  }
0xc9: {  	[sflag:s12] =	ssyncadd.s32 $0xFFFFF000  }
0xca: {  	[hbm:s1], [sflag:s29] =	dma.local [spmem:s17], $0x1000  }
0xcb: {  	_ =	swait.ge [sflag:s6], $0x1000  }
0xcc: {  	s1 =	sld [smem:$0x7ED]  }
0xcd: {  	[sflag:s6] =	ssyncset.done $0x0  }
0xce: {  	[sflag:s6] =	ssyncadd.s32 $0xFFFFF000  }
0xcf: {  	[spmem:s17], [sflag:s2] =	dma.local [hbm:s1], $0x1000  }
0xd0: {  	_ =	swait.ge [sflag:s10], $0x1000  }
0xd1: {  	s1 =	sld [smem:$0x7EE]  }
0xd2: {  	[sflag:s10] =	ssyncset.done $0x0  }
0xd3: {  	[sflag:s10] =	ssyncadd.s32 $0xFFFFF000  }
0xd4: {  	[hbm:s1], [sflag:s30] =	dma.local [spmem:s5], $0x1000  }
0xd5: {  	_ =	swait.ge [sflag:s4], $0x1000  }
0xd6: {  	s1 =	sld [smem:$0x7EF]  }
0xd7: {  	[sflag:s4] =	ssyncset.done $0x0  }
0xd8: {  	[sflag:s4] =	ssyncadd.s32 $0xFFFFF000  }
0xd9: {  	[spmem:s5], [sflag:s26] =	dma.local [hbm:s1], $0x1000  }
0xda: {  	_ =	swait.ge [sflag:s18], $0x1000  }
0xdb: {  	s1 =	sld [smem:$0x7F0]  }
0xdc: {  	[sflag:s18] =	ssyncset.done $0x0  }
0xdd: {  	[sflag:s18] =	ssyncadd.s32 $0xFFFFF000  }
0xde: {  	[hbm:s1], [sflag:s31] =	dma.local [spmem:s14], $0x1000  }
0xdf: {  	_ =	swait.ge [sflag:s8], $0x1000  }
0xe0: {  	s1 =	sld [smem:$0x7F1]  }
0xe1: {  	[sflag:s8] =	ssyncset.done $0x0  }
0xe2: {  	[sflag:s8] =	ssyncadd.s32 $0xFFFFF000  }
0xe3: {  	[spmem:s14], [sflag:s28] =	dma.local [hbm:s1], $0x1000  }
0xe4: {  	_ =	swait.ge [sflag:s12], $0x1000  }
0xe5: {  	s1 =	sld [smem:$0x7F2]  }
0xe6: {  	[sflag:s12] =	ssyncset.done $0x0  }
0xe7: {  	[sflag:s12] =	ssyncadd.s32 $0xFFFFF000  }
0xe8: {  	[hbm:s1], [sflag:s29] =	dma.local [spmem:s17], $0x1000  }
0xe9: {  	_ =	swait.ge [sflag:s6], $0x1000  }
0xea: {  	s1 =	sld [smem:$0x7F3]  }
0xeb: {  	[sflag:s6] =	ssyncset.done $0x0  }
0xec: {  	[sflag:s6] =	ssyncadd.s32 $0xFFFFF000  }
0xed: {  	[spmem:s17], [sflag:s2] =	dma.local [hbm:s1], $0x1000  }
0xee: {  	_ =	swait.ge [sflag:s10], $0x1000  }
0xef: {  	s1 =	sld [smem:$0x7F4]  }
0xf0: {  	[sflag:s10] =	ssyncset.done $0x0  }
0xf1: {  	[sflag:s10] =	ssyncadd.s32 $0xFFFFF000  }
0xf2: {  	[hbm:s1], [sflag:s30] =	dma.local [spmem:s5], $0x1000  }
0xf3: {  	_ =	swait.ge [sflag:s4], $0x1000  }
0xf4: {  	s1 =	sld [smem:$0x7F5]  }
0xf5: {  	[sflag:s4] =	ssyncset.done $0x0  }
0xf6: {  	[sflag:s4] =	ssyncadd.s32 $0xFFFFF000  }
0xf7: {  	[spmem:s5], [sflag:s26] =	dma.local [hbm:s1], $0x1000  }
0xf8: {  	_ =	swait.ge [sflag:s18], $0x1000  }
0xf9: {  	s1 =	sld [smem:$0x7F6]  }
0xfa: {  	[sflag:s18] =	ssyncset.done $0x0  }
0xfb: {  	[sflag:s18] =	ssyncadd.s32 $0xFFFFF000  }
0xfc: {  	[hbm:s1], [sflag:s31] =	dma.local [spmem:s14], $0x1000  }
0xfd: {  	_ =	swait.ge [sflag:s8], $0x1000  }
0xfe: {  	s1 =	sld [smem:$0x7F7]  }
0xff: {  	[sflag:s8] =	ssyncset.done $0x0  }
0x100: {  	[sflag:s8] =	ssyncadd.s32 $0xFFFFF000  }
0x101: {  	[spmem:s14], [sflag:s28] =	dma.local [hbm:s1], $0x1000  }
0x102: {  	_ =	swait.ge [sflag:s12], $0x1000  }
0x103: {  	s1 =	sld [smem:$0x7F8]  }
0x104: {  	[sflag:s12] =	ssyncset.done $0x0  }
0x105: {  	[sflag:s12] =	ssyncadd.s32 $0xFFFFF000  }
0x106: {  	[hbm:s1], [sflag:s29] =	dma.local [spmem:s17], $0x1000  }
0x107: {  	_ =	swait.ge [sflag:s6], $0x1000  }
0x108: {  	s1 =	sld [smem:$0x7F9]  }
0x109: {  	[sflag:s6] =	ssyncset.done $0x0  }
0x10a: {  	[sflag:s6] =	ssyncadd.s32 $0xFFFFF000  }
0x10b: {  	[spmem:s17], [sflag:s2] =	dma.local [hbm:s1], $0x1000  }
0x10c: {  	_ =	swait.ge [sflag:s10], $0x1000  }
0x10d: {  	s1 =	sld [smem:$0x7FA]  }
0x10e: {  	[sflag:s10] =	ssyncset.done $0x0  }
0x10f: {  	[sflag:s10] =	ssyncadd.s32 $0xFFFFF000  }
0x110: {  	[hbm:s1], [sflag:s30] =	dma.local [spmem:s5], $0x1000  }
0x111: {  	_ =	swait.ge [sflag:s4], $0x1000  }
0x112: {  	s1 =	sld [smem:$0x7FB]  }
0x113: {  	[sflag:s4] =	ssyncset.done $0x0  }
0x114: {  	[sflag:s4] =	ssyncadd.s32 $0xFFFFF000  }
0x115: {  	[spmem:s5], [sflag:s26] =	dma.local [hbm:s1], $0x1000  }
0x116: {  	_ =	swait.ge [sflag:s18], $0x1000  }
0x117: {  	s1 =	sld [smem:$0x7FC]  }
0x118: {  	[sflag:s18] =	ssyncset.done $0x0  }
0x119: {  	[sflag:s18] =	ssyncadd.s32 $0xFFFFF000  }
0x11a: {  	[hbm:s1], [sflag:s31] =	dma.local [spmem:s14], $0x1000  }
0x11b: {  	_ =	swait.ge [sflag:s8], $0x1000  }
0x11c: {  	s1 =	sld [smem:$0x7FD]  }
0x11d: {  	[sflag:s8] =	ssyncset.done $0x0  }
0x11e: {  	[sflag:s8] =	ssyncadd.s32 $0xFFFFF000  }
0x11f: {  	[spmem:s14], [sflag:s28] =	dma.local [hbm:s1], $0x1000  }
0x120: {  	_ =	swait.ge [sflag:s12], $0x1000  }
0x121: {  	[sflag:s12] =	ssyncset.done $0x0  }
0x122: {  	[sflag:s12] =	ssyncadd.s32 $0xFFFFF000  }
0x123: {  	[hbm:s24], [sflag:s29] =	dma.local [spmem:s17], $0x1000  }
0x124: {  	_ =	swait.ge [sflag:s6], $0x1000  }
0x125: {  	[sflag:s6] =	ssyncset.done $0x0  }
0x126: {  	[sflag:s6] =	ssyncadd.s32 $0xFFFFF000  }
0x127: {  	[spmem:s17], [sflag:s2] =	dma.local [hbm:s23], $0x1000  }
0x128: {  	_ =	swait.ge [sflag:s10], $0x1000  }
0x129: {  	[sflag:s10] =	ssyncset.done $0x0  }
0x12a: {  	[sflag:s10] =	ssyncadd.s32 $0xFFFFF000  }
0x12b: {  	[hbm:s22], [sflag:s30] =	dma.local [spmem:s5], $0x1000  }
0x12c: {  	_ =	swait.ge [sflag:s4], $0x1000  }
0x12d: {  	[sflag:s4] =	ssyncset.done $0x0  }
0x12e: {  	[sflag:s4] =	ssyncadd.s32 $0xFFFFF000  }
0x12f: {  	[spmem:s5], [sflag:s26] =	dma.local [hbm:s21], $0x1000  }
0x130: {  	_ =	swait.ge [sflag:s18], $0x1000  }
0x131: {  	[sflag:s18] =	ssyncset.done $0x0  }
0x132: {  	[sflag:s18] =	ssyncadd.s32 $0xFFFFF000  }
0x133: {  	[hbm:s20], [sflag:s31] =	dma.local [spmem:s14], $0x1000  }
0x134: {  	_ =	swait.ge [sflag:s8], $0x1000  }
0x135: {  	[sflag:s8] =	ssyncset.done $0x0  }
0x136: {  	[sflag:s8] =	ssyncadd.s32 $0xFFFFF000  }
0x137: {  	[spmem:s14], [sflag:s28] =	dma.local [hbm:s19], $0x1000  }
0x138: {  	_ =	swait.ge [sflag:s12], $0x1000  }
0x139: {  	[sflag:s12] =	ssyncset.done $0x0  }
0x13a: {  	[sflag:s12] =	ssyncadd.s32 $0xFFFFF000  }
0x13b: {  	[hbm:s16], [sflag:s29] =	dma.local [spmem:s17], $0x1000  }
0x13c: {  	_ =	swait.ge [sflag:s6], $0x1000  }
0x13d: {  	[sflag:s6] =	ssyncset.done $0x0  }
0x13e: {  	[sflag:s6] =	ssyncadd.s32 $0xFFFFF000  }
0x13f: {  	[spmem:s17], [sflag:s2] =	dma.local [hbm:s15], $0x1000  }
0x140: {  	_ =	swait.ge [sflag:s10], $0x1000  }
0x141: {  	[sflag:s10] =	ssyncset.done $0x0  }
0x142: {  	[sflag:s10] =	ssyncadd.s32 $0xFFFFF000  }
0x143: {  	[hbm:s13], [sflag:s30] =	dma.local [spmem:s5], $0x1000  }
0x144: {  	_ =	swait.ge [sflag:s4], $0x1000  }
0x145: {  	[sflag:s4] =	ssyncset.done $0x0  }
0x146: {  	[sflag:s4] =	ssyncadd.s32 $0xFFFFF000  }
0x147: {  	[spmem:s5], [sflag:s26] =	dma.local [hbm:s11], $0x1000  }
0x148: {  	_ =	swait.ge [sflag:s18], $0x1000  }
0x149: {  	[sflag:s18] =	ssyncset.done $0x0  }
0x14a: {  	[sflag:s18] =	ssyncadd.s32 $0xFFFFF000  }
0x14b: {  	[hbm:s9], [sflag:s31] =	dma.local [spmem:s14], $0x1000  }
0x14c: {  	_ =	swait.ge [sflag:s12], $0x1000  }
0x14d: {  	[sflag:s12] =	ssyncset.done $0x0  }
0x14e: {  	[sflag:s12] =	ssyncadd.s32 $0xFFFFF000  }
0x14f: {  	[hbm:s7], [sflag:s29] =	dma.local [spmem:s17], $0x1000  }
0x150: {  	_ =	swait.ge [sflag:s10], $0x1000  }
0x151: {  	[sflag:s10] =	ssyncset.done $0x0  }
0x152: {  	[sflag:s10] =	ssyncadd.s32 $0xFFFFF000  }
0x153: {  	[hbm:s3], [sflag:s30] =	dma.local [spmem:s5], $0x1000  }
0x154: {  	_ =	swait.ge [sflag:s6], $0x1000  }
0x155: {  	[sflag:s6] =	ssyncset.done $0x0  }
0x156: {  	p1 =	sne.s32 s0, $0x1;
	[sflag:s6] =	ssyncadd.s32 $0xFFFFF000  }
.Ltmp1:
0x157: {  	_ =	swait.ge [sflag:s4], $0x1000;
	(pc) =	sbr.rel @!p1 .LBB2_2-.Ltmp1, $4  }
0x158: {  	[sflag:s4] =	ssyncset.done $0x0  }
0x159: {  	[sflag:s4] =	ssyncadd.s32 $0xFFFFF000  }
0x15a: {  	s0 =	sadd.s32 $0xFFFFFFFF, s0;
	_ =	swait.ge [sflag:s8], $0x1000  }
0x15b: {  	p0 =	por $0x1, $0x1;
	s1 =	rddreg [dreg:$0x4];
	[sflag:s8] =	ssyncset.done $0x0  }
.LBB2_3:
0x15c: {  	[sflag:s8] =	ssyncadd.s32 $0xFFFFF000  }
0x15d: {  	[spmem:s17], [sflag:s2] =	dma.local [hbm:s1], $0x1000  }
0x15e: {  	s1 =	rddreg [dreg:$0x5]  }
0x15f: {  	[spmem:s5], [sflag:s26] =	dma.local [hbm:s1], $0x1000  }
0x160: {  	s1 =	rddreg [dreg:$0x6]  }
0x161: {  	[spmem:s14], [sflag:s28] =	dma.local [hbm:s1], $0x1000  }
0x162: {  	_ =	swait.ge [sflag:s12], $0x1000  }
0x163: {  	[sflag:s12] =	ssyncset.done $0x0  }
0x164: {  	s1 =	rddreg [dreg:$0x7];
	[sflag:s12] =	ssyncadd.s32 $0xFFFFF000  }
0x165: {  	[hbm:s1], [sflag:s29] =	dma.local [spmem:s17], $0x1000  }
0x166: {  	_ =	swait.ge [sflag:s6], $0x1000  }
0x167: {  	[sflag:s6] =	ssyncset.done $0x0  }
0x168: {  	s1 =	rddreg [dreg:$0x8];
	[sflag:s6] =	ssyncadd.s32 $0xFFFFF000  }
0x169: {  	[spmem:s17], [sflag:s2] =	dma.local [hbm:s1], $0x1000  }
0x16a: {  	_ =	swait.ge [sflag:s10], $0x1000  }
0x16b: {  	[sflag:s10] =	ssyncset.done $0x0  }
0x16c: {  	s1 =	rddreg [dreg:$0x9];
	[sflag:s10] =	ssyncadd.s32 $0xFFFFF000  }
0x16d: {  	[hbm:s1], [sflag:s30] =	dma.local [spmem:s5], $0x1000  }
0x16e: {  	_ =	swait.ge [sflag:s4], $0x1000  }
0x16f: {  	[sflag:s4] =	ssyncset.done $0x0  }
0x170: {  	s1 =	rddreg [dreg:$0xa];
	[sflag:s4] =	ssyncadd.s32 $0xFFFFF000  }
0x171: {  	[spmem:s5], [sflag:s26] =	dma.local [hbm:s1], $0x1000  }
0x172: {  	_ =	swait.ge [sflag:s18], $0x1000  }
0x173: {  	[sflag:s18] =	ssyncset.done $0x0  }
0x174: {  	s1 =	rddreg [dreg:$0xb];
	[sflag:s18] =	ssyncadd.s32 $0xFFFFF000  }
0x175: {  	[hbm:s1], [sflag:s31] =	dma.local [spmem:s14], $0x1000  }
0x176: {  	_ =	swait.ge [sflag:s8], $0x1000  }
0x177: {  	[sflag:s8] =	ssyncset.done $0x0  }
0x178: {  	s1 =	rddreg [dreg:$0xc];
	[sflag:s8] =	ssyncadd.s32 $0xFFFFF000  }
0x179: {  	[spmem:s14], [sflag:s28] =	dma.local [hbm:s1], $0x1000  }
0x17a: {  	_ =	swait.ge [sflag:s12], $0x1000  }
0x17b: {  	[sflag:s12] =	ssyncset.done $0x0  }
0x17c: {  	s1 =	rddreg [dreg:$0xd];
	[sflag:s12] =	ssyncadd.s32 $0xFFFFF000  }
0x17d: {  	[hbm:s1], [sflag:s29] =	dma.local [spmem:s17], $0x1000  }
0x17e: {  	_ =	swait.ge [sflag:s6], $0x1000  }
0x17f: {  	[sflag:s6] =	ssyncset.done $0x0  }
0x180: {  	s1 =	rddreg [dreg:$0xe];
	[sflag:s6] =	ssyncadd.s32 $0xFFFFF000  }
0x181: {  	[spmem:s17], [sflag:s2] =	dma.local [hbm:s1], $0x1000  }
0x182: {  	_ =	swait.ge [sflag:s10], $0x1000  }
0x183: {  	[sflag:s10] =	ssyncset.done $0x0  }
0x184: {  	s1 =	rddreg [dreg:$0xf];
	[sflag:s10] =	ssyncadd.s32 $0xFFFFF000  }
0x185: {  	[hbm:s1], [sflag:s30] =	dma.local [spmem:s5], $0x1000  }
0x186: {  	_ =	swait.ge [sflag:s4], $0x1000  }
0x187: {  	[sflag:s4] =	ssyncset.done $0x0  }
0x188: {  	s1 =	rddreg [dreg:$0x10];
	[sflag:s4] =	ssyncadd.s32 $0xFFFFF000  }
0x189: {  	[spmem:s5], [sflag:s26] =	dma.local [hbm:s1], $0x1000  }
0x18a: {  	_ =	swait.ge [sflag:s18], $0x1000  }
0x18b: {  	[sflag:s18] =	ssyncset.done $0x0  }
0x18c: {  	s1 =	rddreg [dreg:$0x11];
	[sflag:s18] =	ssyncadd.s32 $0xFFFFF000  }
0x18d: {  	[hbm:s1], [sflag:s31] =	dma.local [spmem:s14], $0x1000  }
0x18e: {  	_ =	swait.ge [sflag:s8], $0x1000  }
0x18f: {  	[sflag:s8] =	ssyncset.done $0x0  }
0x190: {  	s1 =	rddreg [dreg:$0x12];
	[sflag:s8] =	ssyncadd.s32 $0xFFFFF000  }
0x191: {  	[spmem:s14], [sflag:s28] =	dma.local [hbm:s1], $0x1000  }
0x192: {  	_ =	swait.ge [sflag:s12], $0x1000  }
0x193: {  	[sflag:s12] =	ssyncset.done $0x0  }
0x194: {  	s1 =	rddreg [dreg:$0x13];
	[sflag:s12] =	ssyncadd.s32 $0xFFFFF000  }
0x195: {  	[hbm:s1], [sflag:s29] =	dma.local [spmem:s17], $0x1000  }
0x196: {  	_ =	swait.ge [sflag:s6], $0x1000  }
0x197: {  	[sflag:s6] =	ssyncset.done $0x0  }
0x198: {  	s1 =	rddreg [dreg:$0x14];
	[sflag:s6] =	ssyncadd.s32 $0xFFFFF000  }
0x199: {  	[spmem:s17], [sflag:s2] =	dma.local [hbm:s1], $0x1000  }
0x19a: {  	_ =	swait.ge [sflag:s10], $0x1000  }
0x19b: {  	[sflag:s10] =	ssyncset.done $0x0  }
0x19c: {  	s1 =	rddreg [dreg:$0x15];
	[sflag:s10] =	ssyncadd.s32 $0xFFFFF000  }
0x19d: {  	[hbm:s1], [sflag:s30] =	dma.local [spmem:s5], $0x1000  }
0x19e: {  	_ =	swait.ge [sflag:s4], $0x1000  }
0x19f: {  	[sflag:s4] =	ssyncset.done $0x0  }
0x1a0: {  	s1 =	rddreg [dreg:$0x16];
	[sflag:s4] =	ssyncadd.s32 $0xFFFFF000  }
0x1a1: {  	[spmem:s5], [sflag:s26] =	dma.local [hbm:s1], $0x1000  }
0x1a2: {  	_ =	swait.ge [sflag:s18], $0x1000  }
0x1a3: {  	[sflag:s18] =	ssyncset.done $0x0  }
0x1a4: {  	s1 =	rddreg [dreg:$0x17];
	[sflag:s18] =	ssyncadd.s32 $0xFFFFF000  }
0x1a5: {  	[hbm:s1], [sflag:s31] =	dma.local [spmem:s14], $0x1000  }
0x1a6: {  	_ =	swait.ge [sflag:s8], $0x1000  }
0x1a7: {  	[sflag:s8] =	ssyncset.done $0x0  }
0x1a8: {  	s1 =	rddreg [dreg:$0x18];
	[sflag:s8] =	ssyncadd.s32 $0xFFFFF000  }
0x1a9: {  	[spmem:s14], [sflag:s28] =	dma.local [hbm:s1], $0x1000  }
0x1aa: {  	_ =	swait.ge [sflag:s12], $0x1000  }
0x1ab: {  	[sflag:s12] =	ssyncset.done $0x0  }
0x1ac: {  	s1 =	rddreg [dreg:$0x19];
	[sflag:s12] =	ssyncadd.s32 $0xFFFFF000  }
0x1ad: {  	[hbm:s1], [sflag:s29] =	dma.local [spmem:s17], $0x1000  }
0x1ae: {  	_ =	swait.ge [sflag:s6], $0x1000  }
0x1af: {  	[sflag:s6] =	ssyncset.done $0x0  }
0x1b0: {  	s1 =	rddreg [dreg:$0x1a];
	[sflag:s6] =	ssyncadd.s32 $0xFFFFF000  }
0x1b1: {  	[spmem:s17], [sflag:s2] =	dma.local [hbm:s1], $0x1000  }
0x1b2: {  	_ =	swait.ge [sflag:s10], $0x1000  }
0x1b3: {  	[sflag:s10] =	ssyncset.done $0x0  }
0x1b4: {  	s1 =	rddreg [dreg:$0x1b];
	[sflag:s10] =	ssyncadd.s32 $0xFFFFF000  }
0x1b5: {  	[hbm:s1], [sflag:s30] =	dma.local [spmem:s5], $0x1000  }
0x1b6: {  	_ =	swait.ge [sflag:s4], $0x1000  }
0x1b7: {  	[sflag:s4] =	ssyncset.done $0x0  }
0x1b8: {  	s1 =	rddreg [dreg:$0x1c];
	[sflag:s4] =	ssyncadd.s32 $0xFFFFF000  }
0x1b9: {  	[spmem:s5], [sflag:s26] =	dma.local [hbm:s1], $0x1000  }
0x1ba: {  	_ =	swait.ge [sflag:s18], $0x1000  }
0x1bb: {  	[sflag:s18] =	ssyncset.done $0x0  }
0x1bc: {  	s1 =	rddreg [dreg:$0x1d];
	[sflag:s18] =	ssyncadd.s32 $0xFFFFF000  }
0x1bd: {  	[hbm:s1], [sflag:s31] =	dma.local [spmem:s14], $0x1000  }
0x1be: {  	_ =	swait.ge [sflag:s8], $0x1000  }
0x1bf: {  	[sflag:s8] =	ssyncset.done $0x0  }
0x1c0: {  	s1 =	rddreg [dreg:$0x1e];
	[sflag:s8] =	ssyncadd.s32 $0xFFFFF000  }
0x1c1: {  	[spmem:s14], [sflag:s28] =	dma.local [hbm:s1], $0x1000  }
0x1c2: {  	_ =	swait.ge [sflag:s12], $0x1000  }
0x1c3: {  	[sflag:s12] =	ssyncset.done $0x0  }
0x1c4: {  	s1 =	rddreg [dreg:$0x1f];
	[sflag:s12] =	ssyncadd.s32 $0xFFFFF000  }
0x1c5: {  	[hbm:s1], [sflag:s29] =	dma.local [spmem:s17], $0x1000  }
0x1c6: {  	_ =	swait.ge [sflag:s6], $0x1000  }
0x1c7: {  	s1 =	sld [smem:$0x7E7]  }
0x1c8: {  	[sflag:s6] =	ssyncset.done $0x0  }
0x1c9: {  	[sflag:s6] =	ssyncadd.s32 $0xFFFFF000  }
0x1ca: {  	[spmem:s17], [sflag:s2] =	dma.local [hbm:s1], $0x1000  }
0x1cb: {  	_ =	swait.ge [sflag:s10], $0x1000  }
0x1cc: {  	s1 =	sld [smem:$0x7E8]  }
0x1cd: {  	[sflag:s10] =	ssyncset.done $0x0  }
0x1ce: {  	[sflag:s10] =	ssyncadd.s32 $0xFFFFF000  }
0x1cf: {  	[hbm:s1], [sflag:s30] =	dma.local [spmem:s5], $0x1000  }
0x1d0: {  	_ =	swait.ge [sflag:s4], $0x1000  }
0x1d1: {  	s1 =	sld [smem:$0x7E9]  }
0x1d2: {  	[sflag:s4] =	ssyncset.done $0x0  }
0x1d3: {  	[sflag:s4] =	ssyncadd.s32 $0xFFFFF000  }
0x1d4: {  	[spmem:s5], [sflag:s26] =	dma.local [hbm:s1], $0x1000  }
0x1d5: {  	_ =	swait.ge [sflag:s18], $0x1000  }
0x1d6: {  	s1 =	sld [smem:$0x7EA]  }
0x1d7: {  	[sflag:s18] =	ssyncset.done $0x0  }
0x1d8: {  	[sflag:s18] =	ssyncadd.s32 $0xFFFFF000  }
0x1d9: {  	[hbm:s1], [sflag:s31] =	dma.local [spmem:s14], $0x1000  }
0x1da: {  	_ =	swait.ge [sflag:s8], $0x1000  }
0x1db: {  	s1 =	sld [smem:$0x7EB]  }
0x1dc: {  	[sflag:s8] =	ssyncset.done $0x0  }
0x1dd: {  	[sflag:s8] =	ssyncadd.s32 $0xFFFFF000  }
0x1de: {  	[spmem:s14], [sflag:s28] =	dma.local [hbm:s1], $0x1000  }
0x1df: {  	_ =	swait.ge [sflag:s12], $0x1000  }
0x1e0: {  	s1 =	sld [smem:$0x7EC]  }
0x1e1: {  	[sflag:s12] =	ssyncset.done $0x0  }
0x1e2: {  	[sflag:s12] =	ssyncadd.s32 $0xFFFFF000  }
0x1e3: {  	[hbm:s1], [sflag:s29] =	dma.local [spmem:s17], $0x1000  }
0x1e4: {  	_ =	swait.ge [sflag:s6], $0x1000  }
0x1e5: {  	s1 =	sld [smem:$0x7ED]  }
0x1e6: {  	[sflag:s6] =	ssyncset.done $0x0  }
0x1e7: {  	[sflag:s6] =	ssyncadd.s32 $0xFFFFF000  }
0x1e8: {  	[spmem:s17], [sflag:s2] =	dma.local [hbm:s1], $0x1000  }
0x1e9: {  	_ =	swait.ge [sflag:s10], $0x1000  }
0x1ea: {  	s1 =	sld [smem:$0x7EE]  }
0x1eb: {  	[sflag:s10] =	ssyncset.done $0x0  }
0x1ec: {  	[sflag:s10] =	ssyncadd.s32 $0xFFFFF000  }
0x1ed: {  	[hbm:s1], [sflag:s30] =	dma.local [spmem:s5], $0x1000  }
0x1ee: {  	_ =	swait.ge [sflag:s4], $0x1000  }
0x1ef: {  	s1 =	sld [smem:$0x7EF]  }
0x1f0: {  	[sflag:s4] =	ssyncset.done $0x0  }
0x1f1: {  	[sflag:s4] =	ssyncadd.s32 $0xFFFFF000  }
0x1f2: {  	[spmem:s5], [sflag:s26] =	dma.local [hbm:s1], $0x1000  }
0x1f3: {  	_ =	swait.ge [sflag:s18], $0x1000  }
0x1f4: {  	s1 =	sld [smem:$0x7F0]  }
0x1f5: {  	[sflag:s18] =	ssyncset.done $0x0  }
0x1f6: {  	[sflag:s18] =	ssyncadd.s32 $0xFFFFF000  }
0x1f7: {  	[hbm:s1], [sflag:s31] =	dma.local [spmem:s14], $0x1000  }
0x1f8: {  	_ =	swait.ge [sflag:s8], $0x1000  }
0x1f9: {  	s1 =	sld [smem:$0x7F1]  }
0x1fa: {  	[sflag:s8] =	ssyncset.done $0x0  }
0x1fb: {  	[sflag:s8] =	ssyncadd.s32 $0xFFFFF000  }
0x1fc: {  	[spmem:s14], [sflag:s28] =	dma.local [hbm:s1], $0x1000  }
0x1fd: {  	_ =	swait.ge [sflag:s12], $0x1000  }
0x1fe: {  	s1 =	sld [smem:$0x7F2]  }
0x1ff: {  	[sflag:s12] =	ssyncset.done $0x0  }
0x200: {  	[sflag:s12] =	ssyncadd.s32 $0xFFFFF000  }
0x201: {  	[hbm:s1], [sflag:s29] =	dma.local [spmem:s17], $0x1000  }
0x202: {  	_ =	swait.ge [sflag:s6], $0x1000  }
0x203: {  	s1 =	sld [smem:$0x7F3]  }
0x204: {  	[sflag:s6] =	ssyncset.done $0x0  }
0x205: {  	[sflag:s6] =	ssyncadd.s32 $0xFFFFF000  }
0x206: {  	[spmem:s17], [sflag:s2] =	dma.local [hbm:s1], $0x1000  }
0x207: {  	_ =	swait.ge [sflag:s10], $0x1000  }
0x208: {  	s1 =	sld [smem:$0x7F4]  }
0x209: {  	[sflag:s10] =	ssyncset.done $0x0  }
0x20a: {  	[sflag:s10] =	ssyncadd.s32 $0xFFFFF000  }
0x20b: {  	[hbm:s1], [sflag:s30] =	dma.local [spmem:s5], $0x1000  }
0x20c: {  	_ =	swait.ge [sflag:s4], $0x1000  }
0x20d: {  	s1 =	sld [smem:$0x7F5]  }
0x20e: {  	[sflag:s4] =	ssyncset.done $0x0  }
0x20f: {  	[sflag:s4] =	ssyncadd.s32 $0xFFFFF000  }
0x210: {  	[spmem:s5], [sflag:s26] =	dma.local [hbm:s1], $0x1000  }
0x211: {  	_ =	swait.ge [sflag:s18], $0x1000  }
0x212: {  	s1 =	sld [smem:$0x7F6]  }
0x213: {  	[sflag:s18] =	ssyncset.done $0x0  }
0x214: {  	[sflag:s18] =	ssyncadd.s32 $0xFFFFF000  }
0x215: {  	[hbm:s1], [sflag:s31] =	dma.local [spmem:s14], $0x1000  }
0x216: {  	_ =	swait.ge [sflag:s8], $0x1000  }
0x217: {  	s1 =	sld [smem:$0x7F7]  }
0x218: {  	[sflag:s8] =	ssyncset.done $0x0  }
0x219: {  	[sflag:s8] =	ssyncadd.s32 $0xFFFFF000  }
0x21a: {  	[spmem:s14], [sflag:s28] =	dma.local [hbm:s1], $0x1000  }
0x21b: {  	_ =	swait.ge [sflag:s12], $0x1000  }
0x21c: {  	s1 =	sld [smem:$0x7F8]  }
0x21d: {  	[sflag:s12] =	ssyncset.done $0x0  }
0x21e: {  	[sflag:s12] =	ssyncadd.s32 $0xFFFFF000  }
0x21f: {  	[hbm:s1], [sflag:s29] =	dma.local [spmem:s17], $0x1000  }
0x220: {  	_ =	swait.ge [sflag:s6], $0x1000  }
0x221: {  	s1 =	sld [smem:$0x7F9]  }
0x222: {  	[sflag:s6] =	ssyncset.done $0x0  }
0x223: {  	[sflag:s6] =	ssyncadd.s32 $0xFFFFF000  }
0x224: {  	[spmem:s17], [sflag:s2] =	dma.local [hbm:s1], $0x1000  }
0x225: {  	_ =	swait.ge [sflag:s10], $0x1000  }
0x226: {  	s1 =	sld [smem:$0x7FA]  }
0x227: {  	[sflag:s10] =	ssyncset.done $0x0  }
0x228: {  	[sflag:s10] =	ssyncadd.s32 $0xFFFFF000  }
0x229: {  	[hbm:s1], [sflag:s30] =	dma.local [spmem:s5], $0x1000  }
0x22a: {  	_ =	swait.ge [sflag:s4], $0x1000  }
0x22b: {  	s1 =	sld [smem:$0x7FB]  }
0x22c: {  	[sflag:s4] =	ssyncset.done $0x0  }
0x22d: {  	[sflag:s4] =	ssyncadd.s32 $0xFFFFF000  }
0x22e: {  	[spmem:s5], [sflag:s26] =	dma.local [hbm:s1], $0x1000  }
0x22f: {  	_ =	swait.ge [sflag:s18], $0x1000  }
0x230: {  	s1 =	sld [smem:$0x7FC]  }
0x231: {  	[sflag:s18] =	ssyncset.done $0x0  }
0x232: {  	[sflag:s18] =	ssyncadd.s32 $0xFFFFF000  }
0x233: {  	[hbm:s1], [sflag:s31] =	dma.local [spmem:s14], $0x1000  }
0x234: {  	_ =	swait.ge [sflag:s8], $0x1000  }
0x235: {  	s1 =	sld [smem:$0x7FD]  }
0x236: {  	[sflag:s8] =	ssyncset.done $0x0  }
0x237: {  	[sflag:s8] =	ssyncadd.s32 $0xFFFFF000  }
0x238: {  	[spmem:s14], [sflag:s28] =	dma.local [hbm:s1], $0x1000  }
0x239: {  	_ =	swait.ge [sflag:s12], $0x1000  }
0x23a: {  	[sflag:s12] =	ssyncset.done $0x0  }
0x23b: {  	[sflag:s12] =	ssyncadd.s32 $0xFFFFF000  }
0x23c: {  	[hbm:s24], [sflag:s29] =	dma.local [spmem:s17], $0x1000  }
0x23d: {  	_ =	swait.ge [sflag:s6], $0x1000  }
0x23e: {  	[sflag:s6] =	ssyncset.done $0x0  }
0x23f: {  	[sflag:s6] =	ssyncadd.s32 $0xFFFFF000  }
0x240: {  	[spmem:s17], [sflag:s2] =	dma.local [hbm:s23], $0x1000  }
0x241: {  	_ =	swait.ge [sflag:s10], $0x1000  }
0x242: {  	[sflag:s10] =	ssyncset.done $0x0  }
0x243: {  	[sflag:s10] =	ssyncadd.s32 $0xFFFFF000  }
0x244: {  	[hbm:s22], [sflag:s30] =	dma.local [spmem:s5], $0x1000  }
0x245: {  	_ =	swait.ge [sflag:s4], $0x1000  }
0x246: {  	[sflag:s4] =	ssyncset.done $0x0  }
0x247: {  	[sflag:s4] =	ssyncadd.s32 $0xFFFFF000  }
0x248: {  	[spmem:s5], [sflag:s26] =	dma.local [hbm:s21], $0x1000  }
0x249: {  	_ =	swait.ge [sflag:s18], $0x1000  }
0x24a: {  	[sflag:s18] =	ssyncset.done $0x0  }
0x24b: {  	[sflag:s18] =	ssyncadd.s32 $0xFFFFF000  }
0x24c: {  	[hbm:s20], [sflag:s31] =	dma.local [spmem:s14], $0x1000  }
0x24d: {  	_ =	swait.ge [sflag:s8], $0x1000  }
0x24e: {  	[sflag:s8] =	ssyncset.done $0x0  }
0x24f: {  	[sflag:s8] =	ssyncadd.s32 $0xFFFFF000  }
0x250: {  	[spmem:s14], [sflag:s28] =	dma.local [hbm:s19], $0x1000  }
0x251: {  	_ =	swait.ge [sflag:s12], $0x1000  }
0x252: {  	[sflag:s12] =	ssyncset.done $0x0  }
0x253: {  	[sflag:s12] =	ssyncadd.s32 $0xFFFFF000  }
0x254: {  	[hbm:s16], [sflag:s29] =	dma.local [spmem:s17], $0x1000  }
0x255: {  	_ =	swait.ge [sflag:s6], $0x1000  }
0x256: {  	[sflag:s6] =	ssyncset.done $0x0  }
0x257: {  	[sflag:s6] =	ssyncadd.s32 $0xFFFFF000  }
0x258: {  	[spmem:s17], [sflag:s2] =	dma.local [hbm:s15], $0x1000  }
0x259: {  	_ =	swait.ge [sflag:s10], $0x1000  }
0x25a: {  	[sflag:s10] =	ssyncset.done $0x0  }
0x25b: {  	[sflag:s10] =	ssyncadd.s32 $0xFFFFF000  }
0x25c: {  	[hbm:s13], [sflag:s30] =	dma.local [spmem:s5], $0x1000  }
0x25d: {  	_ =	swait.ge [sflag:s4], $0x1000  }
0x25e: {  	[sflag:s4] =	ssyncset.done $0x0  }
0x25f: {  	[sflag:s4] =	ssyncadd.s32 $0xFFFFF000  }
0x260: {  	[spmem:s5], [sflag:s26] =	dma.local [hbm:s11], $0x1000  }
0x261: {  	_ =	swait.ge [sflag:s18], $0x1000  }
0x262: {  	[sflag:s18] =	ssyncset.done $0x0  }
0x263: {  	[sflag:s18] =	ssyncadd.s32 $0xFFFFF000  }
0x264: {  	[hbm:s9], [sflag:s31] =	dma.local [spmem:s14], $0x1000  }
0x265: {  	_ =	swait.ge [sflag:s12], $0x1000  }
0x266: {  	[sflag:s12] =	ssyncset.done $0x0  }
0x267: {  	[sflag:s12] =	ssyncadd.s32 $0xFFFFF000  }
0x268: {  	[hbm:s7], [sflag:s29] =	dma.local [spmem:s17], $0x1000  }
0x269: {  	_ =	swait.ge [sflag:s10], $0x1000  }
0x26a: {  	[sflag:s10] =	ssyncset.done $0x0  }
0x26b: {  	[sflag:s10] =	ssyncadd.s32 $0xFFFFF000  }
0x26c: {  	[hbm:s3], [sflag:s30] =	dma.local [spmem:s5], $0x1000  }
0x26d: {  	_ =	swait.ge [sflag:s6], $0x1000  }
0x26e: {  	[sflag:s6] =	ssyncset.done $0x0  }
0x26f: {  	p1 =	sne.s32 s0, $0x1;
	[sflag:s6] =	ssyncadd.s32 $0xFFFFF000  }
.Ltmp2:
0x270: {  	_ =	swait.ge [sflag:s4], $0x1000;
	(pc) =	sbr.rel @p1 .LBB2_3-.Ltmp2, $4  }
0x271: {  	[sflag:s4] =	ssyncset.done $0x0  }
0x272: {  	[sflag:s4] =	ssyncadd.s32 $0xFFFFF000  }
0x273: {  	_ =	swait.ge [sflag:s8], $0x1000  }
0x274: {  	s0 =	sadd.s32 $0xFFFFFFFF, s0;
	s1 =	rddreg [dreg:$0x4];
	[sflag:s8] =	ssyncset.done $0x0  }
0x275: {  	s30 =	rddreg [dreg:$0x3];
	s31 =	stileid.u32  }
.LBB2_5:
0x276: {  	[sflag:s8] =	ssyncadd.s32 @p0 $0xFFFFF000  }
0x277: {  	[spmem:s17], [sflag:s2] =	dma.local [hbm:s1], $0x1000  }
0x278: {  	s0 =	sor.u32 $0x1C02, s25;
	s1 =	rddreg [dreg:$0x5]  }
0x279: {  	[spmem:s5], [sflag:s0] =	dma.local [hbm:s1], $0x1000  }
0x27a: {  	s29 =	sor.u32 $0x1C03, s25;
	s1 =	rddreg [dreg:$0x6]  }
0x27b: {  	[spmem:s14], [sflag:s29] =	dma.local [hbm:s1], $0x1000  }
0x27c: {  	_ =	swait.ge [sflag:s12], $0x1000  }
0x27d: {  	[sflag:s12] =	ssyncset.done $0x0  }
0x27e: {  	s26 =	sor.u32 $0x1C04, s25;
	s28 =	rddreg [dreg:$0x7];
	[sflag:s12] =	ssyncadd.s32 $0xFFFFF000  }
0x27f: {  	[hbm:s28], [sflag:s26] =	dma.local [spmem:s17], $0x1000  }
0x280: {  	_ =	swait.ge [sflag:s6], $0x1000  }
0x281: {  	[sflag:s6] =	ssyncset.done $0x0  }
0x282: {  	s28 =	rddreg [dreg:$0x8];
	[sflag:s6] =	ssyncadd.s32 $0xFFFFF000  }
0x283: {  	[spmem:s17], [sflag:s2] =	dma.local [hbm:s28], $0x1000  }
0x284: {  	_ =	swait.ge [sflag:s10], $0x1000  }
0x285: {  	[sflag:s10] =	ssyncset.done $0x0  }
0x286: {  	s28 =	sor.u32 $0x1C05, s25;
	s1 =	rddreg [dreg:$0x9];
	[sflag:s10] =	ssyncadd.s32 $0xFFFFF000  }
0x287: {  	[hbm:s1], [sflag:s28] =	dma.local [spmem:s5], $0x1000  }
0x288: {  	_ =	swait.ge [sflag:s4], $0x1000  }
0x289: {  	[sflag:s4] =	ssyncset.done $0x0  }
0x28a: {  	s1 =	rddreg [dreg:$0xa];
	[sflag:s4] =	ssyncadd.s32 $0xFFFFF000  }
0x28b: {  	[spmem:s5], [sflag:s0] =	dma.local [hbm:s1], $0x1000  }
0x28c: {  	_ =	swait.ge [sflag:s18], $0x1000  }
0x28d: {  	[sflag:s18] =	ssyncset.done $0x0  }
0x28e: {  	s25 =	sor.u32 $0x1C06, s25;
	s1 =	rddreg [dreg:$0xb];
	[sflag:s18] =	ssyncadd.s32 $0xFFFFF000  }
0x28f: {  	[hbm:s1], [sflag:s25] =	dma.local [spmem:s14], $0x1000  }
0x290: {  	_ =	swait.ge [sflag:s8], $0x1000  }
0x291: {  	[sflag:s8] =	ssyncset.done $0x0  }
0x292: {  	s1 =	rddreg [dreg:$0xc];
	[sflag:s8] =	ssyncadd.s32 $0xFFFFF000  }
0x293: {  	[spmem:s14], [sflag:s29] =	dma.local [hbm:s1], $0x1000  }
0x294: {  	_ =	swait.ge [sflag:s12], $0x1000  }
0x295: {  	[sflag:s12] =	ssyncset.done $0x0  }
0x296: {  	s1 =	rddreg [dreg:$0xd];
	[sflag:s12] =	ssyncadd.s32 $0xFFFFF000  }
0x297: {  	[hbm:s1], [sflag:s26] =	dma.local [spmem:s17], $0x1000  }
0x298: {  	_ =	swait.ge [sflag:s6], $0x1000  }
0x299: {  	[sflag:s6] =	ssyncset.done $0x0  }
0x29a: {  	s1 =	rddreg [dreg:$0xe];
	[sflag:s6] =	ssyncadd.s32 $0xFFFFF000  }
0x29b: {  	[spmem:s17], [sflag:s2] =	dma.local [hbm:s1], $0x1000  }
0x29c: {  	_ =	swait.ge [sflag:s10], $0x1000  }
0x29d: {  	[sflag:s10] =	ssyncset.done $0x0  }
0x29e: {  	s1 =	rddreg [dreg:$0xf];
	[sflag:s10] =	ssyncadd.s32 $0xFFFFF000  }
0x29f: {  	[hbm:s1], [sflag:s28] =	dma.local [spmem:s5], $0x1000  }
0x2a0: {  	_ =	swait.ge [sflag:s4], $0x1000  }
0x2a1: {  	[sflag:s4] =	ssyncset.done $0x0  }
0x2a2: {  	s1 =	rddreg [dreg:$0x10];
	[sflag:s4] =	ssyncadd.s32 $0xFFFFF000  }
0x2a3: {  	[spmem:s5], [sflag:s0] =	dma.local [hbm:s1], $0x1000  }
0x2a4: {  	_ =	swait.ge [sflag:s18], $0x1000  }
0x2a5: {  	[sflag:s18] =	ssyncset.done $0x0  }
0x2a6: {  	s1 =	rddreg [dreg:$0x11];
	[sflag:s18] =	ssyncadd.s32 $0xFFFFF000  }
0x2a7: {  	[hbm:s1], [sflag:s25] =	dma.local [spmem:s14], $0x1000  }
0x2a8: {  	_ =	swait.ge [sflag:s8], $0x1000  }
0x2a9: {  	[sflag:s8] =	ssyncset.done $0x0  }
0x2aa: {  	s1 =	rddreg [dreg:$0x12];
	[sflag:s8] =	ssyncadd.s32 $0xFFFFF000  }
0x2ab: {  	[spmem:s14], [sflag:s29] =	dma.local [hbm:s1], $0x1000  }
0x2ac: {  	_ =	swait.ge [sflag:s12], $0x1000  }
0x2ad: {  	[sflag:s12] =	ssyncset.done $0x0  }
0x2ae: {  	s1 =	rddreg [dreg:$0x13];
	[sflag:s12] =	ssyncadd.s32 $0xFFFFF000  }
0x2af: {  	[hbm:s1], [sflag:s26] =	dma.local [spmem:s17], $0x1000  }
0x2b0: {  	_ =	swait.ge [sflag:s6], $0x1000  }
0x2b1: {  	[sflag:s6] =	ssyncset.done $0x0  }
0x2b2: {  	s1 =	rddreg [dreg:$0x14];
	[sflag:s6] =	ssyncadd.s32 $0xFFFFF000  }
0x2b3: {  	[spmem:s17], [sflag:s2] =	dma.local [hbm:s1], $0x1000  }
0x2b4: {  	_ =	swait.ge [sflag:s10], $0x1000  }
0x2b5: {  	[sflag:s10] =	ssyncset.done $0x0  }
0x2b6: {  	s1 =	rddreg [dreg:$0x15];
	[sflag:s10] =	ssyncadd.s32 $0xFFFFF000  }
0x2b7: {  	[hbm:s1], [sflag:s28] =	dma.local [spmem:s5], $0x1000  }
0x2b8: {  	_ =	swait.ge [sflag:s4], $0x1000  }
0x2b9: {  	[sflag:s4] =	ssyncset.done $0x0  }
0x2ba: {  	s1 =	rddreg [dreg:$0x16];
	[sflag:s4] =	ssyncadd.s32 $0xFFFFF000  }
0x2bb: {  	[spmem:s5], [sflag:s0] =	dma.local [hbm:s1], $0x1000  }
0x2bc: {  	_ =	swait.ge [sflag:s18], $0x1000  }
0x2bd: {  	[sflag:s18] =	ssyncset.done $0x0  }
0x2be: {  	s1 =	rddreg [dreg:$0x17];
	[sflag:s18] =	ssyncadd.s32 $0xFFFFF000  }
0x2bf: {  	[hbm:s1], [sflag:s25] =	dma.local [spmem:s14], $0x1000  }
0x2c0: {  	_ =	swait.ge [sflag:s8], $0x1000  }
0x2c1: {  	[sflag:s8] =	ssyncset.done $0x0  }
0x2c2: {  	s1 =	rddreg [dreg:$0x18];
	[sflag:s8] =	ssyncadd.s32 $0xFFFFF000  }
0x2c3: {  	[spmem:s14], [sflag:s29] =	dma.local [hbm:s1], $0x1000  }
0x2c4: {  	_ =	swait.ge [sflag:s12], $0x1000  }
0x2c5: {  	[sflag:s12] =	ssyncset.done $0x0  }
0x2c6: {  	s1 =	rddreg [dreg:$0x19];
	[sflag:s12] =	ssyncadd.s32 $0xFFFFF000  }
0x2c7: {  	[hbm:s1], [sflag:s26] =	dma.local [spmem:s17], $0x1000  }
0x2c8: {  	_ =	swait.ge [sflag:s6], $0x1000  }
0x2c9: {  	[sflag:s6] =	ssyncset.done $0x0  }
0x2ca: {  	s1 =	rddreg [dreg:$0x1a];
	[sflag:s6] =	ssyncadd.s32 $0xFFFFF000  }
0x2cb: {  	[spmem:s17], [sflag:s2] =	dma.local [hbm:s1], $0x1000  }
0x2cc: {  	_ =	swait.ge [sflag:s10], $0x1000  }
0x2cd: {  	[sflag:s10] =	ssyncset.done $0x0  }
0x2ce: {  	s1 =	rddreg [dreg:$0x1b];
	[sflag:s10] =	ssyncadd.s32 $0xFFFFF000  }
0x2cf: {  	[hbm:s1], [sflag:s28] =	dma.local [spmem:s5], $0x1000  }
0x2d0: {  	_ =	swait.ge [sflag:s4], $0x1000  }
0x2d1: {  	[sflag:s4] =	ssyncset.done $0x0  }
0x2d2: {  	s1 =	rddreg [dreg:$0x1c];
	[sflag:s4] =	ssyncadd.s32 $0xFFFFF000  }
0x2d3: {  	[spmem:s5], [sflag:s0] =	dma.local [hbm:s1], $0x1000  }
0x2d4: {  	_ =	swait.ge [sflag:s18], $0x1000  }
0x2d5: {  	[sflag:s18] =	ssyncset.done $0x0  }
0x2d6: {  	s1 =	rddreg [dreg:$0x1d];
	[sflag:s18] =	ssyncadd.s32 $0xFFFFF000  }
0x2d7: {  	[hbm:s1], [sflag:s25] =	dma.local [spmem:s14], $0x1000  }
0x2d8: {  	_ =	swait.ge [sflag:s8], $0x1000  }
0x2d9: {  	[sflag:s8] =	ssyncset.done $0x0  }
0x2da: {  	s1 =	rddreg [dreg:$0x1e];
	[sflag:s8] =	ssyncadd.s32 $0xFFFFF000  }
0x2db: {  	[spmem:s14], [sflag:s29] =	dma.local [hbm:s1], $0x1000  }
0x2dc: {  	_ =	swait.ge [sflag:s12], $0x1000  }
0x2dd: {  	[sflag:s12] =	ssyncset.done $0x0  }
0x2de: {  	s1 =	rddreg [dreg:$0x1f];
	[sflag:s12] =	ssyncadd.s32 $0xFFFFF000  }
0x2df: {  	[hbm:s1], [sflag:s26] =	dma.local [spmem:s17], $0x1000  }
0x2e0: {  	_ =	swait.ge [sflag:s6], $0x1000  }
0x2e1: {  	s1 =	sld [smem:$0x7E7]  }
0x2e2: {  	[sflag:s6] =	ssyncset.done $0x0  }
0x2e3: {  	[sflag:s6] =	ssyncadd.s32 $0xFFFFF000  }
0x2e4: {  	[spmem:s17], [sflag:s2] =	dma.local [hbm:s1], $0x1000  }
0x2e5: {  	_ =	swait.ge [sflag:s10], $0x1000  }
0x2e6: {  	s1 =	sld [smem:$0x7E8]  }
0x2e7: {  	[sflag:s10] =	ssyncset.done $0x0  }
0x2e8: {  	[sflag:s10] =	ssyncadd.s32 $0xFFFFF000  }
0x2e9: {  	[hbm:s1], [sflag:s28] =	dma.local [spmem:s5], $0x1000  }
0x2ea: {  	_ =	swait.ge [sflag:s4], $0x1000  }
0x2eb: {  	s1 =	sld [smem:$0x7E9]  }
0x2ec: {  	[sflag:s4] =	ssyncset.done $0x0  }
0x2ed: {  	[sflag:s4] =	ssyncadd.s32 $0xFFFFF000  }
0x2ee: {  	[spmem:s5], [sflag:s0] =	dma.local [hbm:s1], $0x1000  }
0x2ef: {  	_ =	swait.ge [sflag:s18], $0x1000  }
0x2f0: {  	s1 =	sld [smem:$0x7EA]  }
0x2f1: {  	[sflag:s18] =	ssyncset.done $0x0  }
0x2f2: {  	[sflag:s18] =	ssyncadd.s32 $0xFFFFF000  }
0x2f3: {  	[hbm:s1], [sflag:s25] =	dma.local [spmem:s14], $0x1000  }
0x2f4: {  	_ =	swait.ge [sflag:s8], $0x1000  }
0x2f5: {  	s1 =	sld [smem:$0x7EB]  }
0x2f6: {  	[sflag:s8] =	ssyncset.done $0x0  }
0x2f7: {  	[sflag:s8] =	ssyncadd.s32 $0xFFFFF000  }
0x2f8: {  	[spmem:s14], [sflag:s29] =	dma.local [hbm:s1], $0x1000  }
0x2f9: {  	_ =	swait.ge [sflag:s12], $0x1000  }
0x2fa: {  	s1 =	sld [smem:$0x7EC]  }
0x2fb: {  	[sflag:s12] =	ssyncset.done $0x0  }
0x2fc: {  	[sflag:s12] =	ssyncadd.s32 $0xFFFFF000  }
0x2fd: {  	[hbm:s1], [sflag:s26] =	dma.local [spmem:s17], $0x1000  }
0x2fe: {  	_ =	swait.ge [sflag:s6], $0x1000  }
0x2ff: {  	s1 =	sld [smem:$0x7ED]  }
0x300: {  	[sflag:s6] =	ssyncset.done $0x0  }
0x301: {  	[sflag:s6] =	ssyncadd.s32 $0xFFFFF000  }
0x302: {  	[spmem:s17], [sflag:s2] =	dma.local [hbm:s1], $0x1000  }
0x303: {  	_ =	swait.ge [sflag:s10], $0x1000  }
0x304: {  	s1 =	sld [smem:$0x7EE]  }
0x305: {  	[sflag:s10] =	ssyncset.done $0x0  }
0x306: {  	[sflag:s10] =	ssyncadd.s32 $0xFFFFF000  }
0x307: {  	[hbm:s1], [sflag:s28] =	dma.local [spmem:s5], $0x1000  }
0x308: {  	_ =	swait.ge [sflag:s4], $0x1000  }
0x309: {  	s1 =	sld [smem:$0x7EF]  }
0x30a: {  	[sflag:s4] =	ssyncset.done $0x0  }
0x30b: {  	[sflag:s4] =	ssyncadd.s32 $0xFFFFF000  }
0x30c: {  	[spmem:s5], [sflag:s0] =	dma.local [hbm:s1], $0x1000  }
0x30d: {  	_ =	swait.ge [sflag:s18], $0x1000  }
0x30e: {  	s1 =	sld [smem:$0x7F0]  }
0x30f: {  	[sflag:s18] =	ssyncset.done $0x0  }
0x310: {  	[sflag:s18] =	ssyncadd.s32 $0xFFFFF000  }
0x311: {  	[hbm:s1], [sflag:s25] =	dma.local [spmem:s14], $0x1000  }
0x312: {  	_ =	swait.ge [sflag:s8], $0x1000  }
0x313: {  	s1 =	sld [smem:$0x7F1]  }
0x314: {  	[sflag:s8] =	ssyncset.done $0x0  }
0x315: {  	[sflag:s8] =	ssyncadd.s32 $0xFFFFF000  }
0x316: {  	[spmem:s14], [sflag:s29] =	dma.local [hbm:s1], $0x1000  }
0x317: {  	_ =	swait.ge [sflag:s12], $0x1000  }
0x318: {  	s1 =	sld [smem:$0x7F2]  }
0x319: {  	[sflag:s12] =	ssyncset.done $0x0  }
0x31a: {  	[sflag:s12] =	ssyncadd.s32 $0xFFFFF000  }
0x31b: {  	[hbm:s1], [sflag:s26] =	dma.local [spmem:s17], $0x1000  }
0x31c: {  	_ =	swait.ge [sflag:s6], $0x1000  }
0x31d: {  	s1 =	sld [smem:$0x7F3]  }
0x31e: {  	[sflag:s6] =	ssyncset.done $0x0  }
0x31f: {  	[sflag:s6] =	ssyncadd.s32 $0xFFFFF000  }
0x320: {  	[spmem:s17], [sflag:s2] =	dma.local [hbm:s1], $0x1000  }
0x321: {  	_ =	swait.ge [sflag:s10], $0x1000  }
0x322: {  	s1 =	sld [smem:$0x7F4]  }
0x323: {  	[sflag:s10] =	ssyncset.done $0x0  }
0x324: {  	[sflag:s10] =	ssyncadd.s32 $0xFFFFF000  }
0x325: {  	[hbm:s1], [sflag:s28] =	dma.local [spmem:s5], $0x1000  }
0x326: {  	_ =	swait.ge [sflag:s4], $0x1000  }
0x327: {  	s1 =	sld [smem:$0x7F5]  }
0x328: {  	[sflag:s4] =	ssyncset.done $0x0  }
0x329: {  	[sflag:s4] =	ssyncadd.s32 $0xFFFFF000  }
0x32a: {  	[spmem:s5], [sflag:s0] =	dma.local [hbm:s1], $0x1000  }
0x32b: {  	_ =	swait.ge [sflag:s18], $0x1000  }
0x32c: {  	s1 =	sld [smem:$0x7F6]  }
0x32d: {  	[sflag:s18] =	ssyncset.done $0x0  }
0x32e: {  	[sflag:s18] =	ssyncadd.s32 $0xFFFFF000  }
0x32f: {  	[hbm:s1], [sflag:s25] =	dma.local [spmem:s14], $0x1000  }
0x330: {  	_ =	swait.ge [sflag:s8], $0x1000  }
0x331: {  	s1 =	sld [smem:$0x7F7]  }
0x332: {  	[sflag:s8] =	ssyncset.done $0x0  }
0x333: {  	[sflag:s8] =	ssyncadd.s32 $0xFFFFF000  }
0x334: {  	[spmem:s14], [sflag:s29] =	dma.local [hbm:s1], $0x1000  }
0x335: {  	_ =	swait.ge [sflag:s12], $0x1000  }
0x336: {  	s1 =	sld [smem:$0x7F8]  }
0x337: {  	[sflag:s12] =	ssyncset.done $0x0  }
0x338: {  	[sflag:s12] =	ssyncadd.s32 $0xFFFFF000  }
0x339: {  	[hbm:s1], [sflag:s26] =	dma.local [spmem:s17], $0x1000  }
0x33a: {  	_ =	swait.ge [sflag:s6], $0x1000  }
0x33b: {  	s1 =	sld [smem:$0x7F9]  }
0x33c: {  	[sflag:s6] =	ssyncset.done $0x0  }
0x33d: {  	[sflag:s6] =	ssyncadd.s32 $0xFFFFF000  }
0x33e: {  	[spmem:s17], [sflag:s2] =	dma.local [hbm:s1], $0x1000  }
0x33f: {  	_ =	swait.ge [sflag:s10], $0x1000  }
0x340: {  	s1 =	sld [smem:$0x7FA]  }
0x341: {  	[sflag:s10] =	ssyncset.done $0x0  }
0x342: {  	[sflag:s10] =	ssyncadd.s32 $0xFFFFF000  }
0x343: {  	[hbm:s1], [sflag:s28] =	dma.local [spmem:s5], $0x1000  }
0x344: {  	_ =	swait.ge [sflag:s4], $0x1000  }
0x345: {  	s1 =	sld [smem:$0x7FB]  }
0x346: {  	[sflag:s4] =	ssyncset.done $0x0  }
0x347: {  	[sflag:s4] =	ssyncadd.s32 $0xFFFFF000  }
0x348: {  	[spmem:s5], [sflag:s0] =	dma.local [hbm:s1], $0x1000  }
0x349: {  	_ =	swait.ge [sflag:s18], $0x1000  }
0x34a: {  	s1 =	sld [smem:$0x7FC]  }
0x34b: {  	[sflag:s18] =	ssyncset.done $0x0  }
0x34c: {  	[sflag:s18] =	ssyncadd.s32 $0xFFFFF000  }
0x34d: {  	[hbm:s1], [sflag:s25] =	dma.local [spmem:s14], $0x1000  }
0x34e: {  	_ =	swait.ge [sflag:s8], $0x1000  }
0x34f: {  	s1 =	sld [smem:$0x7FD]  }
0x350: {  	[sflag:s8] =	ssyncset.done $0x0  }
0x351: {  	[sflag:s8] =	ssyncadd.s32 $0xFFFFF000  }
0x352: {  	[spmem:s14], [sflag:s29] =	dma.local [hbm:s1], $0x1000  }
0x353: {  	_ =	swait.ge [sflag:s12], $0x1000  }
0x354: {  	[sflag:s12] =	ssyncset.done $0x0  }
0x355: {  	[sflag:s12] =	ssyncadd.s32 $0xFFFFF000  }
0x356: {  	[hbm:s24], [sflag:s26] =	dma.local [spmem:s17], $0x1000  }
0x357: {  	_ =	swait.ge [sflag:s6], $0x1000  }
0x358: {  	[sflag:s6] =	ssyncset.done $0x0  }
0x359: {  	[sflag:s6] =	ssyncadd.s32 $0xFFFFF000  }
0x35a: {  	[spmem:s17], [sflag:s2] =	dma.local [hbm:s23], $0x1000  }
0x35b: {  	_ =	swait.ge [sflag:s10], $0x1000  }
0x35c: {  	[sflag:s10] =	ssyncset.done $0x0  }
0x35d: {  	[sflag:s10] =	ssyncadd.s32 $0xFFFFF000  }
0x35e: {  	[hbm:s22], [sflag:s28] =	dma.local [spmem:s5], $0x1000  }
0x35f: {  	_ =	swait.ge [sflag:s4], $0x1000  }
0x360: {  	[sflag:s4] =	ssyncset.done $0x0  }
0x361: {  	[sflag:s4] =	ssyncadd.s32 $0xFFFFF000  }
0x362: {  	[spmem:s5], [sflag:s0] =	dma.local [hbm:s21], $0x1000  }
0x363: {  	_ =	swait.ge [sflag:s18], $0x1000  }
0x364: {  	[sflag:s18] =	ssyncset.done $0x0  }
0x365: {  	[sflag:s18] =	ssyncadd.s32 $0xFFFFF000  }
0x366: {  	[hbm:s20], [sflag:s25] =	dma.local [spmem:s14], $0x1000  }
0x367: {  	_ =	swait.ge [sflag:s8], $0x1000  }
0x368: {  	[sflag:s8] =	ssyncset.done $0x0  }
0x369: {  	[sflag:s8] =	ssyncadd.s32 $0xFFFFF000  }
0x36a: {  	[spmem:s14], [sflag:s29] =	dma.local [hbm:s19], $0x1000  }
0x36b: {  	_ =	swait.ge [sflag:s12], $0x1000  }
0x36c: {  	[sflag:s12] =	ssyncset.done $0x0  }
0x36d: {  	[sflag:s12] =	ssyncadd.s32 $0xFFFFF000  }
0x36e: {  	[hbm:s16], [sflag:s26] =	dma.local [spmem:s17], $0x1000  }
0x36f: {  	_ =	swait.ge [sflag:s6], $0x1000  }
0x370: {  	[sflag:s6] =	ssyncset.done $0x0  }
0x371: {  	[sflag:s6] =	ssyncadd.s32 $0xFFFFF000  }
0x372: {  	[spmem:s17], [sflag:s2] =	dma.local [hbm:s15], $0x1000  }
0x373: {  	_ =	swait.ge [sflag:s10], $0x1000  }
0x374: {  	[sflag:s10] =	ssyncset.done $0x0  }
0x375: {  	[sflag:s10] =	ssyncadd.s32 $0xFFFFF000  }
0x376: {  	[hbm:s13], [sflag:s28] =	dma.local [spmem:s5], $0x1000  }
0x377: {  	_ =	swait.ge [sflag:s4], $0x1000  }
0x378: {  	[sflag:s4] =	ssyncset.done $0x0  }
0x379: {  	[sflag:s4] =	ssyncadd.s32 $0xFFFFF000  }
0x37a: {  	[spmem:s5], [sflag:s0] =	dma.local [hbm:s11], $0x1000  }
0x37b: {  	_ =	swait.ge [sflag:s18], $0x1000  }
0x37c: {  	[sflag:s18] =	ssyncset.done $0x0  }
0x37d: {  	[sflag:s18] =	ssyncadd.s32 $0xFFFFF000  }
0x37e: {  	[hbm:s9], [sflag:s25] =	dma.local [spmem:s14], $0x1000  }
0x37f: {  	_ =	swait.ge [sflag:s12], $0x1000  }
0x380: {  	[sflag:s12] =	ssyncset.done $0x0  }
0x381: {  	[sflag:s12] =	ssyncadd.s32 $0xFFFFF000  }
0x382: {  	[hbm:s7], [sflag:s26] =	dma.local [spmem:s17], $0x1000  }
0x383: {  	_ =	swait.ge [sflag:s10], $0x1000  }
0x384: {  	[sflag:s10] =	ssyncset.done $0x0  }
0x385: {  	[sflag:s10] =	ssyncadd.s32 $0xFFFFF000  }
0x386: {  	[hbm:s3], [sflag:s28] =	dma.local [spmem:s5], $0x1000  }
0x387: {  	_ =	swait.ge [sflag:s6], $0x1000  }
0x388: {  	[sflag:s6] =	ssyncset.done $0x0  }
0x389: {  	[sflag:s6] =	ssyncadd.s32 $0xFFFFF000  }
0x38a: {  	_ =	swait.ge [sflag:s4], $0x1000  }
0x38b: {  	[sflag:s4] =	ssyncset.done $0x0  }
0x38c: {  	[sflag:s4] =	ssyncadd.s32 $0xFFFFF000  }
0x38d: {  	_ =	swait.ge [sflag:s8], $0x1000  }
0x38e: {  	[sflag:s8] =	ssyncset.done $0x0  }
0x38f: {  	[sflag:s8] =	ssyncadd.s32 $0xFFFFF000  }
0x390: {  	_ =	sfence.sel $0x180000  }
0x391: {  	[bflag:$0x0] =	sbarrier.arrive $0xFFFF  }
0x392: {  	p0 =	sne.s32 s31, $0x0;
	_ =	strace $0x90000047  }
0x393: {  	s0 =	sadd.s32 @!p0 $0x100000, s30;
	[bflag:$0x2] =	sbarrier.arrive $0xFFFF  }
0x394: {  	[sflag:s0] =	ssyncadd.tile.s32 @!p0 $0x1;
	_ =	shalt  }
.LBB2_2:
.Ltmp3:
0x395: {  	(pc) =	sbr.rel .LBB2_5-.Ltmp3, $2  }
0x396: {  	_ =	sdelay $0x2  }
0x397: {  	s30 =	rddreg [dreg:$0x3];
	s31 =	stileid.u32  }
.Lfunc_end2:
_tile_overlayer_lowered:
.L_overlay_start_2:
0x398: {  	(tag) =	ssettag $0x2  }
0x399: {  	s0 =	rddreg [dreg:$0x0];
	s2 =	stileid.u32  }
0x39a: {  	s1 =	rddreg [dreg:$0x1];
	p0 =	sne.s32 s2, $0x0  }
0x39b: {  	s3 =	rddreg [dreg:$0x2];
	[bflag:$0x3] =	sbarrier.arrive $0xFFFF;
	s2 =	simm.s32 @!p0 $0x1C07  }
0x39c: {  	[timem:s3], [sflag:s2] =	dma.local @!p0 [hbm:s0], s1  }
0x39d: {  	s0 =	simm.s32 @!p0 $0x7  }
0x39e: {  	_ =	swait.ge @!p0 [sflag:s0], s1  }
0x39f: {  	s1 =	ssub.s32 @!p0 $0x0, s1;
	[sflag:s0] =	ssyncset.done @!p0 $0x0  }
0x3a0: {  	[sflag:s0] =	ssyncadd.s32 @!p0 s1  }
0x3a1: {  	[bflag:$0x3] =	sbarrier.arrive $0xFFFF  }
0x3a2: {  	_ =	shalt  }

</sc_bundles>
